<compile_context>
chip_gen: v7x
topology: tpu7x:2x2x1
jax: 0.10.2.dev20260603
libtpu: 0.0.44.dev20260713+nightly
codegen_flags: <defaults>
</compile_context>

<pallas_src>
import functools

import jax
import jax.numpy as jnp
from jax import lax
from jax.experimental import pallas as pl
from jax.experimental.pallas import tpu as pltpu
from jax.experimental.pallas import tpu_sc as plsc

B = 4096
L = 200
D = 64
SCALE = 8.0
PAD = 128
VOCAB = 1000000
_PITCH = 133


def kernel(x, table, pos_encoding):
    info = plsc.get_sparse_core_info()
    nc, ns = info.num_cores, info.num_subcores
    nw = nc * ns
    b_per_w = B // nw

    mesh = plsc.VectorSubcoreMesh(core_axis_name="c", subcore_axis_name="s")

    @functools.partial(
        pl.kernel,
        mesh=mesh,
        out_type=jax.ShapeDtypeStruct((L, 8, nw, 8, 128), jnp.float32),
        scratch_types=[
            pltpu.VMEM((L, b_per_w), jnp.int32),
            pltpu.VMEM((L, D), jnp.float32),
            pltpu.VMEM((4, b_per_w, PAD), jnp.float32),
            pltpu.VMEM((2, 8, 8, _PITCH), jnp.float32),
            [pltpu.SemaphoreType.DMA] * 4,
            [pltpu.SemaphoreType.DMA] * 2,
        ],
        compiler_params=pltpu.CompilerParams(
            use_tc_tiling_on_sc=False, needs_layout_passes=False
        ),
    )
    def sc_kernel(xt_hbm, pos_hbm, t128_hbm, out_hbm,
                  idx_v, pos_v, emb_v, out_v, gsems, osems):
        wid = lax.axis_index("s") * nc + lax.axis_index("c")
        b0 = wid * b_per_w

        pltpu.sync_copy(xt_hbm.at[:, pl.ds(b0, b_per_w)], idx_v)
        pltpu.sync_copy(pos_hbm, pos_v)

        iota = lax.iota(jnp.int32, 16)
        dt_idx = [iota // 8 + 2 * j for j in range(D // 16)]
        di_idx = iota % 8

        def start_gather(l, eb):
            pltpu.async_copy(
                t128_hbm.at[idx_v.at[l]], emb_v.at[eb], gsems[eb]
            )

        def wait_gather(eb):
            pltpu.make_async_copy(
                t128_hbm.at[idx_v.at[0]], emb_v.at[eb], gsems[eb]
            ).wait()

        def start_store(l, ob):
            pltpu.async_copy(
                out_v.at[ob, :, :, pl.ds(0, b_per_w)],
                out_hbm.at[l, :, wid], osems[ob]
            )

        def wait_store(ob):
            pltpu.make_async_copy(
                out_v.at[ob, :, :, pl.ds(0, b_per_w)],
                out_hbm.at[0, :, wid], osems[ob]
            ).wait()

        def compute(l, eb, ob):
            pv = [pos_v[l, pl.ds(16 * j, 16)] for j in range(D // 16)]

            @plsc.parallel_loop(0, b_per_w, step=1, unroll=8)
            def row_body(r):
                b_col = jnp.full((16,), r, jnp.int32)
                for j in range(D // 16):
                    e = emb_v[eb, r, pl.ds(16 * j, 16)]
                    plsc.store_scatter(
                        out_v.at[ob], [dt_idx[j], di_idx, b_col],
                        e * SCALE + pv[j],
                    )

        for b in range(4):
            start_gather(b, b)

        def quad_body(k, carry):
            for u in range(4):
                l = k * 4 + u
                wait_gather(u)

                @pl.when(l >= 2)
                def _():
                    wait_store(u % 2)

                compute(l, u, u % 2)
                start_store(l, u % 2)

                @pl.when(l + 4 < L)
                def _():
                    start_gather(l + 4, u)
            return carry

        lax.fori_loop(0, L // 4, quad_body, 0)
        wait_store(0)
        wait_store(1)

    xt = x.T
    t128 = jnp.pad(table, ((0, 0), (0, PAD - D)))
    out5 = sc_kernel(xt, pos_encoding, t128)
    return out5.transpose(2, 4, 0, 1, 3).reshape(B, L, D)

# --- scband reference (transcript-rebuilt; emitter-appended) ---
"""Pipeline reference for scband-text-input-adapter-10943576670685 (READ-ONLY COPY).

The authoritative reference and input builder live on the scoring server;
editing this copy changes nothing except your own understanding.
"""

import jax, jax.numpy as jnp
import numpy as np
import math

VOCAB = 1000000
MAX_SEQ_LEN = 200
D = 64
B = 4096
L = 200

def setup_inputs(seed: int = 0) -> dict:
    key = jax.random.key(seed)
    k1, k2, k3 = jax.random.split(key, 3)
    x = jax.random.randint(k1, (B, L), 0, VOCAB, dtype=jnp.int64) if jax.config.jax_enable_x64 else jax.random.randint(k1, (B, L), 0, VOCAB, dtype=jnp.int32)
    table = jax.random.uniform(k2, (VOCAB, D), dtype=jnp.float32, minval=-0.1, maxval=0.1)
    pos_encoding = jax.random.uniform(k3, (MAX_SEQ_LEN, D), dtype=jnp.float32, minval=-0.5, maxval=0.5)
    return {"x": x, "table": table, "pos_encoding": pos_encoding}

def reference(x, table, pos_encoding):
    b, l = x.shape
    scale = math.sqrt(D)
    emb = jnp.take(table, x, axis=0)  # [B, L, D]
    p_enc = jnp.broadcast_to(pos_encoding[:l][None, :, :], (b, l, D))
    return emb * scale + p_enc

if __name__ == "__main__":
    import jax
    _d = setup_inputs()
    print(jax.jit(kernel)(*tuple(_d.values())))

</pallas_src>

<mosaic_0001>
#map = affine_map<(d0, d1) -> (0, 0)>
#map1 = affine_map<(d0, d1) -> (0, 0, 0, 0, 0)>
module attributes {stable_mosaic.version = 14 : i64} {
  func.func @sc_kernel(%arg0: i32, %arg1: i32, %arg2: memref<200x4096xi32, #tpu.memory_space<hbm>>, %arg3: memref<200x64xf32, #tpu.memory_space<hbm>>, %arg4: memref<1000000x128xf32, #tpu.memory_space<hbm>>, %arg5: memref<200x8x32x8x128xf32, #tpu.memory_space<hbm>>, %arg6: memref<200x128xi32, #tpu.memory_space<vmem>>, %arg7: memref<200x64xf32, #tpu.memory_space<vmem>>, %arg8: memref<4x128x128xf32, #tpu.memory_space<vmem>>, %arg9: memref<2x8x8x133xf32, #tpu.memory_space<vmem>>, %arg10: memref<!tpu.dma_semaphore, #tpu.memory_space<semaphore_mem>>, %arg11: memref<!tpu.dma_semaphore, #tpu.memory_space<semaphore_mem>>, %arg12: memref<!tpu.dma_semaphore, #tpu.memory_space<semaphore_mem>>, %arg13: memref<!tpu.dma_semaphore, #tpu.memory_space<semaphore_mem>>, %arg14: memref<!tpu.dma_semaphore, #tpu.memory_space<semaphore_mem>>, %arg15: memref<!tpu.dma_semaphore, #tpu.memory_space<semaphore_mem>>) attributes {dimension_semantics = [#tpu.dimension_semantics<core_parallel>, #tpu.dimension_semantics<subcore_parallel>], iteration_bounds = array<i64: 2, 16>, scalar_prefetch = 0 : i64, scratch_operands = 10 : i64, tpu.core_type = #tpu.core_type<sc_vector_subcore>, window_params = [{transform_indices = #map}, {transform_indices = #map}, {transform_indices = #map}, {transform_indices = #map1}]} {
    %mul3A = arith.constant 2 : i32
    %mul3A_0 = arith.muli %arg1, %mul3A : i32
    %add3A = arith.addi %mul3A_0, %arg0 : i32
    %mul3A_1 = arith.constant 128 : i32
    %mul3A_2 = arith.muli %add3A, %mul3A_1 : i32
    "tpu.region"() ({
      %run_scoped3A = tpu.sem_alloc : memref<!tpu.dma_semaphore, #tpu.memory_space<semaphore_mem>>
      %dma_start3A_246 = arith.constant 0 : i32
      %dma_start3A_247 = tpu.memref_slice %arg2[%dma_start3A_246, %mul3A_2] : memref<200x4096xi32, #tpu.memory_space<hbm>> -> memref<200x128xi32, #tpu.memory_space<hbm>>
      %dma_start3A_248 = arith.constant 0 : i32
      %dma_start3A_249 = tpu.memref_slice %arg2[%dma_start3A_248, %mul3A_2] : memref<200x4096xi32, #tpu.memory_space<hbm>> -> memref<200x128xi32, #tpu.memory_space<hbm>>
      tpu.enqueue_dma source(%dma_start3A_249 : memref<200x128xi32, #tpu.memory_space<hbm>>) target(%arg6 : memref<200x128xi32, #tpu.memory_space<vmem>>) target_semaphore(%run_scoped3A : memref<!tpu.dma_semaphore, #tpu.memory_space<semaphore_mem>>)
      %dma_wait3A_250 = arith.constant 0 : i32
      %dma_wait3A_251 = tpu.memref_slice %arg2[%dma_wait3A_250, %mul3A_2] : memref<200x4096xi32, #tpu.memory_space<hbm>> -> memref<200x128xi32, #tpu.memory_space<hbm>>
      %dma_wait3A_252 = arith.constant 0 : i32
      %dma_wait3A_253 = tpu.memref_slice %arg2[%dma_wait3A_252, %mul3A_2] : memref<200x4096xi32, #tpu.memory_space<hbm>> -> memref<200x128xi32, #tpu.memory_space<hbm>>
      tpu.wait_dma2 semaphore(%run_scoped3A : memref<!tpu.dma_semaphore, #tpu.memory_space<semaphore_mem>>) src(%dma_wait3A_253 : memref<200x128xi32, #tpu.memory_space<hbm>>) dst(%arg6 : memref<200x128xi32, #tpu.memory_space<vmem>>)
      tpu.yield
    }) : () -> ()
    "tpu.region"() ({
      %run_scoped3A = tpu.sem_alloc : memref<!tpu.dma_semaphore, #tpu.memory_space<semaphore_mem>>
      tpu.enqueue_dma source(%arg3 : memref<200x64xf32, #tpu.memory_space<hbm>>) target(%arg7 : memref<200x64xf32, #tpu.memory_space<vmem>>) target_semaphore(%run_scoped3A : memref<!tpu.dma_semaphore, #tpu.memory_space<semaphore_mem>>)
      tpu.wait_dma2 semaphore(%run_scoped3A : memref<!tpu.dma_semaphore, #tpu.memory_space<semaphore_mem>>) src(%arg3 : memref<200x64xf32, #tpu.memory_space<hbm>>) dst(%arg7 : memref<200x64xf32, #tpu.memory_space<vmem>>)
      tpu.yield
    }) : () -> ()
    %iota3A = tpu.iota {dimensions = array<i32: 0>} : vector<16xi32>
    %jit3A = arith.constant 8 : i32
    %div3A = vector.broadcast %jit3A : i32 to vector<16xi32>
    %div3A_3 = arith.divsi %iota3A, %div3A : vector<16xi32>
    %sign3A = arith.constant 0 : i32
    %sign3A_4 = vector.broadcast %sign3A : i32 to vector<16xi32>
    %sign3A_5 = arith.cmpi sgt, %iota3A, %sign3A_4 : vector<16xi32>
    %sign3A_6 = arith.extui %sign3A_5 : vector<16xi1> to vector<16xi32>
    %sign3A_7 = arith.constant 0 : i32
    %sign3A_8 = vector.broadcast %sign3A_7 : i32 to vector<16xi32>
    %sign3A_9 = arith.cmpi slt, %iota3A, %sign3A_8 : vector<16xi32>
    %sign3A_10 = arith.extui %sign3A_9 : vector<16xi1> to vector<16xi32>
    %sign3A_11 = arith.subi %sign3A_6, %sign3A_10 : vector<16xi32>
    %sign3A_12 = arith.constant 0 : i32
    %sign3A_13 = arith.cmpi sgt, %jit3A, %sign3A_12 : i32
    %sign3A_14 = arith.extui %sign3A_13 : i1 to i32
    %sign3A_15 = arith.constant 0 : i32
    %sign3A_16 = arith.cmpi slt, %jit3A, %sign3A_15 : i32
    %sign3A_17 = arith.extui %sign3A_16 : i1 to i32
    %sign3A_18 = arith.subi %sign3A_14, %sign3A_17 : i32
    %ne3A = vector.broadcast %sign3A_18 : i32 to vector<16xi32>
    %ne3A_19 = arith.cmpi ne, %sign3A_11, %ne3A : vector<16xi32>
    %rem3A = vector.broadcast %jit3A : i32 to vector<16xi32>
    %rem3A_20 = arith.remsi %iota3A, %rem3A : vector<16xi32>
    %ne3A_21 = arith.constant 0 : i32
    %ne3A_22 = vector.broadcast %ne3A_21 : i32 to vector<16xi32>
    %ne3A_23 = arith.cmpi ne, %rem3A_20, %ne3A_22 : vector<16xi32>
    %and3A = arith.andi %ne3A_19, %ne3A_23 : vector<16xi1>
    %sub3A = arith.constant 1 : i32
    %sub3A_24 = vector.broadcast %sub3A : i32 to vector<16xi32>
    %sub3A_25 = arith.subi %div3A_3, %sub3A_24 : vector<16xi32>
    %select_n3A = arith.select %and3A, %sub3A_25, %div3A_3 : vector<16xi1>, vector<16xi32>
    %add3A_26 = arith.constant 0 : i32
    %add3A_27 = vector.broadcast %add3A_26 : i32 to vector<16xi32>
    %add3A_28 = arith.addi %select_n3A, %add3A_27 : vector<16xi32>
    %jit3A_29 = arith.constant 8 : i32
    %div3A_30 = vector.broadcast %jit3A_29 : i32 to vector<16xi32>
    %div3A_31 = arith.divsi %iota3A, %div3A_30 : vector<16xi32>
    %sign3A_32 = arith.constant 0 : i32
    %sign3A_33 = vector.broadcast %sign3A_32 : i32 to vector<16xi32>
    %sign3A_34 = arith.cmpi sgt, %iota3A, %sign3A_33 : vector<16xi32>
    %sign3A_35 = arith.extui %sign3A_34 : vector<16xi1> to vector<16xi32>
    %sign3A_36 = arith.constant 0 : i32
    %sign3A_37 = vector.broadcast %sign3A_36 : i32 to vector<16xi32>
    %sign3A_38 = arith.cmpi slt, %iota3A, %sign3A_37 : vector<16xi32>
    %sign3A_39 = arith.extui %sign3A_38 : vector<16xi1> to vector<16xi32>
    %sign3A_40 = arith.subi %sign3A_35, %sign3A_39 : vector<16xi32>
    %sign3A_41 = arith.constant 0 : i32
    %sign3A_42 = arith.cmpi sgt, %jit3A_29, %sign3A_41 : i32
    %sign3A_43 = arith.extui %sign3A_42 : i1 to i32
    %sign3A_44 = arith.constant 0 : i32
    %sign3A_45 = arith.cmpi slt, %jit3A_29, %sign3A_44 : i32
    %sign3A_46 = arith.extui %sign3A_45 : i1 to i32
    %sign3A_47 = arith.subi %sign3A_43, %sign3A_46 : i32
    %ne3A_48 = vector.broadcast %sign3A_47 : i32 to vector<16xi32>
    %ne3A_49 = arith.cmpi ne, %sign3A_40, %ne3A_48 : vector<16xi32>
    %rem3A_50 = vector.broadcast %jit3A_29 : i32 to vector<16xi32>
    %rem3A_51 = arith.remsi %iota3A, %rem3A_50 : vector<16xi32>
    %ne3A_52 = arith.constant 0 : i32
    %ne3A_53 = vector.broadcast %ne3A_52 : i32 to vector<16xi32>
    %ne3A_54 = arith.cmpi ne, %rem3A_51, %ne3A_53 : vector<16xi32>
    %and3A_55 = arith.andi %ne3A_49, %ne3A_54 : vector<16xi1>
    %sub3A_56 = arith.constant 1 : i32
    %sub3A_57 = vector.broadcast %sub3A_56 : i32 to vector<16xi32>
    %sub3A_58 = arith.subi %div3A_31, %sub3A_57 : vector<16xi32>
    %select_n3A_59 = arith.select %and3A_55, %sub3A_58, %div3A_31 : vector<16xi1>, vector<16xi32>
    %add3A_60 = arith.constant 2 : i32
    %add3A_61 = vector.broadcast %add3A_60 : i32 to vector<16xi32>
    %add3A_62 = arith.addi %select_n3A_59, %add3A_61 : vector<16xi32>
    %jit3A_63 = arith.constant 8 : i32
    %div3A_64 = vector.broadcast %jit3A_63 : i32 to vector<16xi32>
    %div3A_65 = arith.divsi %iota3A, %div3A_64 : vector<16xi32>
    %sign3A_66 = arith.constant 0 : i32
    %sign3A_67 = vector.broadcast %sign3A_66 : i32 to vector<16xi32>
    %sign3A_68 = arith.cmpi sgt, %iota3A, %sign3A_67 : vector<16xi32>
    %sign3A_69 = arith.extui %sign3A_68 : vector<16xi1> to vector<16xi32>
    %sign3A_70 = arith.constant 0 : i32
    %sign3A_71 = vector.broadcast %sign3A_70 : i32 to vector<16xi32>
    %sign3A_72 = arith.cmpi slt, %iota3A, %sign3A_71 : vector<16xi32>
    %sign3A_73 = arith.extui %sign3A_72 : vector<16xi1> to vector<16xi32>
    %sign3A_74 = arith.subi %sign3A_69, %sign3A_73 : vector<16xi32>
    %sign3A_75 = arith.constant 0 : i32
    %sign3A_76 = arith.cmpi sgt, %jit3A_63, %sign3A_75 : i32
    %sign3A_77 = arith.extui %sign3A_76 : i1 to i32
    %sign3A_78 = arith.constant 0 : i32
    %sign3A_79 = arith.cmpi slt, %jit3A_63, %sign3A_78 : i32
    %sign3A_80 = arith.extui %sign3A_79 : i1 to i32
    %sign3A_81 = arith.subi %sign3A_77, %sign3A_80 : i32
    %ne3A_82 = vector.broadcast %sign3A_81 : i32 to vector<16xi32>
    %ne3A_83 = arith.cmpi ne, %sign3A_74, %ne3A_82 : vector<16xi32>
    %rem3A_84 = vector.broadcast %jit3A_63 : i32 to vector<16xi32>
    %rem3A_85 = arith.remsi %iota3A, %rem3A_84 : vector<16xi32>
    %ne3A_86 = arith.constant 0 : i32
    %ne3A_87 = vector.broadcast %ne3A_86 : i32 to vector<16xi32>
    %ne3A_88 = arith.cmpi ne, %rem3A_85, %ne3A_87 : vector<16xi32>
    %and3A_89 = arith.andi %ne3A_83, %ne3A_88 : vector<16xi1>
    %sub3A_90 = arith.constant 1 : i32
    %sub3A_91 = vector.broadcast %sub3A_90 : i32 to vector<16xi32>
    %sub3A_92 = arith.subi %div3A_65, %sub3A_91 : vector<16xi32>
    %select_n3A_93 = arith.select %and3A_89, %sub3A_92, %div3A_65 : vector<16xi1>, vector<16xi32>
    %add3A_94 = arith.constant 4 : i32
    %add3A_95 = vector.broadcast %add3A_94 : i32 to vector<16xi32>
    %add3A_96 = arith.addi %select_n3A_93, %add3A_95 : vector<16xi32>
    %jit3A_97 = arith.constant 8 : i32
    %div3A_98 = vector.broadcast %jit3A_97 : i32 to vector<16xi32>
    %div3A_99 = arith.divsi %iota3A, %div3A_98 : vector<16xi32>
    %sign3A_100 = arith.constant 0 : i32
    %sign3A_101 = vector.broadcast %sign3A_100 : i32 to vector<16xi32>
    %sign3A_102 = arith.cmpi sgt, %iota3A, %sign3A_101 : vector<16xi32>
    %sign3A_103 = arith.extui %sign3A_102 : vector<16xi1> to vector<16xi32>
    %sign3A_104 = arith.constant 0 : i32
    %sign3A_105 = vector.broadcast %sign3A_104 : i32 to vector<16xi32>
    %sign3A_106 = arith.cmpi slt, %iota3A, %sign3A_105 : vector<16xi32>
    %sign3A_107 = arith.extui %sign3A_106 : vector<16xi1> to vector<16xi32>
    %sign3A_108 = arith.subi %sign3A_103, %sign3A_107 : vector<16xi32>
    %sign3A_109 = arith.constant 0 : i32
    %sign3A_110 = arith.cmpi sgt, %jit3A_97, %sign3A_109 : i32
    %sign3A_111 = arith.extui %sign3A_110 : i1 to i32
    %sign3A_112 = arith.constant 0 : i32
    %sign3A_113 = arith.cmpi slt, %jit3A_97, %sign3A_112 : i32
    %sign3A_114 = arith.extui %sign3A_113 : i1 to i32
    %sign3A_115 = arith.subi %sign3A_111, %sign3A_114 : i32
    %ne3A_116 = vector.broadcast %sign3A_115 : i32 to vector<16xi32>
    %ne3A_117 = arith.cmpi ne, %sign3A_108, %ne3A_116 : vector<16xi32>
    %rem3A_118 = vector.broadcast %jit3A_97 : i32 to vector<16xi32>
    %rem3A_119 = arith.remsi %iota3A, %rem3A_118 : vector<16xi32>
    %ne3A_120 = arith.constant 0 : i32
    %ne3A_121 = vector.broadcast %ne3A_120 : i32 to vector<16xi32>
    %ne3A_122 = arith.cmpi ne, %rem3A_119, %ne3A_121 : vector<16xi32>
    %and3A_123 = arith.andi %ne3A_117, %ne3A_122 : vector<16xi1>
    %sub3A_124 = arith.constant 1 : i32
    %sub3A_125 = vector.broadcast %sub3A_124 : i32 to vector<16xi32>
    %sub3A_126 = arith.subi %div3A_99, %sub3A_125 : vector<16xi32>
    %select_n3A_127 = arith.select %and3A_123, %sub3A_126, %div3A_99 : vector<16xi1>, vector<16xi32>
    %add3A_128 = arith.constant 6 : i32
    %add3A_129 = vector.broadcast %add3A_128 : i32 to vector<16xi32>
    %add3A_130 = arith.addi %select_n3A_127, %add3A_129 : vector<16xi32>
    %jit3A_131 = arith.constant 8 : i32
    %eq3A = arith.constant 0 : i32
    %eq3A_132 = arith.cmpi eq, %jit3A_131, %eq3A : i32
    %jit3A_133 = arith.constant 1 : i32
    %select_n3A_134 = arith.select %eq3A_132, %jit3A_133, %jit3A_131 : i32
    %rem3A_135 = vector.broadcast %select_n3A_134 : i32 to vector<16xi32>
    %rem3A_136 = arith.remsi %iota3A, %rem3A_135 : vector<16xi32>
    %ne3A_137 = arith.constant 0 : i32
    %ne3A_138 = vector.broadcast %ne3A_137 : i32 to vector<16xi32>
    %ne3A_139 = arith.cmpi ne, %rem3A_136, %ne3A_138 : vector<16xi32>
    %lt3A = arith.constant 0 : i32
    %lt3A_140 = vector.broadcast %lt3A : i32 to vector<16xi32>
    %lt3A_141 = arith.cmpi slt, %rem3A_136, %lt3A_140 : vector<16xi32>
    %lt3A_142 = arith.constant 0 : i32
    %lt3A_143 = arith.cmpi slt, %select_n3A_134, %lt3A_142 : i32
    %ne3A_144 = vector.broadcast %lt3A_143 : i1 to vector<16xi1>
    %ne3A_145 = vector.broadcast %ne3A_144 : vector<16xi1> to vector<16xi1>
    %ne3A_146 = arith.xori %lt3A_141, %ne3A_145 : vector<16xi1>
    %and3A_147 = arith.andi %ne3A_146, %ne3A_139 : vector<16xi1>
    %add3A_148 = vector.broadcast %select_n3A_134 : i32 to vector<16xi32>
    %add3A_149 = arith.addi %rem3A_136, %add3A_148 : vector<16xi32>
    %select_n3A_150 = arith.select %and3A_147, %add3A_149, %rem3A_136 : vector<16xi1>, vector<16xi32>
    %dma_start3A = arith.constant 0 : i32
    %dma_start3A_151 = arith.constant 0 : i32
    %dma_start3A_152 = arith.constant 0 : i32
    %dma_start3A_153 = arith.constant 0 : i32
    %dma_start3A_154 = tpu.memref_slice %arg8[%dma_start3A_151, %dma_start3A_152, %dma_start3A_153] : memref<4x128x128xf32, #tpu.memory_space<vmem>> -> memref<1x128x128xf32, #tpu.memory_space<vmem>>
    %dma_start3A_155 = tpu.memref_squeeze %dma_start3A_154 : memref<1x128x128xf32, #tpu.memory_space<vmem>> -> memref<128x128xf32, #tpu.memory_space<vmem>>
    %dma_start3A_156 = arith.constant 0 : i32
    %dma_start3A_157 = tpu.memref_slice %arg6[%dma_start3A, %dma_start3A_156] : memref<200x128xi32, #tpu.memory_space<vmem>> -> memref<1x128xi32, #tpu.memory_space<vmem>>
    %dma_start3A_158 = tpu.memref_squeeze %dma_start3A_157 : memref<1x128xi32, #tpu.memory_space<vmem>> -> memref<128xi32, #tpu.memory_space<vmem>>
    %dma_start3A_159 = arith.constant 0 : i32
    %dma_start3A_160 = arith.constant 0 : i32
    %dma_start3A_161 = tpu.memref_slice %arg4[%dma_start3A_159, %dma_start3A_160] : memref<1000000x128xf32, #tpu.memory_space<hbm>> -> memref<1000000x128xf32, #tpu.memory_space<hbm>>
    tpu.enqueue_indirect_dma source(%dma_start3A_161 : memref<1000000x128xf32, #tpu.memory_space<hbm>>) target(%dma_start3A_155 : memref<128x128xf32, #tpu.memory_space<vmem>>) offsets(%dma_start3A_158 : memref<128xi32, #tpu.memory_space<vmem>>) semaphore(%arg10 : memref<!tpu.dma_semaphore, #tpu.memory_space<semaphore_mem>>)
    %dma_start3A_162 = arith.constant 1 : i32
    %dma_start3A_163 = arith.constant 1 : i32
    %dma_start3A_164 = arith.constant 0 : i32
    %dma_start3A_165 = arith.constant 0 : i32
    %dma_start3A_166 = tpu.memref_slice %arg8[%dma_start3A_163, %dma_start3A_164, %dma_start3A_165] : memref<4x128x128xf32, #tpu.memory_space<vmem>> -> memref<1x128x128xf32, #tpu.memory_space<vmem>>
    %dma_start3A_167 = tpu.memref_squeeze %dma_start3A_166 : memref<1x128x128xf32, #tpu.memory_space<vmem>> -> memref<128x128xf32, #tpu.memory_space<vmem>>
    %dma_start3A_168 = arith.constant 0 : i32
    %dma_start3A_169 = tpu.memref_slice %arg6[%dma_start3A_162, %dma_start3A_168] : memref<200x128xi32, #tpu.memory_space<vmem>> -> memref<1x128xi32, #tpu.memory_space<vmem>>
    %dma_start3A_170 = tpu.memref_squeeze %dma_start3A_169 : memref<1x128xi32, #tpu.memory_space<vmem>> -> memref<128xi32, #tpu.memory_space<vmem>>
    %dma_start3A_171 = arith.constant 0 : i32
    %dma_start3A_172 = arith.constant 0 : i32
    %dma_start3A_173 = tpu.memref_slice %arg4[%dma_start3A_171, %dma_start3A_172] : memref<1000000x128xf32, #tpu.memory_space<hbm>> -> memref<1000000x128xf32, #tpu.memory_space<hbm>>
    tpu.enqueue_indirect_dma source(%dma_start3A_173 : memref<1000000x128xf32, #tpu.memory_space<hbm>>) target(%dma_start3A_167 : memref<128x128xf32, #tpu.memory_space<vmem>>) offsets(%dma_start3A_170 : memref<128xi32, #tpu.memory_space<vmem>>) semaphore(%arg11 : memref<!tpu.dma_semaphore, #tpu.memory_space<semaphore_mem>>)
    %dma_start3A_174 = arith.constant 2 : i32
    %dma_start3A_175 = arith.constant 2 : i32
    %dma_start3A_176 = arith.constant 0 : i32
    %dma_start3A_177 = arith.constant 0 : i32
    %dma_start3A_178 = tpu.memref_slice %arg8[%dma_start3A_175, %dma_start3A_176, %dma_start3A_177] : memref<4x128x128xf32, #tpu.memory_space<vmem>> -> memref<1x128x128xf32, #tpu.memory_space<vmem>>
    %dma_start3A_179 = tpu.memref_squeeze %dma_start3A_178 : memref<1x128x128xf32, #tpu.memory_space<vmem>> -> memref<128x128xf32, #tpu.memory_space<vmem>>
    %dma_start3A_180 = arith.constant 0 : i32
    %dma_start3A_181 = tpu.memref_slice %arg6[%dma_start3A_174, %dma_start3A_180] : memref<200x128xi32, #tpu.memory_space<vmem>> -> memref<1x128xi32, #tpu.memory_space<vmem>>
    %dma_start3A_182 = tpu.memref_squeeze %dma_start3A_181 : memref<1x128xi32, #tpu.memory_space<vmem>> -> memref<128xi32, #tpu.memory_space<vmem>>
    %dma_start3A_183 = arith.constant 0 : i32
    %dma_start3A_184 = arith.constant 0 : i32
    %dma_start3A_185 = tpu.memref_slice %arg4[%dma_start3A_183, %dma_start3A_184] : memref<1000000x128xf32, #tpu.memory_space<hbm>> -> memref<1000000x128xf32, #tpu.memory_space<hbm>>
    tpu.enqueue_indirect_dma source(%dma_start3A_185 : memref<1000000x128xf32, #tpu.memory_space<hbm>>) target(%dma_start3A_179 : memref<128x128xf32, #tpu.memory_space<vmem>>) offsets(%dma_start3A_182 : memref<128xi32, #tpu.memory_space<vmem>>) semaphore(%arg12 : memref<!tpu.dma_semaphore, #tpu.memory_space<semaphore_mem>>)
    %dma_start3A_186 = arith.constant 3 : i32
    %dma_start3A_187 = arith.constant 3 : i32
    %dma_start3A_188 = arith.constant 0 : i32
    %dma_start3A_189 = arith.constant 0 : i32
    %dma_start3A_190 = tpu.memref_slice %arg8[%dma_start3A_187, %dma_start3A_188, %dma_start3A_189] : memref<4x128x128xf32, #tpu.memory_space<vmem>> -> memref<1x128x128xf32, #tpu.memory_space<vmem>>
    %dma_start3A_191 = tpu.memref_squeeze %dma_start3A_190 : memref<1x128x128xf32, #tpu.memory_space<vmem>> -> memref<128x128xf32, #tpu.memory_space<vmem>>
    %dma_start3A_192 = arith.constant 0 : i32
    %dma_start3A_193 = tpu.memref_slice %arg6[%dma_start3A_186, %dma_start3A_192] : memref<200x128xi32, #tpu.memory_space<vmem>> -> memref<1x128xi32, #tpu.memory_space<vmem>>
    %dma_start3A_194 = tpu.memref_squeeze %dma_start3A_193 : memref<1x128xi32, #tpu.memory_space<vmem>> -> memref<128xi32, #tpu.memory_space<vmem>>
    %dma_start3A_195 = arith.constant 0 : i32
    %dma_start3A_196 = arith.constant 0 : i32
    %dma_start3A_197 = tpu.memref_slice %arg4[%dma_start3A_195, %dma_start3A_196] : memref<1000000x128xf32, #tpu.memory_space<hbm>> -> memref<1000000x128xf32, #tpu.memory_space<hbm>>
    tpu.enqueue_indirect_dma source(%dma_start3A_197 : memref<1000000x128xf32, #tpu.memory_space<hbm>>) target(%dma_start3A_191 : memref<128x128xf32, #tpu.memory_space<vmem>>) offsets(%dma_start3A_194 : memref<128xi32, #tpu.memory_space<vmem>>) semaphore(%arg13 : memref<!tpu.dma_semaphore, #tpu.memory_space<semaphore_mem>>)
    %scan3A = arith.constant 0 : i32
    %scan3A_198 = arith.constant 0 : i32
    %scan3A_199 = arith.constant 50 : i32
    %scan3A_200 = arith.addi %scan3A_198, %scan3A_199 : i32
    %scan3A_201 = arith.constant 1 : i32
    scf.for %scan3A_246 = %scan3A_198 to %scan3A_200 step %scan3A_201  : i32 {
      %mul3A_247 = arith.constant 4 : i32
      %mul3A_248 = arith.muli %scan3A_246, %mul3A_247 : i32
      %add3A_249 = arith.constant 0 : i32
      %add3A_250 = arith.addi %mul3A_248, %add3A_249 : i32
      %dma_wait3A_251 = arith.constant 0 : i32
      %dma_wait3A_252 = arith.constant 0 : i32
      %dma_wait3A_253 = arith.constant 0 : i32
      %dma_wait3A_254 = arith.constant 0 : i32
      %dma_wait3A_255 = tpu.memref_slice %arg8[%dma_wait3A_252, %dma_wait3A_253, %dma_wait3A_254] : memref<4x128x128xf32, #tpu.memory_space<vmem>> -> memref<1x128x128xf32, #tpu.memory_space<vmem>>
      %dma_wait3A_256 = tpu.memref_squeeze %dma_wait3A_255 : memref<1x128x128xf32, #tpu.memory_space<vmem>> -> memref<128x128xf32, #tpu.memory_space<vmem>>
      %dma_wait3A_257 = arith.constant 0 : i32
      %dma_wait3A_258 = tpu.memref_slice %arg6[%dma_wait3A_251, %dma_wait3A_257] : memref<200x128xi32, #tpu.memory_space<vmem>> -> memref<1x128xi32, #tpu.memory_space<vmem>>
      %dma_wait3A_259 = tpu.memref_squeeze %dma_wait3A_258 : memref<1x128xi32, #tpu.memory_space<vmem>> -> memref<128xi32, #tpu.memory_space<vmem>>
      %dma_wait3A_260 = arith.constant 0 : i32
      %dma_wait3A_261 = arith.constant 0 : i32
      %dma_wait3A_262 = tpu.memref_slice %arg4[%dma_wait3A_260, %dma_wait3A_261] : memref<1000000x128xf32, #tpu.memory_space<hbm>> -> memref<1000000x128xf32, #tpu.memory_space<hbm>>
      tpu.wait_indirect_dma semaphore(%arg10 : memref<!tpu.dma_semaphore, #tpu.memory_space<semaphore_mem>>) src(%dma_wait3A_262 : memref<1000000x128xf32, #tpu.memory_space<hbm>>) dst(%dma_wait3A_256 : memref<128x128xf32, #tpu.memory_space<vmem>>)
      %ge3A = arith.constant 2 : i32
      %ge3A_263 = arith.cmpi sge, %add3A_250, %ge3A : i32
      %convert_element_type3A = arith.extui %ge3A_263 : i1 to i32
      %cond3A = arith.constant 0 : i32
      %cond3A_264 = arith.cmpi ne, %convert_element_type3A, %cond3A : i32
      scf.if %cond3A_264 {
        %dma_wait3A_498 = arith.constant 0 : i32
        %dma_wait3A_499 = arith.constant 0 : i32
        %dma_wait3A_500 = arith.constant 0 : i32
        %dma_wait3A_501 = arith.constant 0 : i32
        %dma_wait3A_502 = arith.constant 0 : i32
        %dma_wait3A_503 = tpu.memref_slice %arg9[%dma_wait3A_498, %dma_wait3A_500, %dma_wait3A_501, %dma_wait3A_502] : memref<2x8x8x133xf32, #tpu.memory_space<vmem>> -> memref<1x8x8x128xf32, #tpu.memory_space<vmem>>
        %dma_wait3A_504 = tpu.memref_squeeze %dma_wait3A_503 : memref<1x8x8x128xf32, #tpu.memory_space<vmem>> -> memref<8x8x128xf32, #tpu.memory_space<vmem>>
        %dma_wait3A_505 = arith.constant 0 : i32
        %dma_wait3A_506 = arith.constant 0 : i32
        %dma_wait3A_507 = arith.constant 0 : i32
        %dma_wait3A_508 = tpu.memref_slice %arg5[%dma_wait3A_499, %dma_wait3A_505, %add3A, %dma_wait3A_506, %dma_wait3A_507] : memref<200x8x32x8x128xf32, #tpu.memory_space<hbm>> -> memref<1x8x1x8x128xf32, #tpu.memory_space<hbm>>
        %dma_wait3A_509 = tpu.memref_squeeze %dma_wait3A_508 : memref<1x8x1x8x128xf32, #tpu.memory_space<hbm>> -> memref<8x8x128xf32, #tpu.memory_space<hbm>>
        %dma_wait3A_510 = arith.constant 0 : i32
        %dma_wait3A_511 = arith.constant 0 : i32
        %dma_wait3A_512 = arith.constant 0 : i32
        %dma_wait3A_513 = tpu.memref_slice %arg5[%dma_wait3A_499, %dma_wait3A_510, %add3A, %dma_wait3A_511, %dma_wait3A_512] : memref<200x8x32x8x128xf32, #tpu.memory_space<hbm>> -> memref<1x8x1x8x128xf32, #tpu.memory_space<hbm>>
        %dma_wait3A_514 = tpu.memref_squeeze %dma_wait3A_513 : memref<1x8x1x8x128xf32, #tpu.memory_space<hbm>> -> memref<8x8x128xf32, #tpu.memory_space<hbm>>
        %dma_wait3A_515 = arith.constant 0 : i32
        %dma_wait3A_516 = arith.constant 0 : i32
        %dma_wait3A_517 = arith.constant 0 : i32
        %dma_wait3A_518 = tpu.memref_slice %arg9[%dma_wait3A_498, %dma_wait3A_515, %dma_wait3A_516, %dma_wait3A_517] : memref<2x8x8x133xf32, #tpu.memory_space<vmem>> -> memref<1x8x8x128xf32, #tpu.memory_space<vmem>>
        %dma_wait3A_519 = tpu.memref_squeeze %dma_wait3A_518 : memref<1x8x8x128xf32, #tpu.memory_space<vmem>> -> memref<8x8x128xf32, #tpu.memory_space<vmem>>
        tpu.wait_dma2 semaphore(%arg14 : memref<!tpu.dma_semaphore, #tpu.memory_space<semaphore_mem>>) src(%dma_wait3A_519 : memref<8x8x128xf32, #tpu.memory_space<vmem>>) dst(%dma_wait3A_514 : memref<8x8x128xf32, #tpu.memory_space<hbm>>)
      } else {
      }
      %get3A = arith.index_cast %add3A_250 : i32 to index
      %get3A_265 = arith.constant 0 : index
      %get3A_266 = tpu.vector_load %arg7[%get3A, %get3A_265] {strides = array<i32>} : memref<200x64xf32, #tpu.memory_space<vmem>>, vector<16xf32>,
      %get3A_267 = arith.index_cast %add3A_250 : i32 to index
      %get3A_268 = arith.constant 16 : index
      %get3A_269 = tpu.vector_load %arg7[%get3A_267, %get3A_268] {strides = array<i32>} : memref<200x64xf32, #tpu.memory_space<vmem>>, vector<16xf32>,
      %get3A_270 = arith.index_cast %add3A_250 : i32 to index
      %get3A_271 = arith.constant 32 : index
      %get3A_272 = tpu.vector_load %arg7[%get3A_270, %get3A_271] {strides = array<i32>} : memref<200x64xf32, #tpu.memory_space<vmem>>, vector<16xf32>,
      %get3A_273 = arith.index_cast %add3A_250 : i32 to index
      %get3A_274 = arith.constant 48 : index
      %get3A_275 = tpu.vector_load %arg7[%get3A_273, %get3A_274] {strides = array<i32>} : memref<200x64xf32, #tpu.memory_space<vmem>>, vector<16xf32>,
      %parallel_loop3A = arith.constant 0 : i32
      %parallel_loop3A_276 = arith.constant 128 : i32
      %parallel_loop3A_277 = arith.constant 1 : i32
      scf.for %parallel_loop3A_498 = %parallel_loop3A to %parallel_loop3A_276 step %parallel_loop3A_277  : i32 {
        %parallel_loop3A_499 = vector.broadcast %parallel_loop3A_498 : i32 to vector<16xi32>
        %parallel_loop3A_500 = arith.constant 0 : i32
        %parallel_loop3A_501 = arith.index_cast %parallel_loop3A_500 : i32 to index
        %parallel_loop3A_502 = arith.index_cast %parallel_loop3A_498 : i32 to index
        %parallel_loop3A_503 = arith.constant 0 : index
        %parallel_loop3A_504 = tpu.vector_load %arg8[%parallel_loop3A_501, %parallel_loop3A_502, %parallel_loop3A_503] {strides = array<i32>} : memref<4x128x128xf32, #tpu.memory_space<vmem>>, vector<16xf32>,
        %parallel_loop3A_505 = arith.constant 8.000000e+00 : f32
        %parallel_loop3A_506 = vector.broadcast %parallel_loop3A_505 : f32 to vector<16xf32>
        %parallel_loop3A_507 = arith.mulf %parallel_loop3A_504, %parallel_loop3A_506 : vector<16xf32>
        %parallel_loop3A_508 = arith.addf %parallel_loop3A_507, %get3A_266 : vector<16xf32>
        %parallel_loop3A_509 = arith.constant 0 : i32
        %parallel_loop3A_510 = arith.constant 0 : i32
        %parallel_loop3A_511 = arith.constant 0 : i32
        %parallel_loop3A_512 = arith.constant 0 : i32
        %parallel_loop3A_513 = tpu.memref_slice %arg9[%parallel_loop3A_509, %parallel_loop3A_510, %parallel_loop3A_511, %parallel_loop3A_512] : memref<2x8x8x133xf32, #tpu.memory_space<vmem>> -> memref<1x8x8x133xf32, #tpu.memory_space<vmem>>
        %parallel_loop3A_514 = tpu.memref_squeeze %parallel_loop3A_513 : memref<1x8x8x133xf32, #tpu.memory_space<vmem>> -> memref<8x8x133xf32, #tpu.memory_space<vmem>>
        tpu.vector_store_idx %parallel_loop3A_514[%add3A_28, %select_n3A_150, %parallel_loop3A_499], %parallel_loop3A_508 : memref<8x8x133xf32, #tpu.memory_space<vmem>>[vector<16xi32>, vector<16xi32>, vector<16xi32>], vector<16xf32>,
        %parallel_loop3A_515 = arith.constant 0 : i32
        %parallel_loop3A_516 = arith.index_cast %parallel_loop3A_515 : i32 to index
        %parallel_loop3A_517 = arith.index_cast %parallel_loop3A_498 : i32 to index
        %parallel_loop3A_518 = arith.constant 16 : index
        %parallel_loop3A_519 = tpu.vector_load %arg8[%parallel_loop3A_516, %parallel_loop3A_517, %parallel_loop3A_518] {strides = array<i32>} : memref<4x128x128xf32, #tpu.memory_space<vmem>>, vector<16xf32>,
        %parallel_loop3A_520 = arith.constant 8.000000e+00 : f32
        %parallel_loop3A_521 = vector.broadcast %parallel_loop3A_520 : f32 to vector<16xf32>
        %parallel_loop3A_522 = arith.mulf %parallel_loop3A_519, %parallel_loop3A_521 : vector<16xf32>
        %parallel_loop3A_523 = arith.addf %parallel_loop3A_522, %get3A_269 : vector<16xf32>
        %parallel_loop3A_524 = arith.constant 0 : i32
        %parallel_loop3A_525 = arith.constant 0 : i32
        %parallel_loop3A_526 = arith.constant 0 : i32
        %parallel_loop3A_527 = arith.constant 0 : i32
        %parallel_loop3A_528 = tpu.memref_slice %arg9[%parallel_loop3A_524, %parallel_loop3A_525, %parallel_loop3A_526, %parallel_loop3A_527] : memref<2x8x8x133xf32, #tpu.memory_space<vmem>> -> memref<1x8x8x133xf32, #tpu.memory_space<vmem>>
        %parallel_loop3A_529 = tpu.memref_squeeze %parallel_loop3A_528 : memref<1x8x8x133xf32, #tpu.memory_space<vmem>> -> memref<8x8x133xf32, #tpu.memory_space<vmem>>
        tpu.vector_store_idx %parallel_loop3A_529[%add3A_62, %select_n3A_150, %parallel_loop3A_499], %parallel_loop3A_523 : memref<8x8x133xf32, #tpu.memory_space<vmem>>[vector<16xi32>, vector<16xi32>, vector<16xi32>], vector<16xf32>,
        %parallel_loop3A_530 = arith.constant 0 : i32
        %parallel_loop3A_531 = arith.index_cast %parallel_loop3A_530 : i32 to index
        %parallel_loop3A_532 = arith.index_cast %parallel_loop3A_498 : i32 to index
        %parallel_loop3A_533 = arith.constant 32 : index
        %parallel_loop3A_534 = tpu.vector_load %arg8[%parallel_loop3A_531, %parallel_loop3A_532, %parallel_loop3A_533] {strides = array<i32>} : memref<4x128x128xf32, #tpu.memory_space<vmem>>, vector<16xf32>,
        %parallel_loop3A_535 = arith.constant 8.000000e+00 : f32
        %parallel_loop3A_536 = vector.broadcast %parallel_loop3A_535 : f32 to vector<16xf32>
        %parallel_loop3A_537 = arith.mulf %parallel_loop3A_534, %parallel_loop3A_536 : vector<16xf32>
        %parallel_loop3A_538 = arith.addf %parallel_loop3A_537, %get3A_272 : vector<16xf32>
        %parallel_loop3A_539 = arith.constant 0 : i32
        %parallel_loop3A_540 = arith.constant 0 : i32
        %parallel_loop3A_541 = arith.constant 0 : i32
        %parallel_loop3A_542 = arith.constant 0 : i32
        %parallel_loop3A_543 = tpu.memref_slice %arg9[%parallel_loop3A_539, %parallel_loop3A_540, %parallel_loop3A_541, %parallel_loop3A_542] : memref<2x8x8x133xf32, #tpu.memory_space<vmem>> -> memref<1x8x8x133xf32, #tpu.memory_space<vmem>>
        %parallel_loop3A_544 = tpu.memref_squeeze %parallel_loop3A_543 : memref<1x8x8x133xf32, #tpu.memory_space<vmem>> -> memref<8x8x133xf32, #tpu.memory_space<vmem>>
        tpu.vector_store_idx %parallel_loop3A_544[%add3A_96, %select_n3A_150, %parallel_loop3A_499], %parallel_loop3A_538 : memref<8x8x133xf32, #tpu.memory_space<vmem>>[vector<16xi32>, vector<16xi32>, vector<16xi32>], vector<16xf32>,
        %parallel_loop3A_545 = arith.constant 0 : i32
        %parallel_loop3A_546 = arith.index_cast %parallel_loop3A_545 : i32 to index
        %parallel_loop3A_547 = arith.index_cast %parallel_loop3A_498 : i32 to index
        %parallel_loop3A_548 = arith.constant 48 : index
        %parallel_loop3A_549 = tpu.vector_load %arg8[%parallel_loop3A_546, %parallel_loop3A_547, %parallel_loop3A_548] {strides = array<i32>} : memref<4x128x128xf32, #tpu.memory_space<vmem>>, vector<16xf32>,
        %parallel_loop3A_550 = arith.constant 8.000000e+00 : f32
        %parallel_loop3A_551 = vector.broadcast %parallel_loop3A_550 : f32 to vector<16xf32>
        %parallel_loop3A_552 = arith.mulf %parallel_loop3A_549, %parallel_loop3A_551 : vector<16xf32>
        %parallel_loop3A_553 = arith.addf %parallel_loop3A_552, %get3A_275 : vector<16xf32>
        %parallel_loop3A_554 = arith.constant 0 : i32
        %parallel_loop3A_555 = arith.constant 0 : i32
        %parallel_loop3A_556 = arith.constant 0 : i32
        %parallel_loop3A_557 = arith.constant 0 : i32
        %parallel_loop3A_558 = tpu.memref_slice %arg9[%parallel_loop3A_554, %parallel_loop3A_555, %parallel_loop3A_556, %parallel_loop3A_557] : memref<2x8x8x133xf32, #tpu.memory_space<vmem>> -> memref<1x8x8x133xf32, #tpu.memory_space<vmem>>
        %parallel_loop3A_559 = tpu.memref_squeeze %parallel_loop3A_558 : memref<1x8x8x133xf32, #tpu.memory_space<vmem>> -> memref<8x8x133xf32, #tpu.memory_space<vmem>>
        tpu.vector_store_idx %parallel_loop3A_559[%add3A_130, %select_n3A_150, %parallel_loop3A_499], %parallel_loop3A_553 : memref<8x8x133xf32, #tpu.memory_space<vmem>>[vector<16xi32>, vector<16xi32>, vector<16xi32>], vector<16xf32>,
      } {sc.loop_unroll_factor = 8 : i64, sc.parallel_access}
      %dma_start3A_278 = arith.constant 0 : i32
      %dma_start3A_279 = arith.constant 0 : i32
      %dma_start3A_280 = arith.constant 0 : i32
      %dma_start3A_281 = arith.constant 0 : i32
      %dma_start3A_282 = tpu.memref_slice %arg9[%dma_start3A_278, %dma_start3A_279, %dma_start3A_280, %dma_start3A_281] : memref<2x8x8x133xf32, #tpu.memory_space<vmem>> -> memref<1x8x8x128xf32, #tpu.memory_space<vmem>>
      %dma_start3A_283 = tpu.memref_squeeze %dma_start3A_282 : memref<1x8x8x128xf32, #tpu.memory_space<vmem>> -> memref<8x8x128xf32, #tpu.memory_space<vmem>>
      %dma_start3A_284 = arith.constant 0 : i32
      %dma_start3A_285 = arith.constant 0 : i32
      %dma_start3A_286 = arith.constant 0 : i32
      %dma_start3A_287 = tpu.memref_slice %arg5[%add3A_250, %dma_start3A_284, %add3A, %dma_start3A_285, %dma_start3A_286] : memref<200x8x32x8x128xf32, #tpu.memory_space<hbm>> -> memref<1x8x1x8x128xf32, #tpu.memory_space<hbm>>
      %dma_start3A_288 = tpu.memref_squeeze %dma_start3A_287 : memref<1x8x1x8x128xf32, #tpu.memory_space<hbm>> -> memref<8x8x128xf32, #tpu.memory_space<hbm>>
      %dma_start3A_289 = arith.constant 0 : i32
      %dma_start3A_290 = arith.constant 0 : i32
      %dma_start3A_291 = arith.constant 0 : i32
      %dma_start3A_292 = tpu.memref_slice %arg5[%add3A_250, %dma_start3A_289, %add3A, %dma_start3A_290, %dma_start3A_291] : memref<200x8x32x8x128xf32, #tpu.memory_space<hbm>> -> memref<1x8x1x8x128xf32, #tpu.memory_space<hbm>>
      %dma_start3A_293 = tpu.memref_squeeze %dma_start3A_292 : memref<1x8x1x8x128xf32, #tpu.memory_space<hbm>> -> memref<8x8x128xf32, #tpu.memory_space<hbm>>
      %dma_start3A_294 = arith.constant 0 : i32
      %dma_start3A_295 = arith.constant 0 : i32
      %dma_start3A_296 = arith.constant 0 : i32
      %dma_start3A_297 = tpu.memref_slice %arg9[%dma_start3A_278, %dma_start3A_294, %dma_start3A_295, %dma_start3A_296] : memref<2x8x8x133xf32, #tpu.memory_space<vmem>> -> memref<1x8x8x128xf32, #tpu.memory_space<vmem>>
      %dma_start3A_298 = tpu.memref_squeeze %dma_start3A_297 : memref<1x8x8x128xf32, #tpu.memory_space<vmem>> -> memref<8x8x128xf32, #tpu.memory_space<vmem>>
      tpu.enqueue_dma source(%dma_start3A_298 : memref<8x8x128xf32, #tpu.memory_space<vmem>>) target(%dma_start3A_293 : memref<8x8x128xf32, #tpu.memory_space<hbm>>) target_semaphore(%arg14 : memref<!tpu.dma_semaphore, #tpu.memory_space<semaphore_mem>>)
      %add3A_299 = arith.constant 4 : i32
      %add3A_300 = arith.addi %add3A_250, %add3A_299 : i32
      %lt3A_301 = arith.constant 200 : i32
      %lt3A_302 = arith.cmpi slt, %add3A_300, %lt3A_301 : i32
      %convert_element_type3A_303 = arith.extui %lt3A_302 : i1 to i32
      %cond3A_304 = arith.constant 0 : i32
      %cond3A_305 = arith.cmpi ne, %convert_element_type3A_303, %cond3A_304 : i32
      scf.if %cond3A_305 {
        %add3A_498 = arith.constant 4 : i32
        %add3A_499 = arith.addi %add3A_250, %add3A_498 : i32
        %dma_start3A_500 = arith.constant 0 : i32
        %dma_start3A_501 = arith.constant 0 : i32
        %dma_start3A_502 = arith.constant 0 : i32
        %dma_start3A_503 = tpu.memref_slice %arg8[%dma_start3A_500, %dma_start3A_501, %dma_start3A_502] : memref<4x128x128xf32, #tpu.memory_space<vmem>> -> memref<1x128x128xf32, #tpu.memory_space<vmem>>
        %dma_start3A_504 = tpu.memref_squeeze %dma_start3A_503 : memref<1x128x128xf32, #tpu.memory_space<vmem>> -> memref<128x128xf32, #tpu.memory_space<vmem>>
        %dma_start3A_505 = arith.constant 0 : i32
        %dma_start3A_506 = tpu.memref_slice %arg6[%add3A_499, %dma_start3A_505] : memref<200x128xi32, #tpu.memory_space<vmem>> -> memref<1x128xi32, #tpu.memory_space<vmem>>
        %dma_start3A_507 = tpu.memref_squeeze %dma_start3A_506 : memref<1x128xi32, #tpu.memory_space<vmem>> -> memref<128xi32, #tpu.memory_space<vmem>>
        %dma_start3A_508 = arith.constant 0 : i32
        %dma_start3A_509 = arith.constant 0 : i32
        %dma_start3A_510 = tpu.memref_slice %arg4[%dma_start3A_508, %dma_start3A_509] : memref<1000000x128xf32, #tpu.memory_space<hbm>> -> memref<1000000x128xf32, #tpu.memory_space<hbm>>
        tpu.enqueue_indirect_dma source(%dma_start3A_510 : memref<1000000x128xf32, #tpu.memory_space<hbm>>) target(%dma_start3A_504 : memref<128x128xf32, #tpu.memory_space<vmem>>) offsets(%dma_start3A_507 : memref<128xi32, #tpu.memory_space<vmem>>) semaphore(%arg10 : memref<!tpu.dma_semaphore, #tpu.memory_space<semaphore_mem>>)
      } else {
      }
      %mul3A_306 = arith.constant 4 : i32
      %mul3A_307 = arith.muli %scan3A_246, %mul3A_306 : i32
      %add3A_308 = arith.constant 1 : i32
      %add3A_309 = arith.addi %mul3A_307, %add3A_308 : i32
      %dma_wait3A_310 = arith.constant 0 : i32
      %dma_wait3A_311 = arith.constant 1 : i32
      %dma_wait3A_312 = arith.constant 0 : i32
      %dma_wait3A_313 = arith.constant 0 : i32
      %dma_wait3A_314 = tpu.memref_slice %arg8[%dma_wait3A_311, %dma_wait3A_312, %dma_wait3A_313] : memref<4x128x128xf32, #tpu.memory_space<vmem>> -> memref<1x128x128xf32, #tpu.memory_space<vmem>>
      %dma_wait3A_315 = tpu.memref_squeeze %dma_wait3A_314 : memref<1x128x128xf32, #tpu.memory_space<vmem>> -> memref<128x128xf32, #tpu.memory_space<vmem>>
      %dma_wait3A_316 = arith.constant 0 : i32
      %dma_wait3A_317 = tpu.memref_slice %arg6[%dma_wait3A_310, %dma_wait3A_316] : memref<200x128xi32, #tpu.memory_space<vmem>> -> memref<1x128xi32, #tpu.memory_space<vmem>>
      %dma_wait3A_318 = tpu.memref_squeeze %dma_wait3A_317 : memref<1x128xi32, #tpu.memory_space<vmem>> -> memref<128xi32, #tpu.memory_space<vmem>>
      %dma_wait3A_319 = arith.constant 0 : i32
      %dma_wait3A_320 = arith.constant 0 : i32
      %dma_wait3A_321 = tpu.memref_slice %arg4[%dma_wait3A_319, %dma_wait3A_320] : memref<1000000x128xf32, #tpu.memory_space<hbm>> -> memref<1000000x128xf32, #tpu.memory_space<hbm>>
      tpu.wait_indirect_dma semaphore(%arg11 : memref<!tpu.dma_semaphore, #tpu.memory_space<semaphore_mem>>) src(%dma_wait3A_321 : memref<1000000x128xf32, #tpu.memory_space<hbm>>) dst(%dma_wait3A_315 : memref<128x128xf32, #tpu.memory_space<vmem>>)
      %ge3A_322 = arith.constant 2 : i32
      %ge3A_323 = arith.cmpi sge, %add3A_309, %ge3A_322 : i32
      %convert_element_type3A_324 = arith.extui %ge3A_323 : i1 to i32
      %cond3A_325 = arith.constant 0 : i32
      %cond3A_326 = arith.cmpi ne, %convert_element_type3A_324, %cond3A_325 : i32
      scf.if %cond3A_326 {
        %dma_wait3A_498 = arith.constant 1 : i32
        %dma_wait3A_499 = arith.constant 0 : i32
        %dma_wait3A_500 = arith.constant 0 : i32
        %dma_wait3A_501 = arith.constant 0 : i32
        %dma_wait3A_502 = arith.constant 0 : i32
        %dma_wait3A_503 = tpu.memref_slice %arg9[%dma_wait3A_498, %dma_wait3A_500, %dma_wait3A_501, %dma_wait3A_502] : memref<2x8x8x133xf32, #tpu.memory_space<vmem>> -> memref<1x8x8x128xf32, #tpu.memory_space<vmem>>
        %dma_wait3A_504 = tpu.memref_squeeze %dma_wait3A_503 : memref<1x8x8x128xf32, #tpu.memory_space<vmem>> -> memref<8x8x128xf32, #tpu.memory_space<vmem>>
        %dma_wait3A_505 = arith.constant 0 : i32
        %dma_wait3A_506 = arith.constant 0 : i32
        %dma_wait3A_507 = arith.constant 0 : i32
        %dma_wait3A_508 = tpu.memref_slice %arg5[%dma_wait3A_499, %dma_wait3A_505, %add3A, %dma_wait3A_506, %dma_wait3A_507] : memref<200x8x32x8x128xf32, #tpu.memory_space<hbm>> -> memref<1x8x1x8x128xf32, #tpu.memory_space<hbm>>
        %dma_wait3A_509 = tpu.memref_squeeze %dma_wait3A_508 : memref<1x8x1x8x128xf32, #tpu.memory_space<hbm>> -> memref<8x8x128xf32, #tpu.memory_space<hbm>>
        %dma_wait3A_510 = arith.constant 0 : i32
        %dma_wait3A_511 = arith.constant 0 : i32
        %dma_wait3A_512 = arith.constant 0 : i32
        %dma_wait3A_513 = tpu.memref_slice %arg5[%dma_wait3A_499, %dma_wait3A_510, %add3A, %dma_wait3A_511, %dma_wait3A_512] : memref<200x8x32x8x128xf32, #tpu.memory_space<hbm>> -> memref<1x8x1x8x128xf32, #tpu.memory_space<hbm>>
        %dma_wait3A_514 = tpu.memref_squeeze %dma_wait3A_513 : memref<1x8x1x8x128xf32, #tpu.memory_space<hbm>> -> memref<8x8x128xf32, #tpu.memory_space<hbm>>
        %dma_wait3A_515 = arith.constant 0 : i32
        %dma_wait3A_516 = arith.constant 0 : i32
        %dma_wait3A_517 = arith.constant 0 : i32
        %dma_wait3A_518 = tpu.memref_slice %arg9[%dma_wait3A_498, %dma_wait3A_515, %dma_wait3A_516, %dma_wait3A_517] : memref<2x8x8x133xf32, #tpu.memory_space<vmem>> -> memref<1x8x8x128xf32, #tpu.memory_space<vmem>>
        %dma_wait3A_519 = tpu.memref_squeeze %dma_wait3A_518 : memref<1x8x8x128xf32, #tpu.memory_space<vmem>> -> memref<8x8x128xf32, #tpu.memory_space<vmem>>
        tpu.wait_dma2 semaphore(%arg15 : memref<!tpu.dma_semaphore, #tpu.memory_space<semaphore_mem>>) src(%dma_wait3A_519 : memref<8x8x128xf32, #tpu.memory_space<vmem>>) dst(%dma_wait3A_514 : memref<8x8x128xf32, #tpu.memory_space<hbm>>)
      } else {
      }
      %get3A_327 = arith.index_cast %add3A_309 : i32 to index
      %get3A_328 = arith.constant 0 : index
      %get3A_329 = tpu.vector_load %arg7[%get3A_327, %get3A_328] {strides = array<i32>} : memref<200x64xf32, #tpu.memory_space<vmem>>, vector<16xf32>,
      %get3A_330 = arith.index_cast %add3A_309 : i32 to index
      %get3A_331 = arith.constant 16 : index
      %get3A_332 = tpu.vector_load %arg7[%get3A_330, %get3A_331] {strides = array<i32>} : memref<200x64xf32, #tpu.memory_space<vmem>>, vector<16xf32>,
      %get3A_333 = arith.index_cast %add3A_309 : i32 to index
      %get3A_334 = arith.constant 32 : index
      %get3A_335 = tpu.vector_load %arg7[%get3A_333, %get3A_334] {strides = array<i32>} : memref<200x64xf32, #tpu.memory_space<vmem>>, vector<16xf32>,
      %get3A_336 = arith.index_cast %add3A_309 : i32 to index
      %get3A_337 = arith.constant 48 : index
      %get3A_338 = tpu.vector_load %arg7[%get3A_336, %get3A_337] {strides = array<i32>} : memref<200x64xf32, #tpu.memory_space<vmem>>, vector<16xf32>,
      %parallel_loop3A_339 = arith.constant 0 : i32
      %parallel_loop3A_340 = arith.constant 128 : i32
      %parallel_loop3A_341 = arith.constant 1 : i32
      scf.for %parallel_loop3A_498 = %parallel_loop3A_339 to %parallel_loop3A_340 step %parallel_loop3A_341  : i32 {
        %parallel_loop3A_499 = vector.broadcast %parallel_loop3A_498 : i32 to vector<16xi32>
        %parallel_loop3A_500 = arith.constant 1 : i32
        %parallel_loop3A_501 = arith.index_cast %parallel_loop3A_500 : i32 to index
        %parallel_loop3A_502 = arith.index_cast %parallel_loop3A_498 : i32 to index
        %parallel_loop3A_503 = arith.constant 0 : index
        %parallel_loop3A_504 = tpu.vector_load %arg8[%parallel_loop3A_501, %parallel_loop3A_502, %parallel_loop3A_503] {strides = array<i32>} : memref<4x128x128xf32, #tpu.memory_space<vmem>>, vector<16xf32>,
        %parallel_loop3A_505 = arith.constant 8.000000e+00 : f32
        %parallel_loop3A_506 = vector.broadcast %parallel_loop3A_505 : f32 to vector<16xf32>
        %parallel_loop3A_507 = arith.mulf %parallel_loop3A_504, %parallel_loop3A_506 : vector<16xf32>
        %parallel_loop3A_508 = arith.addf %parallel_loop3A_507, %get3A_329 : vector<16xf32>
        %parallel_loop3A_509 = arith.constant 1 : i32
        %parallel_loop3A_510 = arith.constant 0 : i32
        %parallel_loop3A_511 = arith.constant 0 : i32
        %parallel_loop3A_512 = arith.constant 0 : i32
        %parallel_loop3A_513 = tpu.memref_slice %arg9[%parallel_loop3A_509, %parallel_loop3A_510, %parallel_loop3A_511, %parallel_loop3A_512] : memref<2x8x8x133xf32, #tpu.memory_space<vmem>> -> memref<1x8x8x133xf32, #tpu.memory_space<vmem>>
        %parallel_loop3A_514 = tpu.memref_squeeze %parallel_loop3A_513 : memref<1x8x8x133xf32, #tpu.memory_space<vmem>> -> memref<8x8x133xf32, #tpu.memory_space<vmem>>
        tpu.vector_store_idx %parallel_loop3A_514[%add3A_28, %select_n3A_150, %parallel_loop3A_499], %parallel_loop3A_508 : memref<8x8x133xf32, #tpu.memory_space<vmem>>[vector<16xi32>, vector<16xi32>, vector<16xi32>], vector<16xf32>,
        %parallel_loop3A_515 = arith.constant 1 : i32
        %parallel_loop3A_516 = arith.index_cast %parallel_loop3A_515 : i32 to index
        %parallel_loop3A_517 = arith.index_cast %parallel_loop3A_498 : i32 to index
        %parallel_loop3A_518 = arith.constant 16 : index
        %parallel_loop3A_519 = tpu.vector_load %arg8[%parallel_loop3A_516, %parallel_loop3A_517, %parallel_loop3A_518] {strides = array<i32>} : memref<4x128x128xf32, #tpu.memory_space<vmem>>, vector<16xf32>,
        %parallel_loop3A_520 = arith.constant 8.000000e+00 : f32
        %parallel_loop3A_521 = vector.broadcast %parallel_loop3A_520 : f32 to vector<16xf32>
        %parallel_loop3A_522 = arith.mulf %parallel_loop3A_519, %parallel_loop3A_521 : vector<16xf32>
        %parallel_loop3A_523 = arith.addf %parallel_loop3A_522, %get3A_332 : vector<16xf32>
        %parallel_loop3A_524 = arith.constant 1 : i32
        %parallel_loop3A_525 = arith.constant 0 : i32
        %parallel_loop3A_526 = arith.constant 0 : i32
        %parallel_loop3A_527 = arith.constant 0 : i32
        %parallel_loop3A_528 = tpu.memref_slice %arg9[%parallel_loop3A_524, %parallel_loop3A_525, %parallel_loop3A_526, %parallel_loop3A_527] : memref<2x8x8x133xf32, #tpu.memory_space<vmem>> -> memref<1x8x8x133xf32, #tpu.memory_space<vmem>>
        %parallel_loop3A_529 = tpu.memref_squeeze %parallel_loop3A_528 : memref<1x8x8x133xf32, #tpu.memory_space<vmem>> -> memref<8x8x133xf32, #tpu.memory_space<vmem>>
        tpu.vector_store_idx %parallel_loop3A_529[%add3A_62, %select_n3A_150, %parallel_loop3A_499], %parallel_loop3A_523 : memref<8x8x133xf32, #tpu.memory_space<vmem>>[vector<16xi32>, vector<16xi32>, vector<16xi32>], vector<16xf32>,
        %parallel_loop3A_530 = arith.constant 1 : i32
        %parallel_loop3A_531 = arith.index_cast %parallel_loop3A_530 : i32 to index
        %parallel_loop3A_532 = arith.index_cast %parallel_loop3A_498 : i32 to index
        %parallel_loop3A_533 = arith.constant 32 : index
        %parallel_loop3A_534 = tpu.vector_load %arg8[%parallel_loop3A_531, %parallel_loop3A_532, %parallel_loop3A_533] {strides = array<i32>} : memref<4x128x128xf32, #tpu.memory_space<vmem>>, vector<16xf32>,
        %parallel_loop3A_535 = arith.constant 8.000000e+00 : f32
        %parallel_loop3A_536 = vector.broadcast %parallel_loop3A_535 : f32 to vector<16xf32>
        %parallel_loop3A_537 = arith.mulf %parallel_loop3A_534, %parallel_loop3A_536 : vector<16xf32>
        %parallel_loop3A_538 = arith.addf %parallel_loop3A_537, %get3A_335 : vector<16xf32>
        %parallel_loop3A_539 = arith.constant 1 : i32
        %parallel_loop3A_540 = arith.constant 0 : i32
        %parallel_loop3A_541 = arith.constant 0 : i32
        %parallel_loop3A_542 = arith.constant 0 : i32
        %parallel_loop3A_543 = tpu.memref_slice %arg9[%parallel_loop3A_539, %parallel_loop3A_540, %parallel_loop3A_541, %parallel_loop3A_542] : memref<2x8x8x133xf32, #tpu.memory_space<vmem>> -> memref<1x8x8x133xf32, #tpu.memory_space<vmem>>
        %parallel_loop3A_544 = tpu.memref_squeeze %parallel_loop3A_543 : memref<1x8x8x133xf32, #tpu.memory_space<vmem>> -> memref<8x8x133xf32, #tpu.memory_space<vmem>>
        tpu.vector_store_idx %parallel_loop3A_544[%add3A_96, %select_n3A_150, %parallel_loop3A_499], %parallel_loop3A_538 : memref<8x8x133xf32, #tpu.memory_space<vmem>>[vector<16xi32>, vector<16xi32>, vector<16xi32>], vector<16xf32>,
        %parallel_loop3A_545 = arith.constant 1 : i32
        %parallel_loop3A_546 = arith.index_cast %parallel_loop3A_545 : i32 to index
        %parallel_loop3A_547 = arith.index_cast %parallel_loop3A_498 : i32 to index
        %parallel_loop3A_548 = arith.constant 48 : index
        %parallel_loop3A_549 = tpu.vector_load %arg8[%parallel_loop3A_546, %parallel_loop3A_547, %parallel_loop3A_548] {strides = array<i32>} : memref<4x128x128xf32, #tpu.memory_space<vmem>>, vector<16xf32>,
        %parallel_loop3A_550 = arith.constant 8.000000e+00 : f32
        %parallel_loop3A_551 = vector.broadcast %parallel_loop3A_550 : f32 to vector<16xf32>
        %parallel_loop3A_552 = arith.mulf %parallel_loop3A_549, %parallel_loop3A_551 : vector<16xf32>
        %parallel_loop3A_553 = arith.addf %parallel_loop3A_552, %get3A_338 : vector<16xf32>
        %parallel_loop3A_554 = arith.constant 1 : i32
        %parallel_loop3A_555 = arith.constant 0 : i32
        %parallel_loop3A_556 = arith.constant 0 : i32
        %parallel_loop3A_557 = arith.constant 0 : i32
        %parallel_loop3A_558 = tpu.memref_slice %arg9[%parallel_loop3A_554, %parallel_loop3A_555, %parallel_loop3A_556, %parallel_loop3A_557] : memref<2x8x8x133xf32, #tpu.memory_space<vmem>> -> memref<1x8x8x133xf32, #tpu.memory_space<vmem>>
        %parallel_loop3A_559 = tpu.memref_squeeze %parallel_loop3A_558 : memref<1x8x8x133xf32, #tpu.memory_space<vmem>> -> memref<8x8x133xf32, #tpu.memory_space<vmem>>
        tpu.vector_store_idx %parallel_loop3A_559[%add3A_130, %select_n3A_150, %parallel_loop3A_499], %parallel_loop3A_553 : memref<8x8x133xf32, #tpu.memory_space<vmem>>[vector<16xi32>, vector<16xi32>, vector<16xi32>], vector<16xf32>,
      } {sc.loop_unroll_factor = 8 : i64, sc.parallel_access}
      %dma_start3A_342 = arith.constant 1 : i32
      %dma_start3A_343 = arith.constant 0 : i32
      %dma_start3A_344 = arith.constant 0 : i32
      %dma_start3A_345 = arith.constant 0 : i32
      %dma_start3A_346 = tpu.memref_slice %arg9[%dma_start3A_342, %dma_start3A_343, %dma_start3A_344, %dma_start3A_345] : memref<2x8x8x133xf32, #tpu.memory_space<vmem>> -> memref<1x8x8x128xf32, #tpu.memory_space<vmem>>
      %dma_start3A_347 = tpu.memref_squeeze %dma_start3A_346 : memref<1x8x8x128xf32, #tpu.memory_space<vmem>> -> memref<8x8x128xf32, #tpu.memory_space<vmem>>
      %dma_start3A_348 = arith.constant 0 : i32
      %dma_start3A_349 = arith.constant 0 : i32
      %dma_start3A_350 = arith.constant 0 : i32
      %dma_start3A_351 = tpu.memref_slice %arg5[%add3A_309, %dma_start3A_348, %add3A, %dma_start3A_349, %dma_start3A_350] : memref<200x8x32x8x128xf32, #tpu.memory_space<hbm>> -> memref<1x8x1x8x128xf32, #tpu.memory_space<hbm>>
      %dma_start3A_352 = tpu.memref_squeeze %dma_start3A_351 : memref<1x8x1x8x128xf32, #tpu.memory_space<hbm>> -> memref<8x8x128xf32, #tpu.memory_space<hbm>>
      %dma_start3A_353 = arith.constant 0 : i32
      %dma_start3A_354 = arith.constant 0 : i32
      %dma_start3A_355 = arith.constant 0 : i32
      %dma_start3A_356 = tpu.memref_slice %arg5[%add3A_309, %dma_start3A_353, %add3A, %dma_start3A_354, %dma_start3A_355] : memref<200x8x32x8x128xf32, #tpu.memory_space<hbm>> -> memref<1x8x1x8x128xf32, #tpu.memory_space<hbm>>
      %dma_start3A_357 = tpu.memref_squeeze %dma_start3A_356 : memref<1x8x1x8x128xf32, #tpu.memory_space<hbm>> -> memref<8x8x128xf32, #tpu.memory_space<hbm>>
      %dma_start3A_358 = arith.constant 0 : i32
      %dma_start3A_359 = arith.constant 0 : i32
      %dma_start3A_360 = arith.constant 0 : i32
      %dma_start3A_361 = tpu.memref_slice %arg9[%dma_start3A_342, %dma_start3A_358, %dma_start3A_359, %dma_start3A_360] : memref<2x8x8x133xf32, #tpu.memory_space<vmem>> -> memref<1x8x8x128xf32, #tpu.memory_space<vmem>>
      %dma_start3A_362 = tpu.memref_squeeze %dma_start3A_361 : memref<1x8x8x128xf32, #tpu.memory_space<vmem>> -> memref<8x8x128xf32, #tpu.memory_space<vmem>>
      tpu.enqueue_dma source(%dma_start3A_362 : memref<8x8x128xf32, #tpu.memory_space<vmem>>) target(%dma_start3A_357 : memref<8x8x128xf32, #tpu.memory_space<hbm>>) target_semaphore(%arg15 : memref<!tpu.dma_semaphore, #tpu.memory_space<semaphore_mem>>)
      %add3A_363 = arith.constant 4 : i32
      %add3A_364 = arith.addi %add3A_309, %add3A_363 : i32
      %lt3A_365 = arith.constant 200 : i32
      %lt3A_366 = arith.cmpi slt, %add3A_364, %lt3A_365 : i32
      %convert_element_type3A_367 = arith.extui %lt3A_366 : i1 to i32
      %cond3A_368 = arith.constant 0 : i32
      %cond3A_369 = arith.cmpi ne, %convert_element_type3A_367, %cond3A_368 : i32
      scf.if %cond3A_369 {
        %add3A_498 = arith.constant 4 : i32
        %add3A_499 = arith.addi %add3A_309, %add3A_498 : i32
        %dma_start3A_500 = arith.constant 1 : i32
        %dma_start3A_501 = arith.constant 0 : i32
        %dma_start3A_502 = arith.constant 0 : i32
        %dma_start3A_503 = tpu.memref_slice %arg8[%dma_start3A_500, %dma_start3A_501, %dma_start3A_502] : memref<4x128x128xf32, #tpu.memory_space<vmem>> -> memref<1x128x128xf32, #tpu.memory_space<vmem>>
        %dma_start3A_504 = tpu.memref_squeeze %dma_start3A_503 : memref<1x128x128xf32, #tpu.memory_space<vmem>> -> memref<128x128xf32, #tpu.memory_space<vmem>>
        %dma_start3A_505 = arith.constant 0 : i32
        %dma_start3A_506 = tpu.memref_slice %arg6[%add3A_499, %dma_start3A_505] : memref<200x128xi32, #tpu.memory_space<vmem>> -> memref<1x128xi32, #tpu.memory_space<vmem>>
        %dma_start3A_507 = tpu.memref_squeeze %dma_start3A_506 : memref<1x128xi32, #tpu.memory_space<vmem>> -> memref<128xi32, #tpu.memory_space<vmem>>
        %dma_start3A_508 = arith.constant 0 : i32
        %dma_start3A_509 = arith.constant 0 : i32
        %dma_start3A_510 = tpu.memref_slice %arg4[%dma_start3A_508, %dma_start3A_509] : memref<1000000x128xf32, #tpu.memory_space<hbm>> -> memref<1000000x128xf32, #tpu.memory_space<hbm>>
        tpu.enqueue_indirect_dma source(%dma_start3A_510 : memref<1000000x128xf32, #tpu.memory_space<hbm>>) target(%dma_start3A_504 : memref<128x128xf32, #tpu.memory_space<vmem>>) offsets(%dma_start3A_507 : memref<128xi32, #tpu.memory_space<vmem>>) semaphore(%arg11 : memref<!tpu.dma_semaphore, #tpu.memory_space<semaphore_mem>>)
      } else {
      }
      %mul3A_370 = arith.constant 4 : i32
      %mul3A_371 = arith.muli %scan3A_246, %mul3A_370 : i32
      %add3A_372 = arith.constant 2 : i32
      %add3A_373 = arith.addi %mul3A_371, %add3A_372 : i32
      %dma_wait3A_374 = arith.constant 0 : i32
      %dma_wait3A_375 = arith.constant 2 : i32
      %dma_wait3A_376 = arith.constant 0 : i32
      %dma_wait3A_377 = arith.constant 0 : i32
      %dma_wait3A_378 = tpu.memref_slice %arg8[%dma_wait3A_375, %dma_wait3A_376, %dma_wait3A_377] : memref<4x128x128xf32, #tpu.memory_space<vmem>> -> memref<1x128x128xf32, #tpu.memory_space<vmem>>
      %dma_wait3A_379 = tpu.memref_squeeze %dma_wait3A_378 : memref<1x128x128xf32, #tpu.memory_space<vmem>> -> memref<128x128xf32, #tpu.memory_space<vmem>>
      %dma_wait3A_380 = arith.constant 0 : i32
      %dma_wait3A_381 = tpu.memref_slice %arg6[%dma_wait3A_374, %dma_wait3A_380] : memref<200x128xi32, #tpu.memory_space<vmem>> -> memref<1x128xi32, #tpu.memory_space<vmem>>
      %dma_wait3A_382 = tpu.memref_squeeze %dma_wait3A_381 : memref<1x128xi32, #tpu.memory_space<vmem>> -> memref<128xi32, #tpu.memory_space<vmem>>
      %dma_wait3A_383 = arith.constant 0 : i32
      %dma_wait3A_384 = arith.constant 0 : i32
      %dma_wait3A_385 = tpu.memref_slice %arg4[%dma_wait3A_383, %dma_wait3A_384] : memref<1000000x128xf32, #tpu.memory_space<hbm>> -> memref<1000000x128xf32, #tpu.memory_space<hbm>>
      tpu.wait_indirect_dma semaphore(%arg12 : memref<!tpu.dma_semaphore, #tpu.memory_space<semaphore_mem>>) src(%dma_wait3A_385 : memref<1000000x128xf32, #tpu.memory_space<hbm>>) dst(%dma_wait3A_379 : memref<128x128xf32, #tpu.memory_space<vmem>>)
      %ge3A_386 = arith.constant 2 : i32
      %ge3A_387 = arith.cmpi sge, %add3A_373, %ge3A_386 : i32
      %convert_element_type3A_388 = arith.extui %ge3A_387 : i1 to i32
      %cond3A_389 = arith.constant 0 : i32
      %cond3A_390 = arith.cmpi ne, %convert_element_type3A_388, %cond3A_389 : i32
      scf.if %cond3A_390 {
        %dma_wait3A_498 = arith.constant 0 : i32
        %dma_wait3A_499 = arith.constant 0 : i32
        %dma_wait3A_500 = arith.constant 0 : i32
        %dma_wait3A_501 = arith.constant 0 : i32
        %dma_wait3A_502 = arith.constant 0 : i32
        %dma_wait3A_503 = tpu.memref_slice %arg9[%dma_wait3A_498, %dma_wait3A_500, %dma_wait3A_501, %dma_wait3A_502] : memref<2x8x8x133xf32, #tpu.memory_space<vmem>> -> memref<1x8x8x128xf32, #tpu.memory_space<vmem>>
        %dma_wait3A_504 = tpu.memref_squeeze %dma_wait3A_503 : memref<1x8x8x128xf32, #tpu.memory_space<vmem>> -> memref<8x8x128xf32, #tpu.memory_space<vmem>>
        %dma_wait3A_505 = arith.constant 0 : i32
        %dma_wait3A_506 = arith.constant 0 : i32
        %dma_wait3A_507 = arith.constant 0 : i32
        %dma_wait3A_508 = tpu.memref_slice %arg5[%dma_wait3A_499, %dma_wait3A_505, %add3A, %dma_wait3A_506, %dma_wait3A_507] : memref<200x8x32x8x128xf32, #tpu.memory_space<hbm>> -> memref<1x8x1x8x128xf32, #tpu.memory_space<hbm>>
        %dma_wait3A_509 = tpu.memref_squeeze %dma_wait3A_508 : memref<1x8x1x8x128xf32, #tpu.memory_space<hbm>> -> memref<8x8x128xf32, #tpu.memory_space<hbm>>
        %dma_wait3A_510 = arith.constant 0 : i32
        %dma_wait3A_511 = arith.constant 0 : i32
        %dma_wait3A_512 = arith.constant 0 : i32
        %dma_wait3A_513 = tpu.memref_slice %arg5[%dma_wait3A_499, %dma_wait3A_510, %add3A, %dma_wait3A_511, %dma_wait3A_512] : memref<200x8x32x8x128xf32, #tpu.memory_space<hbm>> -> memref<1x8x1x8x128xf32, #tpu.memory_space<hbm>>
        %dma_wait3A_514 = tpu.memref_squeeze %dma_wait3A_513 : memref<1x8x1x8x128xf32, #tpu.memory_space<hbm>> -> memref<8x8x128xf32, #tpu.memory_space<hbm>>
        %dma_wait3A_515 = arith.constant 0 : i32
        %dma_wait3A_516 = arith.constant 0 : i32
        %dma_wait3A_517 = arith.constant 0 : i32
        %dma_wait3A_518 = tpu.memref_slice %arg9[%dma_wait3A_498, %dma_wait3A_515, %dma_wait3A_516, %dma_wait3A_517] : memref<2x8x8x133xf32, #tpu.memory_space<vmem>> -> memref<1x8x8x128xf32, #tpu.memory_space<vmem>>
        %dma_wait3A_519 = tpu.memref_squeeze %dma_wait3A_518 : memref<1x8x8x128xf32, #tpu.memory_space<vmem>> -> memref<8x8x128xf32, #tpu.memory_space<vmem>>
        tpu.wait_dma2 semaphore(%arg14 : memref<!tpu.dma_semaphore, #tpu.memory_space<semaphore_mem>>) src(%dma_wait3A_519 : memref<8x8x128xf32, #tpu.memory_space<vmem>>) dst(%dma_wait3A_514 : memref<8x8x128xf32, #tpu.memory_space<hbm>>)
      } else {
      }
      %get3A_391 = arith.index_cast %add3A_373 : i32 to index
      %get3A_392 = arith.constant 0 : index
      %get3A_393 = tpu.vector_load %arg7[%get3A_391, %get3A_392] {strides = array<i32>} : memref<200x64xf32, #tpu.memory_space<vmem>>, vector<16xf32>,
      %get3A_394 = arith.index_cast %add3A_373 : i32 to index
      %get3A_395 = arith.constant 16 : index
      %get3A_396 = tpu.vector_load %arg7[%get3A_394, %get3A_395] {strides = array<i32>} : memref<200x64xf32, #tpu.memory_space<vmem>>, vector<16xf32>,
      %get3A_397 = arith.index_cast %add3A_373 : i32 to index
      %get3A_398 = arith.constant 32 : index
      %get3A_399 = tpu.vector_load %arg7[%get3A_397, %get3A_398] {strides = array<i32>} : memref<200x64xf32, #tpu.memory_space<vmem>>, vector<16xf32>,
      %get3A_400 = arith.index_cast %add3A_373 : i32 to index
      %get3A_401 = arith.constant 48 : index
      %get3A_402 = tpu.vector_load %arg7[%get3A_400, %get3A_401] {strides = array<i32>} : memref<200x64xf32, #tpu.memory_space<vmem>>, vector<16xf32>,
      %parallel_loop3A_403 = arith.constant 0 : i32
      %parallel_loop3A_404 = arith.constant 128 : i32
      %parallel_loop3A_405 = arith.constant 1 : i32
      scf.for %parallel_loop3A_498 = %parallel_loop3A_403 to %parallel_loop3A_404 step %parallel_loop3A_405  : i32 {
        %parallel_loop3A_499 = vector.broadcast %parallel_loop3A_498 : i32 to vector<16xi32>
        %parallel_loop3A_500 = arith.constant 2 : i32
        %parallel_loop3A_501 = arith.index_cast %parallel_loop3A_500 : i32 to index
        %parallel_loop3A_502 = arith.index_cast %parallel_loop3A_498 : i32 to index
        %parallel_loop3A_503 = arith.constant 0 : index
        %parallel_loop3A_504 = tpu.vector_load %arg8[%parallel_loop3A_501, %parallel_loop3A_502, %parallel_loop3A_503] {strides = array<i32>} : memref<4x128x128xf32, #tpu.memory_space<vmem>>, vector<16xf32>,
        %parallel_loop3A_505 = arith.constant 8.000000e+00 : f32
        %parallel_loop3A_506 = vector.broadcast %parallel_loop3A_505 : f32 to vector<16xf32>
        %parallel_loop3A_507 = arith.mulf %parallel_loop3A_504, %parallel_loop3A_506 : vector<16xf32>
        %parallel_loop3A_508 = arith.addf %parallel_loop3A_507, %get3A_393 : vector<16xf32>
        %parallel_loop3A_509 = arith.constant 0 : i32
        %parallel_loop3A_510 = arith.constant 0 : i32
        %parallel_loop3A_511 = arith.constant 0 : i32
        %parallel_loop3A_512 = arith.constant 0 : i32
        %parallel_loop3A_513 = tpu.memref_slice %arg9[%parallel_loop3A_509, %parallel_loop3A_510, %parallel_loop3A_511, %parallel_loop3A_512] : memref<2x8x8x133xf32, #tpu.memory_space<vmem>> -> memref<1x8x8x133xf32, #tpu.memory_space<vmem>>
        %parallel_loop3A_514 = tpu.memref_squeeze %parallel_loop3A_513 : memref<1x8x8x133xf32, #tpu.memory_space<vmem>> -> memref<8x8x133xf32, #tpu.memory_space<vmem>>
        tpu.vector_store_idx %parallel_loop3A_514[%add3A_28, %select_n3A_150, %parallel_loop3A_499], %parallel_loop3A_508 : memref<8x8x133xf32, #tpu.memory_space<vmem>>[vector<16xi32>, vector<16xi32>, vector<16xi32>], vector<16xf32>,
        %parallel_loop3A_515 = arith.constant 2 : i32
        %parallel_loop3A_516 = arith.index_cast %parallel_loop3A_515 : i32 to index
        %parallel_loop3A_517 = arith.index_cast %parallel_loop3A_498 : i32 to index
        %parallel_loop3A_518 = arith.constant 16 : index
        %parallel_loop3A_519 = tpu.vector_load %arg8[%parallel_loop3A_516, %parallel_loop3A_517, %parallel_loop3A_518] {strides = array<i32>} : memref<4x128x128xf32, #tpu.memory_space<vmem>>, vector<16xf32>,
        %parallel_loop3A_520 = arith.constant 8.000000e+00 : f32
        %parallel_loop3A_521 = vector.broadcast %parallel_loop3A_520 : f32 to vector<16xf32>
        %parallel_loop3A_522 = arith.mulf %parallel_loop3A_519, %parallel_loop3A_521 : vector<16xf32>
        %parallel_loop3A_523 = arith.addf %parallel_loop3A_522, %get3A_396 : vector<16xf32>
        %parallel_loop3A_524 = arith.constant 0 : i32
        %parallel_loop3A_525 = arith.constant 0 : i32
        %parallel_loop3A_526 = arith.constant 0 : i32
        %parallel_loop3A_527 = arith.constant 0 : i32
        %parallel_loop3A_528 = tpu.memref_slice %arg9[%parallel_loop3A_524, %parallel_loop3A_525, %parallel_loop3A_526, %parallel_loop3A_527] : memref<2x8x8x133xf32, #tpu.memory_space<vmem>> -> memref<1x8x8x133xf32, #tpu.memory_space<vmem>>
        %parallel_loop3A_529 = tpu.memref_squeeze %parallel_loop3A_528 : memref<1x8x8x133xf32, #tpu.memory_space<vmem>> -> memref<8x8x133xf32, #tpu.memory_space<vmem>>
        tpu.vector_store_idx %parallel_loop3A_529[%add3A_62, %select_n3A_150, %parallel_loop3A_499], %parallel_loop3A_523 : memref<8x8x133xf32, #tpu.memory_space<vmem>>[vector<16xi32>, vector<16xi32>, vector<16xi32>], vector<16xf32>,
        %parallel_loop3A_530 = arith.constant 2 : i32
        %parallel_loop3A_531 = arith.index_cast %parallel_loop3A_530 : i32 to index
        %parallel_loop3A_532 = arith.index_cast %parallel_loop3A_498 : i32 to index
        %parallel_loop3A_533 = arith.constant 32 : index
        %parallel_loop3A_534 = tpu.vector_load %arg8[%parallel_loop3A_531, %parallel_loop3A_532, %parallel_loop3A_533] {strides = array<i32>} : memref<4x128x128xf32, #tpu.memory_space<vmem>>, vector<16xf32>,
        %parallel_loop3A_535 = arith.constant 8.000000e+00 : f32
        %parallel_loop3A_536 = vector.broadcast %parallel_loop3A_535 : f32 to vector<16xf32>
        %parallel_loop3A_537 = arith.mulf %parallel_loop3A_534, %parallel_loop3A_536 : vector<16xf32>
        %parallel_loop3A_538 = arith.addf %parallel_loop3A_537, %get3A_399 : vector<16xf32>
        %parallel_loop3A_539 = arith.constant 0 : i32
        %parallel_loop3A_540 = arith.constant 0 : i32
        %parallel_loop3A_541 = arith.constant 0 : i32
        %parallel_loop3A_542 = arith.constant 0 : i32
        %parallel_loop3A_543 = tpu.memref_slice %arg9[%parallel_loop3A_539, %parallel_loop3A_540, %parallel_loop3A_541, %parallel_loop3A_542] : memref<2x8x8x133xf32, #tpu.memory_space<vmem>> -> memref<1x8x8x133xf32, #tpu.memory_space<vmem>>
        %parallel_loop3A_544 = tpu.memref_squeeze %parallel_loop3A_543 : memref<1x8x8x133xf32, #tpu.memory_space<vmem>> -> memref<8x8x133xf32, #tpu.memory_space<vmem>>
        tpu.vector_store_idx %parallel_loop3A_544[%add3A_96, %select_n3A_150, %parallel_loop3A_499], %parallel_loop3A_538 : memref<8x8x133xf32, #tpu.memory_space<vmem>>[vector<16xi32>, vector<16xi32>, vector<16xi32>], vector<16xf32>,
        %parallel_loop3A_545 = arith.constant 2 : i32
        %parallel_loop3A_546 = arith.index_cast %parallel_loop3A_545 : i32 to index
        %parallel_loop3A_547 = arith.index_cast %parallel_loop3A_498 : i32 to index
        %parallel_loop3A_548 = arith.constant 48 : index
        %parallel_loop3A_549 = tpu.vector_load %arg8[%parallel_loop3A_546, %parallel_loop3A_547, %parallel_loop3A_548] {strides = array<i32>} : memref<4x128x128xf32, #tpu.memory_space<vmem>>, vector<16xf32>,
        %parallel_loop3A_550 = arith.constant 8.000000e+00 : f32
        %parallel_loop3A_551 = vector.broadcast %parallel_loop3A_550 : f32 to vector<16xf32>
        %parallel_loop3A_552 = arith.mulf %parallel_loop3A_549, %parallel_loop3A_551 : vector<16xf32>
        %parallel_loop3A_553 = arith.addf %parallel_loop3A_552, %get3A_402 : vector<16xf32>
        %parallel_loop3A_554 = arith.constant 0 : i32
        %parallel_loop3A_555 = arith.constant 0 : i32
        %parallel_loop3A_556 = arith.constant 0 : i32
        %parallel_loop3A_557 = arith.constant 0 : i32
        %parallel_loop3A_558 = tpu.memref_slice %arg9[%parallel_loop3A_554, %parallel_loop3A_555, %parallel_loop3A_556, %parallel_loop3A_557] : memref<2x8x8x133xf32, #tpu.memory_space<vmem>> -> memref<1x8x8x133xf32, #tpu.memory_space<vmem>>
        %parallel_loop3A_559 = tpu.memref_squeeze %parallel_loop3A_558 : memref<1x8x8x133xf32, #tpu.memory_space<vmem>> -> memref<8x8x133xf32, #tpu.memory_space<vmem>>
        tpu.vector_store_idx %parallel_loop3A_559[%add3A_130, %select_n3A_150, %parallel_loop3A_499], %parallel_loop3A_553 : memref<8x8x133xf32, #tpu.memory_space<vmem>>[vector<16xi32>, vector<16xi32>, vector<16xi32>], vector<16xf32>,
      } {sc.loop_unroll_factor = 8 : i64, sc.parallel_access}
      %dma_start3A_406 = arith.constant 0 : i32
      %dma_start3A_407 = arith.constant 0 : i32
      %dma_start3A_408 = arith.constant 0 : i32
      %dma_start3A_409 = arith.constant 0 : i32
      %dma_start3A_410 = tpu.memref_slice %arg9[%dma_start3A_406, %dma_start3A_407, %dma_start3A_408, %dma_start3A_409] : memref<2x8x8x133xf32, #tpu.memory_space<vmem>> -> memref<1x8x8x128xf32, #tpu.memory_space<vmem>>
      %dma_start3A_411 = tpu.memref_squeeze %dma_start3A_410 : memref<1x8x8x128xf32, #tpu.memory_space<vmem>> -> memref<8x8x128xf32, #tpu.memory_space<vmem>>
      %dma_start3A_412 = arith.constant 0 : i32
      %dma_start3A_413 = arith.constant 0 : i32
      %dma_start3A_414 = arith.constant 0 : i32
      %dma_start3A_415 = tpu.memref_slice %arg5[%add3A_373, %dma_start3A_412, %add3A, %dma_start3A_413, %dma_start3A_414] : memref<200x8x32x8x128xf32, #tpu.memory_space<hbm>> -> memref<1x8x1x8x128xf32, #tpu.memory_space<hbm>>
      %dma_start3A_416 = tpu.memref_squeeze %dma_start3A_415 : memref<1x8x1x8x128xf32, #tpu.memory_space<hbm>> -> memref<8x8x128xf32, #tpu.memory_space<hbm>>
      %dma_start3A_417 = arith.constant 0 : i32
      %dma_start3A_418 = arith.constant 0 : i32
      %dma_start3A_419 = arith.constant 0 : i32
      %dma_start3A_420 = tpu.memref_slice %arg5[%add3A_373, %dma_start3A_417, %add3A, %dma_start3A_418, %dma_start3A_419] : memref<200x8x32x8x128xf32, #tpu.memory_space<hbm>> -> memref<1x8x1x8x128xf32, #tpu.memory_space<hbm>>
      %dma_start3A_421 = tpu.memref_squeeze %dma_start3A_420 : memref<1x8x1x8x128xf32, #tpu.memory_space<hbm>> -> memref<8x8x128xf32, #tpu.memory_space<hbm>>
      %dma_start3A_422 = arith.constant 0 : i32
      %dma_start3A_423 = arith.constant 0 : i32
      %dma_start3A_424 = arith.constant 0 : i32
      %dma_start3A_425 = tpu.memref_slice %arg9[%dma_start3A_406, %dma_start3A_422, %dma_start3A_423, %dma_start3A_424] : memref<2x8x8x133xf32, #tpu.memory_space<vmem>> -> memref<1x8x8x128xf32, #tpu.memory_space<vmem>>
      %dma_start3A_426 = tpu.memref_squeeze %dma_start3A_425 : memref<1x8x8x128xf32, #tpu.memory_space<vmem>> -> memref<8x8x128xf32, #tpu.memory_space<vmem>>
      tpu.enqueue_dma source(%dma_start3A_426 : memref<8x8x128xf32, #tpu.memory_space<vmem>>) target(%dma_start3A_421 : memref<8x8x128xf32, #tpu.memory_space<hbm>>) target_semaphore(%arg14 : memref<!tpu.dma_semaphore, #tpu.memory_space<semaphore_mem>>)
      %add3A_427 = arith.constant 4 : i32
      %add3A_428 = arith.addi %add3A_373, %add3A_427 : i32
      %lt3A_429 = arith.constant 200 : i32
      %lt3A_430 = arith.cmpi slt, %add3A_428, %lt3A_429 : i32
      %convert_element_type3A_431 = arith.extui %lt3A_430 : i1 to i32
      %cond3A_432 = arith.constant 0 : i32
      %cond3A_433 = arith.cmpi ne, %convert_element_type3A_431, %cond3A_432 : i32
      scf.if %cond3A_433 {
        %add3A_498 = arith.constant 4 : i32
        %add3A_499 = arith.addi %add3A_373, %add3A_498 : i32
        %dma_start3A_500 = arith.constant 2 : i32
        %dma_start3A_501 = arith.constant 0 : i32
        %dma_start3A_502 = arith.constant 0 : i32
        %dma_start3A_503 = tpu.memref_slice %arg8[%dma_start3A_500, %dma_start3A_501, %dma_start3A_502] : memref<4x128x128xf32, #tpu.memory_space<vmem>> -> memref<1x128x128xf32, #tpu.memory_space<vmem>>
        %dma_start3A_504 = tpu.memref_squeeze %dma_start3A_503 : memref<1x128x128xf32, #tpu.memory_space<vmem>> -> memref<128x128xf32, #tpu.memory_space<vmem>>
        %dma_start3A_505 = arith.constant 0 : i32
        %dma_start3A_506 = tpu.memref_slice %arg6[%add3A_499, %dma_start3A_505] : memref<200x128xi32, #tpu.memory_space<vmem>> -> memref<1x128xi32, #tpu.memory_space<vmem>>
        %dma_start3A_507 = tpu.memref_squeeze %dma_start3A_506 : memref<1x128xi32, #tpu.memory_space<vmem>> -> memref<128xi32, #tpu.memory_space<vmem>>
        %dma_start3A_508 = arith.constant 0 : i32
        %dma_start3A_509 = arith.constant 0 : i32
        %dma_start3A_510 = tpu.memref_slice %arg4[%dma_start3A_508, %dma_start3A_509] : memref<1000000x128xf32, #tpu.memory_space<hbm>> -> memref<1000000x128xf32, #tpu.memory_space<hbm>>
        tpu.enqueue_indirect_dma source(%dma_start3A_510 : memref<1000000x128xf32, #tpu.memory_space<hbm>>) target(%dma_start3A_504 : memref<128x128xf32, #tpu.memory_space<vmem>>) offsets(%dma_start3A_507 : memref<128xi32, #tpu.memory_space<vmem>>) semaphore(%arg12 : memref<!tpu.dma_semaphore, #tpu.memory_space<semaphore_mem>>)
      } else {
      }
      %mul3A_434 = arith.constant 4 : i32
      %mul3A_435 = arith.muli %scan3A_246, %mul3A_434 : i32
      %add3A_436 = arith.constant 3 : i32
      %add3A_437 = arith.addi %mul3A_435, %add3A_436 : i32
      %dma_wait3A_438 = arith.constant 0 : i32
      %dma_wait3A_439 = arith.constant 3 : i32
      %dma_wait3A_440 = arith.constant 0 : i32
      %dma_wait3A_441 = arith.constant 0 : i32
      %dma_wait3A_442 = tpu.memref_slice %arg8[%dma_wait3A_439, %dma_wait3A_440, %dma_wait3A_441] : memref<4x128x128xf32, #tpu.memory_space<vmem>> -> memref<1x128x128xf32, #tpu.memory_space<vmem>>
      %dma_wait3A_443 = tpu.memref_squeeze %dma_wait3A_442 : memref<1x128x128xf32, #tpu.memory_space<vmem>> -> memref<128x128xf32, #tpu.memory_space<vmem>>
      %dma_wait3A_444 = arith.constant 0 : i32
      %dma_wait3A_445 = tpu.memref_slice %arg6[%dma_wait3A_438, %dma_wait3A_444] : memref<200x128xi32, #tpu.memory_space<vmem>> -> memref<1x128xi32, #tpu.memory_space<vmem>>
      %dma_wait3A_446 = tpu.memref_squeeze %dma_wait3A_445 : memref<1x128xi32, #tpu.memory_space<vmem>> -> memref<128xi32, #tpu.memory_space<vmem>>
      %dma_wait3A_447 = arith.constant 0 : i32
      %dma_wait3A_448 = arith.constant 0 : i32
      %dma_wait3A_449 = tpu.memref_slice %arg4[%dma_wait3A_447, %dma_wait3A_448] : memref<1000000x128xf32, #tpu.memory_space<hbm>> -> memref<1000000x128xf32, #tpu.memory_space<hbm>>
      tpu.wait_indirect_dma semaphore(%arg13 : memref<!tpu.dma_semaphore, #tpu.memory_space<semaphore_mem>>) src(%dma_wait3A_449 : memref<1000000x128xf32, #tpu.memory_space<hbm>>) dst(%dma_wait3A_443 : memref<128x128xf32, #tpu.memory_space<vmem>>)
      %ge3A_450 = arith.constant 2 : i32
      %ge3A_451 = arith.cmpi sge, %add3A_437, %ge3A_450 : i32
      %convert_element_type3A_452 = arith.extui %ge3A_451 : i1 to i32
      %cond3A_453 = arith.constant 0 : i32
      %cond3A_454 = arith.cmpi ne, %convert_element_type3A_452, %cond3A_453 : i32
      scf.if %cond3A_454 {
        %dma_wait3A_498 = arith.constant 1 : i32
        %dma_wait3A_499 = arith.constant 0 : i32
        %dma_wait3A_500 = arith.constant 0 : i32
        %dma_wait3A_501 = arith.constant 0 : i32
        %dma_wait3A_502 = arith.constant 0 : i32
        %dma_wait3A_503 = tpu.memref_slice %arg9[%dma_wait3A_498, %dma_wait3A_500, %dma_wait3A_501, %dma_wait3A_502] : memref<2x8x8x133xf32, #tpu.memory_space<vmem>> -> memref<1x8x8x128xf32, #tpu.memory_space<vmem>>
        %dma_wait3A_504 = tpu.memref_squeeze %dma_wait3A_503 : memref<1x8x8x128xf32, #tpu.memory_space<vmem>> -> memref<8x8x128xf32, #tpu.memory_space<vmem>>
        %dma_wait3A_505 = arith.constant 0 : i32
        %dma_wait3A_506 = arith.constant 0 : i32
        %dma_wait3A_507 = arith.constant 0 : i32
        %dma_wait3A_508 = tpu.memref_slice %arg5[%dma_wait3A_499, %dma_wait3A_505, %add3A, %dma_wait3A_506, %dma_wait3A_507] : memref<200x8x32x8x128xf32, #tpu.memory_space<hbm>> -> memref<1x8x1x8x128xf32, #tpu.memory_space<hbm>>
        %dma_wait3A_509 = tpu.memref_squeeze %dma_wait3A_508 : memref<1x8x1x8x128xf32, #tpu.memory_space<hbm>> -> memref<8x8x128xf32, #tpu.memory_space<hbm>>
        %dma_wait3A_510 = arith.constant 0 : i32
        %dma_wait3A_511 = arith.constant 0 : i32
        %dma_wait3A_512 = arith.constant 0 : i32
        %dma_wait3A_513 = tpu.memref_slice %arg5[%dma_wait3A_499, %dma_wait3A_510, %add3A, %dma_wait3A_511, %dma_wait3A_512] : memref<200x8x32x8x128xf32, #tpu.memory_space<hbm>> -> memref<1x8x1x8x128xf32, #tpu.memory_space<hbm>>
        %dma_wait3A_514 = tpu.memref_squeeze %dma_wait3A_513 : memref<1x8x1x8x128xf32, #tpu.memory_space<hbm>> -> memref<8x8x128xf32, #tpu.memory_space<hbm>>
        %dma_wait3A_515 = arith.constant 0 : i32
        %dma_wait3A_516 = arith.constant 0 : i32
        %dma_wait3A_517 = arith.constant 0 : i32
        %dma_wait3A_518 = tpu.memref_slice %arg9[%dma_wait3A_498, %dma_wait3A_515, %dma_wait3A_516, %dma_wait3A_517] : memref<2x8x8x133xf32, #tpu.memory_space<vmem>> -> memref<1x8x8x128xf32, #tpu.memory_space<vmem>>
        %dma_wait3A_519 = tpu.memref_squeeze %dma_wait3A_518 : memref<1x8x8x128xf32, #tpu.memory_space<vmem>> -> memref<8x8x128xf32, #tpu.memory_space<vmem>>
        tpu.wait_dma2 semaphore(%arg15 : memref<!tpu.dma_semaphore, #tpu.memory_space<semaphore_mem>>) src(%dma_wait3A_519 : memref<8x8x128xf32, #tpu.memory_space<vmem>>) dst(%dma_wait3A_514 : memref<8x8x128xf32, #tpu.memory_space<hbm>>)
      } else {
      }
      %get3A_455 = arith.index_cast %add3A_437 : i32 to index
      %get3A_456 = arith.constant 0 : index
      %get3A_457 = tpu.vector_load %arg7[%get3A_455, %get3A_456] {strides = array<i32>} : memref<200x64xf32, #tpu.memory_space<vmem>>, vector<16xf32>,
      %get3A_458 = arith.index_cast %add3A_437 : i32 to index
      %get3A_459 = arith.constant 16 : index
      %get3A_460 = tpu.vector_load %arg7[%get3A_458, %get3A_459] {strides = array<i32>} : memref<200x64xf32, #tpu.memory_space<vmem>>, vector<16xf32>,
      %get3A_461 = arith.index_cast %add3A_437 : i32 to index
      %get3A_462 = arith.constant 32 : index
      %get3A_463 = tpu.vector_load %arg7[%get3A_461, %get3A_462] {strides = array<i32>} : memref<200x64xf32, #tpu.memory_space<vmem>>, vector<16xf32>,
      %get3A_464 = arith.index_cast %add3A_437 : i32 to index
      %get3A_465 = arith.constant 48 : index
      %get3A_466 = tpu.vector_load %arg7[%get3A_464, %get3A_465] {strides = array<i32>} : memref<200x64xf32, #tpu.memory_space<vmem>>, vector<16xf32>,
      %parallel_loop3A_467 = arith.constant 0 : i32
      %parallel_loop3A_468 = arith.constant 128 : i32
      %parallel_loop3A_469 = arith.constant 1 : i32
      scf.for %parallel_loop3A_498 = %parallel_loop3A_467 to %parallel_loop3A_468 step %parallel_loop3A_469  : i32 {
        %parallel_loop3A_499 = vector.broadcast %parallel_loop3A_498 : i32 to vector<16xi32>
        %parallel_loop3A_500 = arith.constant 3 : i32
        %parallel_loop3A_501 = arith.index_cast %parallel_loop3A_500 : i32 to index
        %parallel_loop3A_502 = arith.index_cast %parallel_loop3A_498 : i32 to index
        %parallel_loop3A_503 = arith.constant 0 : index
        %parallel_loop3A_504 = tpu.vector_load %arg8[%parallel_loop3A_501, %parallel_loop3A_502, %parallel_loop3A_503] {strides = array<i32>} : memref<4x128x128xf32, #tpu.memory_space<vmem>>, vector<16xf32>,
        %parallel_loop3A_505 = arith.constant 8.000000e+00 : f32
        %parallel_loop3A_506 = vector.broadcast %parallel_loop3A_505 : f32 to vector<16xf32>
        %parallel_loop3A_507 = arith.mulf %parallel_loop3A_504, %parallel_loop3A_506 : vector<16xf32>
        %parallel_loop3A_508 = arith.addf %parallel_loop3A_507, %get3A_457 : vector<16xf32>
        %parallel_loop3A_509 = arith.constant 1 : i32
        %parallel_loop3A_510 = arith.constant 0 : i32
        %parallel_loop3A_511 = arith.constant 0 : i32
        %parallel_loop3A_512 = arith.constant 0 : i32
        %parallel_loop3A_513 = tpu.memref_slice %arg9[%parallel_loop3A_509, %parallel_loop3A_510, %parallel_loop3A_511, %parallel_loop3A_512] : memref<2x8x8x133xf32, #tpu.memory_space<vmem>> -> memref<1x8x8x133xf32, #tpu.memory_space<vmem>>
        %parallel_loop3A_514 = tpu.memref_squeeze %parallel_loop3A_513 : memref<1x8x8x133xf32, #tpu.memory_space<vmem>> -> memref<8x8x133xf32, #tpu.memory_space<vmem>>
        tpu.vector_store_idx %parallel_loop3A_514[%add3A_28, %select_n3A_150, %parallel_loop3A_499], %parallel_loop3A_508 : memref<8x8x133xf32, #tpu.memory_space<vmem>>[vector<16xi32>, vector<16xi32>, vector<16xi32>], vector<16xf32>,
        %parallel_loop3A_515 = arith.constant 3 : i32
        %parallel_loop3A_516 = arith.index_cast %parallel_loop3A_515 : i32 to index
        %parallel_loop3A_517 = arith.index_cast %parallel_loop3A_498 : i32 to index
        %parallel_loop3A_518 = arith.constant 16 : index
        %parallel_loop3A_519 = tpu.vector_load %arg8[%parallel_loop3A_516, %parallel_loop3A_517, %parallel_loop3A_518] {strides = array<i32>} : memref<4x128x128xf32, #tpu.memory_space<vmem>>, vector<16xf32>,
        %parallel_loop3A_520 = arith.constant 8.000000e+00 : f32
        %parallel_loop3A_521 = vector.broadcast %parallel_loop3A_520 : f32 to vector<16xf32>
        %parallel_loop3A_522 = arith.mulf %parallel_loop3A_519, %parallel_loop3A_521 : vector<16xf32>
        %parallel_loop3A_523 = arith.addf %parallel_loop3A_522, %get3A_460 : vector<16xf32>
        %parallel_loop3A_524 = arith.constant 1 : i32
        %parallel_loop3A_525 = arith.constant 0 : i32
        %parallel_loop3A_526 = arith.constant 0 : i32
        %parallel_loop3A_527 = arith.constant 0 : i32
        %parallel_loop3A_528 = tpu.memref_slice %arg9[%parallel_loop3A_524, %parallel_loop3A_525, %parallel_loop3A_526, %parallel_loop3A_527] : memref<2x8x8x133xf32, #tpu.memory_space<vmem>> -> memref<1x8x8x133xf32, #tpu.memory_space<vmem>>
        %parallel_loop3A_529 = tpu.memref_squeeze %parallel_loop3A_528 : memref<1x8x8x133xf32, #tpu.memory_space<vmem>> -> memref<8x8x133xf32, #tpu.memory_space<vmem>>
        tpu.vector_store_idx %parallel_loop3A_529[%add3A_62, %select_n3A_150, %parallel_loop3A_499], %parallel_loop3A_523 : memref<8x8x133xf32, #tpu.memory_space<vmem>>[vector<16xi32>, vector<16xi32>, vector<16xi32>], vector<16xf32>,
        %parallel_loop3A_530 = arith.constant 3 : i32
        %parallel_loop3A_531 = arith.index_cast %parallel_loop3A_530 : i32 to index
        %parallel_loop3A_532 = arith.index_cast %parallel_loop3A_498 : i32 to index
        %parallel_loop3A_533 = arith.constant 32 : index
        %parallel_loop3A_534 = tpu.vector_load %arg8[%parallel_loop3A_531, %parallel_loop3A_532, %parallel_loop3A_533] {strides = array<i32>} : memref<4x128x128xf32, #tpu.memory_space<vmem>>, vector<16xf32>,
        %parallel_loop3A_535 = arith.constant 8.000000e+00 : f32
        %parallel_loop3A_536 = vector.broadcast %parallel_loop3A_535 : f32 to vector<16xf32>
        %parallel_loop3A_537 = arith.mulf %parallel_loop3A_534, %parallel_loop3A_536 : vector<16xf32>
        %parallel_loop3A_538 = arith.addf %parallel_loop3A_537, %get3A_463 : vector<16xf32>
        %parallel_loop3A_539 = arith.constant 1 : i32
        %parallel_loop3A_540 = arith.constant 0 : i32
        %parallel_loop3A_541 = arith.constant 0 : i32
        %parallel_loop3A_542 = arith.constant 0 : i32
        %parallel_loop3A_543 = tpu.memref_slice %arg9[%parallel_loop3A_539, %parallel_loop3A_540, %parallel_loop3A_541, %parallel_loop3A_542] : memref<2x8x8x133xf32, #tpu.memory_space<vmem>> -> memref<1x8x8x133xf32, #tpu.memory_space<vmem>>
        %parallel_loop3A_544 = tpu.memref_squeeze %parallel_loop3A_543 : memref<1x8x8x133xf32, #tpu.memory_space<vmem>> -> memref<8x8x133xf32, #tpu.memory_space<vmem>>
        tpu.vector_store_idx %parallel_loop3A_544[%add3A_96, %select_n3A_150, %parallel_loop3A_499], %parallel_loop3A_538 : memref<8x8x133xf32, #tpu.memory_space<vmem>>[vector<16xi32>, vector<16xi32>, vector<16xi32>], vector<16xf32>,
        %parallel_loop3A_545 = arith.constant 3 : i32
        %parallel_loop3A_546 = arith.index_cast %parallel_loop3A_545 : i32 to index
        %parallel_loop3A_547 = arith.index_cast %parallel_loop3A_498 : i32 to index
        %parallel_loop3A_548 = arith.constant 48 : index
        %parallel_loop3A_549 = tpu.vector_load %arg8[%parallel_loop3A_546, %parallel_loop3A_547, %parallel_loop3A_548] {strides = array<i32>} : memref<4x128x128xf32, #tpu.memory_space<vmem>>, vector<16xf32>,
        %parallel_loop3A_550 = arith.constant 8.000000e+00 : f32
        %parallel_loop3A_551 = vector.broadcast %parallel_loop3A_550 : f32 to vector<16xf32>
        %parallel_loop3A_552 = arith.mulf %parallel_loop3A_549, %parallel_loop3A_551 : vector<16xf32>
        %parallel_loop3A_553 = arith.addf %parallel_loop3A_552, %get3A_466 : vector<16xf32>
        %parallel_loop3A_554 = arith.constant 1 : i32
        %parallel_loop3A_555 = arith.constant 0 : i32
        %parallel_loop3A_556 = arith.constant 0 : i32
        %parallel_loop3A_557 = arith.constant 0 : i32
        %parallel_loop3A_558 = tpu.memref_slice %arg9[%parallel_loop3A_554, %parallel_loop3A_555, %parallel_loop3A_556, %parallel_loop3A_557] : memref<2x8x8x133xf32, #tpu.memory_space<vmem>> -> memref<1x8x8x133xf32, #tpu.memory_space<vmem>>
        %parallel_loop3A_559 = tpu.memref_squeeze %parallel_loop3A_558 : memref<1x8x8x133xf32, #tpu.memory_space<vmem>> -> memref<8x8x133xf32, #tpu.memory_space<vmem>>
        tpu.vector_store_idx %parallel_loop3A_559[%add3A_130, %select_n3A_150, %parallel_loop3A_499], %parallel_loop3A_553 : memref<8x8x133xf32, #tpu.memory_space<vmem>>[vector<16xi32>, vector<16xi32>, vector<16xi32>], vector<16xf32>,
      } {sc.loop_unroll_factor = 8 : i64, sc.parallel_access}
      %dma_start3A_470 = arith.constant 1 : i32
      %dma_start3A_471 = arith.constant 0 : i32
      %dma_start3A_472 = arith.constant 0 : i32
      %dma_start3A_473 = arith.constant 0 : i32
      %dma_start3A_474 = tpu.memref_slice %arg9[%dma_start3A_470, %dma_start3A_471, %dma_start3A_472, %dma_start3A_473] : memref<2x8x8x133xf32, #tpu.memory_space<vmem>> -> memref<1x8x8x128xf32, #tpu.memory_space<vmem>>
      %dma_start3A_475 = tpu.memref_squeeze %dma_start3A_474 : memref<1x8x8x128xf32, #tpu.memory_space<vmem>> -> memref<8x8x128xf32, #tpu.memory_space<vmem>>
      %dma_start3A_476 = arith.constant 0 : i32
      %dma_start3A_477 = arith.constant 0 : i32
      %dma_start3A_478 = arith.constant 0 : i32
      %dma_start3A_479 = tpu.memref_slice %arg5[%add3A_437, %dma_start3A_476, %add3A, %dma_start3A_477, %dma_start3A_478] : memref<200x8x32x8x128xf32, #tpu.memory_space<hbm>> -> memref<1x8x1x8x128xf32, #tpu.memory_space<hbm>>
      %dma_start3A_480 = tpu.memref_squeeze %dma_start3A_479 : memref<1x8x1x8x128xf32, #tpu.memory_space<hbm>> -> memref<8x8x128xf32, #tpu.memory_space<hbm>>
      %dma_start3A_481 = arith.constant 0 : i32
      %dma_start3A_482 = arith.constant 0 : i32
      %dma_start3A_483 = arith.constant 0 : i32
      %dma_start3A_484 = tpu.memref_slice %arg5[%add3A_437, %dma_start3A_481, %add3A, %dma_start3A_482, %dma_start3A_483] : memref<200x8x32x8x128xf32, #tpu.memory_space<hbm>> -> memref<1x8x1x8x128xf32, #tpu.memory_space<hbm>>
      %dma_start3A_485 = tpu.memref_squeeze %dma_start3A_484 : memref<1x8x1x8x128xf32, #tpu.memory_space<hbm>> -> memref<8x8x128xf32, #tpu.memory_space<hbm>>
      %dma_start3A_486 = arith.constant 0 : i32
      %dma_start3A_487 = arith.constant 0 : i32
      %dma_start3A_488 = arith.constant 0 : i32
      %dma_start3A_489 = tpu.memref_slice %arg9[%dma_start3A_470, %dma_start3A_486, %dma_start3A_487, %dma_start3A_488] : memref<2x8x8x133xf32, #tpu.memory_space<vmem>> -> memref<1x8x8x128xf32, #tpu.memory_space<vmem>>
      %dma_start3A_490 = tpu.memref_squeeze %dma_start3A_489 : memref<1x8x8x128xf32, #tpu.memory_space<vmem>> -> memref<8x8x128xf32, #tpu.memory_space<vmem>>
      tpu.enqueue_dma source(%dma_start3A_490 : memref<8x8x128xf32, #tpu.memory_space<vmem>>) target(%dma_start3A_485 : memref<8x8x128xf32, #tpu.memory_space<hbm>>) target_semaphore(%arg15 : memref<!tpu.dma_semaphore, #tpu.memory_space<semaphore_mem>>)
      %add3A_491 = arith.constant 4 : i32
      %add3A_492 = arith.addi %add3A_437, %add3A_491 : i32
      %lt3A_493 = arith.constant 200 : i32
      %lt3A_494 = arith.cmpi slt, %add3A_492, %lt3A_493 : i32
      %convert_element_type3A_495 = arith.extui %lt3A_494 : i1 to i32
      %cond3A_496 = arith.constant 0 : i32
      %cond3A_497 = arith.cmpi ne, %convert_element_type3A_495, %cond3A_496 : i32
      scf.if %cond3A_497 {
        %add3A_498 = arith.constant 4 : i32
        %add3A_499 = arith.addi %add3A_437, %add3A_498 : i32
        %dma_start3A_500 = arith.constant 3 : i32
        %dma_start3A_501 = arith.constant 0 : i32
        %dma_start3A_502 = arith.constant 0 : i32
        %dma_start3A_503 = tpu.memref_slice %arg8[%dma_start3A_500, %dma_start3A_501, %dma_start3A_502] : memref<4x128x128xf32, #tpu.memory_space<vmem>> -> memref<1x128x128xf32, #tpu.memory_space<vmem>>
        %dma_start3A_504 = tpu.memref_squeeze %dma_start3A_503 : memref<1x128x128xf32, #tpu.memory_space<vmem>> -> memref<128x128xf32, #tpu.memory_space<vmem>>
        %dma_start3A_505 = arith.constant 0 : i32
        %dma_start3A_506 = tpu.memref_slice %arg6[%add3A_499, %dma_start3A_505] : memref<200x128xi32, #tpu.memory_space<vmem>> -> memref<1x128xi32, #tpu.memory_space<vmem>>
        %dma_start3A_507 = tpu.memref_squeeze %dma_start3A_506 : memref<1x128xi32, #tpu.memory_space<vmem>> -> memref<128xi32, #tpu.memory_space<vmem>>
        %dma_start3A_508 = arith.constant 0 : i32
        %dma_start3A_509 = arith.constant 0 : i32
        %dma_start3A_510 = tpu.memref_slice %arg4[%dma_start3A_508, %dma_start3A_509] : memref<1000000x128xf32, #tpu.memory_space<hbm>> -> memref<1000000x128xf32, #tpu.memory_space<hbm>>
        tpu.enqueue_indirect_dma source(%dma_start3A_510 : memref<1000000x128xf32, #tpu.memory_space<hbm>>) target(%dma_start3A_504 : memref<128x128xf32, #tpu.memory_space<vmem>>) offsets(%dma_start3A_507 : memref<128xi32, #tpu.memory_space<vmem>>) semaphore(%arg13 : memref<!tpu.dma_semaphore, #tpu.memory_space<semaphore_mem>>)
      } else {
      }
    }
    %scan3A_202 = arith.constant 50 : i32
    %dma_wait3A = arith.constant 0 : i32
    %dma_wait3A_203 = arith.constant 0 : i32
    %dma_wait3A_204 = arith.constant 0 : i32
    %dma_wait3A_205 = arith.constant 0 : i32
    %dma_wait3A_206 = arith.constant 0 : i32
    %dma_wait3A_207 = tpu.memref_slice %arg9[%dma_wait3A, %dma_wait3A_204, %dma_wait3A_205, %dma_wait3A_206] : memref<2x8x8x133xf32, #tpu.memory_space<vmem>> -> memref<1x8x8x128xf32, #tpu.memory_space<vmem>>
    %dma_wait3A_208 = tpu.memref_squeeze %dma_wait3A_207 : memref<1x8x8x128xf32, #tpu.memory_space<vmem>> -> memref<8x8x128xf32, #tpu.memory_space<vmem>>
    %dma_wait3A_209 = arith.constant 0 : i32
    %dma_wait3A_210 = arith.constant 0 : i32
    %dma_wait3A_211 = arith.constant 0 : i32
    %dma_wait3A_212 = tpu.memref_slice %arg5[%dma_wait3A_203, %dma_wait3A_209, %add3A, %dma_wait3A_210, %dma_wait3A_211] : memref<200x8x32x8x128xf32, #tpu.memory_space<hbm>> -> memref<1x8x1x8x128xf32, #tpu.memory_space<hbm>>
    %dma_wait3A_213 = tpu.memref_squeeze %dma_wait3A_212 : memref<1x8x1x8x128xf32, #tpu.memory_space<hbm>> -> memref<8x8x128xf32, #tpu.memory_space<hbm>>
    %dma_wait3A_214 = arith.constant 0 : i32
    %dma_wait3A_215 = arith.constant 0 : i32
    %dma_wait3A_216 = arith.constant 0 : i32
    %dma_wait3A_217 = tpu.memref_slice %arg5[%dma_wait3A_203, %dma_wait3A_214, %add3A, %dma_wait3A_215, %dma_wait3A_216] : memref<200x8x32x8x128xf32, #tpu.memory_space<hbm>> -> memref<1x8x1x8x128xf32, #tpu.memory_space<hbm>>
    %dma_wait3A_218 = tpu.memref_squeeze %dma_wait3A_217 : memref<1x8x1x8x128xf32, #tpu.memory_space<hbm>> -> memref<8x8x128xf32, #tpu.memory_space<hbm>>
    %dma_wait3A_219 = arith.constant 0 : i32
    %dma_wait3A_220 = arith.constant 0 : i32
    %dma_wait3A_221 = arith.constant 0 : i32
    %dma_wait3A_222 = tpu.memref_slice %arg9[%dma_wait3A, %dma_wait3A_219, %dma_wait3A_220, %dma_wait3A_221] : memref<2x8x8x133xf32, #tpu.memory_space<vmem>> -> memref<1x8x8x128xf32, #tpu.memory_space<vmem>>
    %dma_wait3A_223 = tpu.memref_squeeze %dma_wait3A_222 : memref<1x8x8x128xf32, #tpu.memory_space<vmem>> -> memref<8x8x128xf32, #tpu.memory_space<vmem>>
    tpu.wait_dma2 semaphore(%arg14 : memref<!tpu.dma_semaphore, #tpu.memory_space<semaphore_mem>>) src(%dma_wait3A_223 : memref<8x8x128xf32, #tpu.memory_space<vmem>>) dst(%dma_wait3A_218 : memref<8x8x128xf32, #tpu.memory_space<hbm>>)
    %dma_wait3A_224 = arith.constant 1 : i32
    %dma_wait3A_225 = arith.constant 0 : i32
    %dma_wait3A_226 = arith.constant 0 : i32
    %dma_wait3A_227 = arith.constant 0 : i32
    %dma_wait3A_228 = arith.constant 0 : i32
    %dma_wait3A_229 = tpu.memref_slice %arg9[%dma_wait3A_224, %dma_wait3A_226, %dma_wait3A_227, %dma_wait3A_228] : memref<2x8x8x133xf32, #tpu.memory_space<vmem>> -> memref<1x8x8x128xf32, #tpu.memory_space<vmem>>
    %dma_wait3A_230 = tpu.memref_squeeze %dma_wait3A_229 : memref<1x8x8x128xf32, #tpu.memory_space<vmem>> -> memref<8x8x128xf32, #tpu.memory_space<vmem>>
    %dma_wait3A_231 = arith.constant 0 : i32
    %dma_wait3A_232 = arith.constant 0 : i32
    %dma_wait3A_233 = arith.constant 0 : i32
    %dma_wait3A_234 = tpu.memref_slice %arg5[%dma_wait3A_225, %dma_wait3A_231, %add3A, %dma_wait3A_232, %dma_wait3A_233] : memref<200x8x32x8x128xf32, #tpu.memory_space<hbm>> -> memref<1x8x1x8x128xf32, #tpu.memory_space<hbm>>
    %dma_wait3A_235 = tpu.memref_squeeze %dma_wait3A_234 : memref<1x8x1x8x128xf32, #tpu.memory_space<hbm>> -> memref<8x8x128xf32, #tpu.memory_space<hbm>>
    %dma_wait3A_236 = arith.constant 0 : i32
    %dma_wait3A_237 = arith.constant 0 : i32
    %dma_wait3A_238 = arith.constant 0 : i32
    %dma_wait3A_239 = tpu.memref_slice %arg5[%dma_wait3A_225, %dma_wait3A_236, %add3A, %dma_wait3A_237, %dma_wait3A_238] : memref<200x8x32x8x128xf32, #tpu.memory_space<hbm>> -> memref<1x8x1x8x128xf32, #tpu.memory_space<hbm>>
    %dma_wait3A_240 = tpu.memref_squeeze %dma_wait3A_239 : memref<1x8x1x8x128xf32, #tpu.memory_space<hbm>> -> memref<8x8x128xf32, #tpu.memory_space<hbm>>
    %dma_wait3A_241 = arith.constant 0 : i32
    %dma_wait3A_242 = arith.constant 0 : i32
    %dma_wait3A_243 = arith.constant 0 : i32
    %dma_wait3A_244 = tpu.memref_slice %arg9[%dma_wait3A_224, %dma_wait3A_241, %dma_wait3A_242, %dma_wait3A_243] : memref<2x8x8x133xf32, #tpu.memory_space<vmem>> -> memref<1x8x8x128xf32, #tpu.memory_space<vmem>>
    %dma_wait3A_245 = tpu.memref_squeeze %dma_wait3A_244 : memref<1x8x8x128xf32, #tpu.memory_space<vmem>> -> memref<8x8x128xf32, #tpu.memory_space<vmem>>
    tpu.wait_dma2 semaphore(%arg15 : memref<!tpu.dma_semaphore, #tpu.memory_space<semaphore_mem>>) src(%dma_wait3A_245 : memref<8x8x128xf32, #tpu.memory_space<vmem>>) dst(%dma_wait3A_240 : memref<8x8x128xf32, #tpu.memory_space<hbm>>)
    return
  }
}

</mosaic_0001>

<sc_bundles>
// kernel: kernel.3.cloned.1.call-start
scs
__scs_entry_jumppad:
0x0: {  	(pc) =	sbr.rel $0x88, $3  }
0x1: {  	(tag) =	ssettag $0x0;
	lr =	simm.s32 $0x1  }
0x2: {  	[smem:$0x3F9E] =	sst lr;
	_ =	strace $0xD0000000  }
0x3: {  	_ = 	snop  }
0x4: {  	_ = 	snop  }
0x5: {  	_ = 	snop  }
0x6: {  	_ = 	snop  }
0x7: {  	_ = 	snop  }
__scs_overlays_trampoline_lowered:
0x8: {  	[smem:$0x3FAD] =	sst s0  }
0x9: {  	[smem:$0x3FAE] =	sst s1  }
0xa: {  	[smem:$0x3FAF] =	sst s2  }
0xb: {  	[smem:$0x3FB0] =	sst s3  }
0xc: {  	[smem:$0x3FB1] =	sst s4  }
0xd: {  	[smem:$0x3FB2] =	sst s5  }
0xe: {  	[smem:$0x3FB3] =	sst s6  }
0xf: {  	[smem:$0x3FB4] =	sst s7  }
0x10: {  	[smem:$0x3FB5] =	sst s8  }
0x11: {  	[smem:$0x3FB6] =	sst s9;
	s0 =	simm.s32 @!p0 $0x0  }
0x12: {  	s1 =	sld [smem:$0x3F9C];
	s0 =	simm.s32 @p0 $0x1  }
0x13: {  	[smem:$0x3FB7] =	sst s0;
	s0 =	simm.s32 @!p1 $0x0  }
0x14: {  	s2 =	sld [smem:$0x3F9B];
	s0 =	simm.s32 @p1 $0x1  }
0x15: {  	[smem:$0x3FB8] =	sst s0;
	s0 =	simm.s32 @!p2 $0x0  }
0x16: {  	s3 =	sld [smem:$0x3FDB];
	s0 =	simm.s32 @p2 $0x1  }
0x17: {  	s4 =	simm.s32 $0x1BF5;
	[smem:$0x3FBA] =	sst s0  }
0x18: {  	s0 =	sld [smem:$0x3F9D];
	_ =	swait.ge [sflag:s4], $0x0  }
0x19: {  	s7 =	sld [smem:$0x3F9E]  }
0x1a: {  	s8 =	sadd.s32 $0xFFFFE003, lr  }
0x1b: {  	s9 =	sadd.s32 $0xFFFFFEF7, lr;
	s5 =	simm.s32 $0xFFFFFFFF;
	p2 =	slt.u32 s8, $0xFFFFF086  }
0x1c: {  	p1 =	slt.u32 s9, $0xF7A;
	s5 =	simm.s32 @!p2 $0x0  }
0x1d: {  	s5 =	simm.s32 @p1 $0x1;
	p0 =	seq.s32 s7, s2  }
0x1e: {  	s7 =	smul.u32 @!p0 $0xF7A, s2;
	p2 =	seq.s32 @!p0 s5, $0x0  }
0x1f: {  	s9 =	smul.u32 $0xF7A, s1;
	s8 =	simm.s32 @!p0 $0x1BF5;
	p2 =	por !p2, p0  }
0x20: {  	[sflag:s8] =	ssyncset.s32 @!p0 $0xFFFFF086;
	s6 =	sadd.s32 @!p0 s3, s7;
	s7 =	simm.s32 @!p0 $0x108  }
0x21: {  	s3 =	sadd.s32 s3, s9;
	s6 =	sadd.s32 @!p0 $0x88, s6;
	s7 =	simm.s32 @p2 $0x1082  }
0x22: {  	[simem:s7], [sflag:s8] =	dma.local @!p0 [hbm:s6], $0xF7A  }
0x23: {  	s9 =	sor.u32 $0xD0000000, s2;
	s6 =	simm.s32 $0x108;
	_ =	swait.ge @!p0 [sflag:s8], $0x0  }
0x24: {  	s3 =	sadd.s32 $0x88, s3;
	s6 =	simm.s32 @!p1 $0x1082;
	[sflag:s4] =	ssyncset.s32 $0xFFFFF086  }
0x25: {  	[simem:s6], [sflag:s4] =	dma.local [hbm:s3], $0xF7A  }
0x26: {  	[smem:$0x3F9E] =	sst s1;
	(tag) =	ssettag s2;
	_ =	strace s9  }
0x27: {  	s1 =	sld [smem:$0x3FAE]  }
0x28: {  	s2 =	sld [smem:$0x3FAF]  }
0x29: {  	s4 =	sld [smem:$0x3FB1]  }
0x2a: {  	p0 =	seq.s32 s5, $0x0;
	s5 =	sld [smem:$0x3FB2]  }
0x2b: {  	s6 =	sld [smem:$0x3FB3]  }
0x2c: {  	s7 =	sld [smem:$0x3FB4]  }
0x2d: {  	s3 =	simm.s32 $0x108;
	s8 =	sld [smem:$0x3FB5]  }
0x2e: {  	s3 =	simm.s32 @!p0 $0x1082;
	s9 =	sld [smem:$0x3FB6]  }
0x2f: {  	lr =	sadd.s32 s0, s3;
	s0 =	sld [smem:$0x3FAD]  }
0x30: {  	s3 =	sld [smem:$0x3FB0]  }
0x31: {  	[smem:$0x3FB9] =	sst s10  }
0x32: {  	s10 =	sld [smem:$0x3FB7];
	_ =	sdelay $0x3  }
0x33: {  	p0 =	seq.s32 s10, $0x1;
	s10 =	sld [smem:$0x3FB9];
	_ =	sdelay $0x3  }
0x34: {  	[smem:$0x3FB9] =	sst s10  }
0x35: {  	s10 =	sld [smem:$0x3FB8];
	_ =	sdelay $0x3  }
0x36: {  	p1 =	seq.s32 s10, $0x1;
	s10 =	sld [smem:$0x3FB9];
	_ =	sdelay $0x3  }
0x37: {  	[smem:$0x3FB9] =	sst s10  }
0x38: {  	s10 =	sld [smem:$0x3FBA]  }
0x39: {  	_ = 	snop;
	(pc) =	sbr.ind lr, $3  }
0x3a: {  	_ = 	snop  }
0x3b: {  	_ = 	snop  }
0x3c: {  	p2 =	seq.s32 s10, $0x1;
	s10 =	sld [smem:$0x3FB9]  }
0x3d: {  	_ =	shalt  }
0x3e: {  	_ =	shalt  }
0x3f: {  	_ =	shalt  }
0x40: {  	_ =	shalt  }
0x41: {  	_ =	shalt  }
0x42: {  	_ =	shalt  }
0x43: {  	_ =	shalt  }
0x44: {  	_ =	shalt  }
0x45: {  	_ =	shalt  }
0x46: {  	_ =	shalt  }
0x47: {  	_ =	shalt  }
0x48: {  	_ =	shalt  }
0x49: {  	_ =	shalt  }
0x4a: {  	_ =	shalt  }
0x4b: {  	_ =	shalt  }
0x4c: {  	_ =	shalt  }
0x4d: {  	_ =	shalt  }
0x4e: {  	_ =	shalt  }
0x4f: {  	_ =	shalt  }
0x50: {  	_ =	shalt  }
0x51: {  	_ =	shalt  }
0x52: {  	_ =	shalt  }
0x53: {  	_ =	shalt  }
0x54: {  	_ =	shalt  }
0x55: {  	_ =	shalt  }
0x56: {  	_ =	shalt  }
0x57: {  	_ =	shalt  }
0x58: {  	_ =	shalt  }
0x59: {  	_ =	shalt  }
0x5a: {  	_ =	shalt  }
0x5b: {  	_ =	shalt  }
0x5c: {  	_ =	shalt  }
0x5d: {  	_ =	shalt  }
0x5e: {  	_ =	shalt  }
0x5f: {  	_ =	shalt  }
0x60: {  	_ =	shalt  }
0x61: {  	_ =	shalt  }
0x62: {  	_ =	shalt  }
0x63: {  	_ =	shalt  }
0x64: {  	_ =	shalt  }
0x65: {  	_ =	shalt  }
0x66: {  	_ =	shalt  }
0x67: {  	_ =	shalt  }
0x68: {  	_ =	shalt  }
0x69: {  	_ =	shalt  }
0x6a: {  	_ =	shalt  }
0x6b: {  	_ =	shalt  }
0x6c: {  	_ =	shalt  }
0x6d: {  	_ =	shalt  }
0x6e: {  	_ =	shalt  }
0x6f: {  	_ =	shalt  }
0x70: {  	_ =	shalt  }
0x71: {  	_ =	shalt  }
0x72: {  	_ =	shalt  }
0x73: {  	_ =	shalt  }
0x74: {  	_ =	shalt  }
0x75: {  	_ =	shalt  }
0x76: {  	_ =	shalt  }
0x77: {  	_ =	shalt  }
0x78: {  	_ =	shalt  }
0x79: {  	_ =	shalt  }
0x7a: {  	_ =	shalt  }
0x7b: {  	_ =	shalt  }
0x7c: {  	_ =	shalt  }
0x7d: {  	_ =	shalt  }
0x7e: {  	_ =	shalt  }
0x7f: {  	_ =	shalt  }
0x80: {  	_ =	shalt  }
0x81: {  	_ =	shalt  }
0x82: {  	_ =	shalt  }
0x83: {  	_ =	shalt  }
0x84: {  	_ =	shalt  }
0x85: {  	_ =	shalt  }
0x86: {  	_ =	shalt  }
0x87: {  	_ =	shalt  }
.Lfunc_end0:
.L_simem_size_0:
called_computation_lowered:
.L_overlay_start_0:
0x88: {  	s2 =	sld [smem:$0x3FD9]  }
0x89: {  	s3 =	sld [smem:$0x3FFE];
	_ =	sdelay $0x1  }
0x8a: {  	s1 =	srdreg.scid  }
0x8b: {  	s0 =	sand.u32 $0x1, s1  }
0x8c: {  	s17 =	sshll.u32 s0, $0xA;
	s2 =	sadd.s32 s3, s2  }
0x8d: {  	s2 =	sadd.s32 s2, s17  }
0x8e: {  	[smem:$0x3FC5] =	sst s2  }
0x8f: {  	_ = 	snop  }
0x90: {  	s2 =	sld [smem:$0x3FD0];
	(tm) =	ssettm $0x1  }
0x91: {  	s18 =	sld [smem:$0x3FFB];
	_ =	sdelay $0x3  }
0x92: {  	_ =	strace s18  }
0x93: {  	s3 =	sld [smem:$0x3FFC];
	_ =	sdelay $0x3  }
0x94: {  	_ =	strace s3  }
0x95: {  	s3 =	sld [smem:$0x3FFD];
	_ =	sdelay $0x3  }
0x96: {  	_ =	strace s3  }
0x97: {  	_ =	strace $0x8FFFFFFF  }
0x98: {  	s19 =	sld [smem:$0x3FDB];
	_ =	sdelay $0x1  }
0x99: {  	s4 =	simm.s32 $_scs_section_size  }
0x9a: {  	s5 =	simm.s32 $_size__tile_overlayer_lowered;
	s6 =	simm.s32 $_tile_overlayer_lowered  }
0x9b: {  	s22 =	simm.s32 $0x1BFF;
	s21 =	sshll.u32 s6, $0x1;
	s3 =	sadd.s32 s4, s19  }
0x9c: {  	s7 =	simm.s32 $0x0;
	s20 =	sshll.u32 s5, $0x1;
	s5 =	sadd.s32 s21, s3  }
0x9d: {  	[timem:s7], [sflag:s22] =	dma.local [hbm:s5], s20  }
0x9e: {  	_ =	swait.ge [sflag:s22], s20  }
0x9f: {  	s4 =	ssub.s32 $0x0, s20;
	[sflag:s22] =	ssyncset.done $0x0  }
0xa0: {  	[sflag:s22] =	ssyncadd.s32 s4;
	_ =	sdelay $0x1  }
0xa1: {  	s23 =	simm.s32 $0x1B8B  }
0xa2: {  	_ =	swait.ge [sflag:s23], $0x1  }
0xa3: {  	[sflag:s23] =	ssyncset.done $0x0  }
0xa4: {  	s25 =	simm.s32 $0x1B8E;
	s24 =	sld [smem:$0x3FFE];
	[sflag:s23] =	ssyncadd.s32 $0xFFFFFFFF  }
0xa5: {  	s26 =	simm.s32 $execute0_lowered;
	[smem:$0x3FD2] =	sst s25  }
0xa6: {  	s5 =	sshll.u32 s26, $0x1;
	_ =	strace $0x80000046;
	[dreg:$0x1] =	wrdreg $0xFFFFFFFF  }
0xa7: {  	s28 =	simm.s32 $_size_execute0_lowered;
	s3 =	sadd.s32 s3, s5;
	[dreg:$0x0] =	wrdreg $0x0  }
0xa8: {  	s5 =	sshll.u32 s28, $0x1;
	[dreg:$0x2] =	wrdreg s3  }
0xa9: {  	[dreg:$0x3] =	wrdreg s5  }
0xaa: {  	[dreg:$0x4] =	wrdreg $0xC0  }
0xab: {  	_ =	task [dreg:s7], $0x5FFFF  }
0xac: {  	[dreg:$0x1] =	wrdreg $0xFFFFFFFF  }
0xad: {  	[dreg:$0x0] =	wrdreg $0x60  }
0xae: {  	[dreg:$0x2] =	wrdreg s24  }
0xaf: {  	[dreg:$0x3] =	wrdreg s2  }
0xb0: {  	[dreg:$0x4] =	wrdreg $0x9  }
0xb1: {  	_ =	task.clear_ibuf [dreg:s7], $0x5FFFF;
	_ =	strace $0x90000046  }
0xb2: {  	s29 =	simm.s32 $0x9;
	_ =	strace $0x80000048  }
0xb3: {  	_ =	swait.ge [sflag:s29], $0x1  }
0xb4: {  	[sflag:s29] =	ssyncadd.s32 $0xFFFFFFFF  }
0xb5: {  	_ =	strace $0x90000048  }
0xb6: {  	_ =	sfence  }
0xb7: {  	s30 =	sld [smem:$0x0];
	_ =	sdelay $0x2  }
0xb8: {  	s31 =	sshll.u32 s1, $0xD;
	s1 =	sshrl.u32 s1, $0x2  }
0xb9: {  	s3 =	sand.u32 $0x4000, s31;
	s1 =	sadd.s32 s1, s30  }
0xba: {  	s0 =	sor.u32 s3, s0;
	s1 =	sshll.u32 s1, $0x11  }
0xbb: {  	s0 =	sor.u32 s1, s0  }
0xbc: {  	s0 =	sadd.s32 $0x8F2B, s0  }
0xbd: {  	[sflag:s0] =	ssyncadd.remote.s32 $0x1  }
0xbe: {  	_ =	sfence.sel $0xFFFF  }
0xbf: {  	[dreg:$0x0] =	wrdreg $0xFFFFFFFF;
	(pc) =	sbr.abs _section_cstart, $3  }
0xc0: {  	[dreg:$0x1] =	wrdreg $0xFFFFFFFF  }
0xc1: {  	_ =	task.clear_ibuf [dreg:s7], $0x2FFFF;
	_ =	strace $0x9FFFFFFF  }
0xc2: {  	(tm) =	ssettm $0x7FFFFFFF  }
0xc3: {  	_ =	shalt  }
tec
execute0_lowered:
.L_overlay_start_1:
0x0: {  	(tag) =	ssettag $0x1  }
0x1: {  	v0 =	vlaneseq.u32  }
0x2: {  	s0 =	rddreg [dreg:$0x0];
	s3 =	simm.s32 $0x0;
	v7 =	vmul.u32 $0x88, v0  }
0x3: {  	[smem:$0x7FF] =	sst s3  }
0x4: {  	s2 =	rddreg [dreg:$0x1];
	_ =	strace $0x80000047;
	v59 =	vadd.s32 $0x880, v7;
	[tilespmem:$0x1FE10] =	vst v7  }
0x5: {  	v9 =	vadd.s32 $0x1100, v7;
	[tilespmem:$0x1FE20] =	vst v59  }
0x6: {  	v8 =	vadd.s32 $0x1980, v7;
	[tilespmem:$0x1FE30] =	vst v9  }
0x7: {  	v11 =	vor.u32 $0x1, v7;
	[tilespmem:$0x1FE40] =	vst v8  }
0x8: {  	v5 =	vadd.s32 $0x881, v7;
	[tilespmem:$0x1FE50] =	vst v11  }
0x9: {  	v12 =	vadd.s32 $0x1101, v7;
	[tilespmem:$0x1FE60] =	vst v5  }
0xa: {  	v10 =	vadd.s32 $0x1981, v7;
	[tilespmem:$0x1FE70] =	vst v12  }
0xb: {  	v15 =	vor.u32 $0x2, v7;
	[tilespmem:$0x1FE80] =	vst v10  }
0xc: {  	v17 =	vadd.s32 $0x882, v7;
	[tilespmem:$0x1FE90] =	vst v15  }
0xd: {  	v16 =	vadd.s32 $0x1102, v7;
	[tilespmem:$0x1FEA0] =	vst v17  }
0xe: {  	v14 =	vadd.s32 $0x1982, v7;
	[tilespmem:$0x1FEB0] =	vst v16  }
0xf: {  	v19 =	vor.u32 $0x3, v7;
	[tilespmem:$0x1FEC0] =	vst v14  }
0x10: {  	v21 =	vadd.s32 $0x883, v7;
	[tilespmem:$0x1FED0] =	vst v19  }
0x11: {  	v28 =	vadd.s32 $0x1103, v7;
	[tilespmem:$0x1FEE0] =	vst v21  }
0x12: {  	v18 =	vadd.s32 $0x1983, v7;
	[tilespmem:$0x1FEF0] =	vst v28  }
0x13: {  	v23 =	vor.u32 $0x4, v7;
	[tilespmem:$0x1FF00] =	vst v18  }
0x14: {  	v62 =	vadd.s32 $0x884, v7;
	[tilespmem:$0x1FF10] =	vst v23  }
0x15: {  	v20 =	vadd.s32 $0x1104, v7;
	[tilespmem:$0x1FF20] =	vst v62  }
0x16: {  	v22 =	vadd.s32 $0x1984, v7;
	[tilespmem:$0x1FF30] =	vst v20  }
0x17: {  	v27 =	vor.u32 $0x5, v7;
	[tilespmem:$0x1FF40] =	vst v22  }
0x18: {  	s1 =	srdreg.scid;
	v63 =	vadd.s32 $0x885, v7;
	[tilespmem:$0x1FF50] =	vst v27  }
0x19: {  	s4 =	stileid.u32;
	s9 =	simm.s32 $0x80;
	s11 =	simm.s32 $0x7;
	v24 =	vadd.s32 $0x1105, v7;
	[tilespmem:$0x1FF60] =	vst v63  }
0x1a: {  	s15 =	simm.s32 $0x100;
	s16 =	simm.s32 $0x11600;
	s17 =	simm.s32 $0x180;
	v26 =	vadd.s32 $0x1985, v7;
	[tilespmem:$0x1FF70] =	vst v24  }
0x1b: {  	s18 =	simm.s32 $0x15600;
	s19 =	simm.s32 $0x1;
	s20 =	simm.s32 $0x19600;
	v31 =	vor.u32 $0x6, v7;
	[tilespmem:$0x1FF80] =	vst v26  }
0x1c: {  	s21 =	simm.s32 $0x2;
	s22 =	simm.s32 $0x1B800;
	s23 =	simm.s32 $0x3;
	v29 =	vadd.s32 $0x886, v7;
	[tilespmem:$0x1FF90] =	vst v31  }
0x1d: {  	s24 =	simm.s32 $0x5;
	s25 =	simm.s32 $0x4;
	s26 =	simm.s32 $0x6;
	v32 =	vadd.s32 $0x1106, v7;
	[tilespmem:$0x1FFA0] =	vst v29  }
.Ltmp0:
0x1e: {  	s1 =	sand.u32 $0x1, s1;
	s4 =	sshll.u32 s4, $0x1;
	v30 =	vadd.s32 $0x1986, v7;
	[tilespmem:$0x1FFB0] =	vst v32;
	(pc) =	sbr.rel .LBB2_1-.Ltmp0, $4  }
0x1f: {  	s28 =	simm.s32 $0x0;
	s7 =	sor.u32 s1, s4;
	s1 =	ssub.s32 $0x2, s1;
	v3 =	vor.u32 $0x7, v7;
	[tilespmem:$0x1FFC0] =	vst v30  }
0x20: {  	s5 =	sadd.s32 $0xF5C400, s0;
	s4 =	sshll.u32 s7, $0x4;
	s8 =	sshrl.u32 s1, $0x1;
	v6 =	vadd.s32 $0x887, v7;
	[tilespmem:$0x1FFD0] =	vst v3  }
0x21: {  	v1 =	vimm.s32 $0x0;
	vm0 =	vcmask $0x300;
	s7 =	sshll.u32 s7, $0xA;
	v0 =	vadd.s32 $0x1987, v7;
	s6 =	sadd.s32 s4, s0;
	s31 =	ssub.s32 s1, s8;
	[tilespmem:$0x1FFE0] =	vst v6  }
0x22: {  	v1 =	vsel vm0, $0x3, v1;
	v4 =	vadd.s32 $0x1107, v7;
	s4 =	sadd.s32 $0xF5BC00, s0;
	[tilespmem:$0x1FFF0] =	vst v0;
	s6 =	sadd.s32 $0xF42C00, s6;
	s8 =	smax.u32 s31, $0x1  }
.LBB2_20:
0x23: {  	_ =	swait.ge [sflag:s24], $0x2000  }
0x24: {  	[sflag:s24] =	ssyncset.done $0x0  }
0x25: {  	[sflag:s24] =	ssyncadd.s32 $0xFFFFE000  }
0x26: {  	_ =	swait.ge [sflag:s26], $0x2000  }
0x27: {  	v7 =	vld [tilespmem:$0x1FE10]  }
0x28: {  	v8 =	vld [tilespmem:$0x1FE40]  }
0x29: {  	v11 =	vld [tilespmem:$0x1FE50]  }
0x2a: {  	v12 =	vld [tilespmem:$0x1FE70]  }
0x2b: {  	v15 =	vld [tilespmem:$0x1FE90]  }
0x2c: {  	v16 =	vld [tilespmem:$0x1FEB0]  }
0x2d: {  	v19 =	vld [tilespmem:$0x1FED0]  }
0x2e: {  	s28 =	sadd.s32 $0x1, s28;
	v28 =	vld [tilespmem:$0x1FEF0]  }
0x2f: {  	p0 =	sne.s32 s28, s8;
	v23 =	vld [tilespmem:$0x1FF10]  }
.Ltmp1:
0x30: {  	v27 =	vld [tilespmem:$0x1FF50];
	(pc) =	sbr.rel @!p0 .LBB2_21-.Ltmp1, $4  }
0x31: {  	v31 =	vld [tilespmem:$0x1FF90]  }
0x32: {  	v32 =	vld [tilespmem:$0x1FFB0]  }
0x33: {  	[sflag:s26] =	ssyncset.done $0x0;
	v3 =	vld [tilespmem:$0x1FFD0]  }
0x34: {  	v6 =	vld [tilespmem:$0x1FFE0];
	[sflag:s26] =	ssyncadd.s32 $0xFFFFE000  }
.LBB2_1:
0x35: {  	s0 =	simm.s32 $0x1000  }
0x36: {  	[tilespmem:s3], [sflag:$0x7] =	stream.strided.gather [hbm4b:s6+s9], $0x6400, s0, s9, $0x38;
	[tilespmem:$0x1DA00] =	vst v63  }
0x37: {  	_ =	swait.ge [sflag:s11], $0x6400  }
0x38: {  	[sflag:s11] =	ssyncset.done $0x0  }
0x39: {  	s14 =	simm.s32 $0x6400;
	[sflag:s11] =	ssyncadd.s32 $0xFFFF9C00  }
0x3a: {  	[tilespmem:s14], [sflag:$0x7] =	stream.linear.gather [hbm4b:s4+s3], $0x3200, $0x38;
	[tilespmem:$0x1DA00] =	vst v63  }
0x3b: {  	_ =	swait.ge [sflag:s11], $0x3200  }
0x3c: {  	[sflag:s11] =	ssyncset.done $0x0  }
0x3d: {  	s30 =	simm.s32 $0x9600;
	[sflag:s11] =	ssyncadd.s32 $0xFFFFCE00  }
0x3e: {  	[tilespmem:s30], [sflag:$0x1] =	stream.indirect.gather [hbm4b:s5+s9], $0x80, s3, s9, $0xb8;
	[tilespmem:$0x1DA00] =	vst v63  }
0x3f: {  	s31 =	simm.s32 $0xD600  }
0x40: {  	[tilespmem:s31], [sflag:$0x2] =	stream.indirect.gather [hbm4b:s5+s9], $0x80, s9, s9, $0xb8;
	[tilespmem:$0x1DA00] =	vst v63  }
0x41: {  	_ = 	snop  }
0x42: {  	[tilespmem:s16], [sflag:$0x3] =	stream.indirect.gather [hbm4b:s5+s9], $0x80, s15, s9, $0xb8;
	[tilespmem:$0x1DA00] =	vst v63  }
0x43: {  	s29 =	simm.s32 $0x0  }
0x44: {  	v13 =	vmov v9;
	v20 =	vmov v12;
	v24 =	vmov v16;
	[tilespmem:s18], [sflag:$0x4] =	stream.indirect.gather [hbm4b:s5+s9], $0x80, s17, s9, $0xb8;
	[tilespmem:$0x1DA00] =	vst v63  }
.LBB2_2:
0x45: {  	_ =	swait.ge [sflag:s19], $0x4000;
	p1 =	seq.s32 s29, $0x0;
	s1 =	simm.s32 $0x0  }
0x46: {  	s12 =	simm.s32 $0x1;
	s13 =	simm.s32 $0x2;
	[sflag:s19] =	ssyncset.done $0x0  }
0x47: {  	s10 =	sshll.u32 s29, $0x8;
	s0 =	simm.s32 @!p1 $0x5;
	[sflag:s19] =	ssyncadd.s32 $0xFFFFC000  }
0x48: {  	s14 =	simm.s32 $0x3;
	s31 =	simm.s32 $0x4;
	v33 =	vmov s1;
	v34 =	vmov s12;
	_ =	swait.ge @!p1 [sflag:s0], $0x2000  }
0x49: {  	v37 =	vmov s13;
	v38 =	vmov s14;
	v39 =	vmov s31;
	s1 =	simm.s32 $0x5;
	s12 =	simm.s32 $0x6;
	[sflag:s0] =	ssyncset.done @!p1 $0x0  }
0x4a: {  	s10 =	sand.u32 $0x3FFFFF00, s10;
	v33 =	vshrl.u32 v33, $0x3;
	v40 =	vmov s1;
	v41 =	vmov s12;
	[sflag:s0] =	ssyncadd.s32 @!p1 $0xFFFFE000  }
0x4b: {  	s13 =	simm.s32 $0x7;
	v42 =	vshrl.u32 v34, $0x3;
	v37 =	vshrl.u32 v37, $0x3;
	v38 =	vshrl.u32 v38, $0x3;
	v36 =	vld [tilespmem:s10+$0x6400]  }
0x4c: {  	v39 =	vshrl.u32 v39, $0x3;
	v43 =	vmov s13;
	v33 =	vshll.u32 v33, v1;
	s0 =	simm.s32 $0x9800;
	v35 =	vld [tilespmem:s10+$0x6410]  }
0x4d: {  	v40 =	vshrl.u32 v40, $0x3;
	v41 =	vshrl.u32 v41, $0x3;
	v44 =	vshrl.u32 v43, $0x3;
	v46 =	vld [tilespmem:s0+$0x180]  }
0x4e: {  	v42 =	vshll.u32 v42, v1;
	v37 =	vshll.u32 v37, v1;
	v58 =	vshll.u32 v44, v1;
	v47 =	vld [tilespmem:s0+$0xFFFFFE00]  }
0x4f: {  	v38 =	vshll.u32 v38, v1;
	v39 =	vshll.u32 v39, v1;
	v45 =	vbroadcast v58, $0x0;
	v48 =	vld [tilespmem:s0+$0xFFFFFE80]  }
0x50: {  	v43 =	vbroadcast v33, $0x0;
	v40 =	vshll.u32 v40, v1;
	v44 =	vbroadcast v42, $0x0;
	v49 =	vld [tilespmem:s0+$0xFFFFFF00]  }
0x51: {  	v42 =	vbroadcast v37, $0x0;
	v60 =	vshll.u32 v41, v1;
	v61 =	vld [tilespmem:s0+$0xFFFFFF80];
	v50 =	vadd.s32 v3, v45  }
0x52: {  	v41 =	vbroadcast v38, $0x0;
	v51 =	vadd.s32 v7, v43;
	v52 =	vld [tilespmem:s0+$0x0];
	v46 =	vmul.f32 $8.000000000e+00, v46  }
0x53: {  	v39 =	vbroadcast v39, $0x0;
	v53 =	vadd.s32 v11, v44;
	v54 =	vld [tilespmem:s0+$0x80];
	v47 =	vmul.f32 $8.000000000e+00, v47  }
0x54: {  	v55 =	vadd.s32 v15, v42;
	v56 =	vld [tilespmem:s0+$0x100];
	v48 =	vmul.f32 $8.000000000e+00, v48;
	v46 =	vadd.f32 v46, v36  }
0x55: {  	v40 =	vbroadcast v40, $0x0;
	v34 =	vld [tilespmem:s10+$0x6420];
	v49 =	vmul.f32 $8.000000000e+00, v49;
	v47 =	vadd.f32 v47, v36  }
0x56: {  	v2 =	vbroadcast v60, $0x0;
	v33 =	vld [tilespmem:s10+$0x6430];
	v58 =	vadd.s32 v23, v39;
	v48 =	vadd.f32 v48, v36;
	[tilespmem:v50+s20+$0x0] =	vst.idx.msk $0xffff, v46  }
0x57: {  	v57 =	vadd.s32 v19, v41;
	v60 =	vmul.f32 $8.000000000e+00, v52;
	[tilespmem:v51+s20+$0x0] =	vst.idx.msk $0xffff, v47;
	v46 =	vadd.f32 v49, v36;
	v50 =	vld [tilespmem:s0+$0x190]  }
0x58: {  	v37 =	vmul.f32 $8.000000000e+00, v61;
	v61 =	vmul.f32 $8.000000000e+00, v54;
	v52 =	vadd.s32 v31, v2;
	[tilespmem:v53+s20+$0x0] =	vst.idx.msk $0xffff, v48;
	v51 =	vld [tilespmem:s0+$0xFFFFFE10]  }
0x59: {  	v49 =	vadd.s32 v27, v40;
	v54 =	vld [tilespmem:s0+$0xFFFFFE90];
	[tilespmem:v55+s20+$0x0] =	vst.idx.msk $0xffff, v46;
	v46 =	vadd.f32 v60, v36;
	v60 =	vmul.f32 $8.000000000e+00, v56  }
0x5a: {  	v37 =	vadd.f32 v37, v36;
	v55 =	vld [tilespmem:s0+$0xFFFFFF10]  }
0x5b: {  	v9 =	vmov v59;
	v47 =	vadd.s32 v6, v45;
	[tilespmem:v58+s20+$0x0] =	vst.idx.msk $0xffff, v46;
	v46 =	vadd.f32 v60, v36  }
0x5c: {  	v61 =	vadd.f32 v61, v36;
	[tilespmem:v57+s20+$0x0] =	vst.idx.msk $0xffff, v37;
	v58 =	vadd.s32 v59, v43;
	v59 =	vld [tilespmem:s0+$0x10];
	v37 =	vmul.f32 $8.000000000e+00, v50  }
0x5d: {  	v56 =	vld [tilespmem:s0+$0xFFFFFF90];
	v50 =	vmul.f32 $8.000000000e+00, v51;
	[tilespmem:v52+s20+$0x0] =	vst.idx.msk $0xffff, v46  }
0x5e: {  	s14 =	simm.s32 $0x8;
	[tilespmem:v49+s20+$0x0] =	vst.idx.msk $0xffff, v61;
	v46 =	vmul.f32 $8.000000000e+00, v54;
	v52 =	vadd.s32 v17, v42;
	v54 =	vld [tilespmem:s0+$0x110];
	v37 =	vadd.f32 v37, v35  }
0x5f: {  	v25 =	vmovc v62;
	v38 =	vmov s14;
	v51 =	vadd.s32 v5, v44;
	v60 =	vld [tilespmem:s0+$0x90];
	v55 =	vmul.f32 $8.000000000e+00, v55  }
0x60: {  	v62 =	vadd.s32 v62, v39;
	v53 =	vshrl.u32 v38, $0x3;
	v50 =	vadd.f32 v50, v35;
	[tilespmem:v47+s20+$0x0] =	vst.idx.msk $0xffff, v37  }
0x61: {  	v61 =	vadd.s32 v21, v41;
	v37 =	vadd.f32 v55, v35;
	v38 =	vmul.f32 $8.000000000e+00, v59;
	v55 =	vld [tilespmem:s0+$0x1A0]  }
0x62: {  	v56 =	vmul.f32 $8.000000000e+00, v56;
	v46 =	vadd.f32 v46, v35;
	[tilespmem:v58+s20+$0x0] =	vst.idx.msk $0xffff, v50  }
0x63: {  	v50 =	vadd.s32 v63, v40;
	[tilespmem:v52+s20+$0x0] =	vst.idx.msk $0xffff, v37;
	v47 =	vadd.f32 v38, v35;
	v52 =	vmul.f32 $8.000000000e+00, v54  }
0x64: {  	[tilespmem:v51+s20+$0x0] =	vst.idx.msk $0xffff, v46;
	v46 =	vadd.f32 v56, v35;
	v51 =	vmul.f32 $8.000000000e+00, v60;
	v56 =	vadd.s32 v29, v2  }
0x65: {  	[tilespmem:v62+s20+$0x0] =	vst.idx.msk $0xffff, v47;
	v47 =	vadd.f32 v52, v35;
	v52 =	vadd.s32 v4, v45  }
0x66: {  	v58 =	vld [tilespmem:s0+$0xFFFFFE20];
	[tilespmem:v61+s20+$0x0] =	vst.idx.msk $0xffff, v46;
	v38 =	vadd.f32 v51, v35;
	v46 =	vmul.f32 $8.000000000e+00, v55;
	_ =	sdelay $0x1  }
0x67: {  	s31 =	simm.s32 $0x9;
	v60 =	vld [tilespmem:s0+$0xFFFFFEA0];
	[tilespmem:v50+s20+$0x0] =	vst.idx.msk $0xffff, v38;
	v46 =	vadd.f32 v46, v34  }
0x68: {  	v48 =	vmov s31;
	v54 =	vld [tilespmem:s0+$0xFFFFFF20];
	[tilespmem:v56+s20+$0x0] =	vst.idx.msk $0xffff, v47  }
0x69: {  	v61 =	vld [tilespmem:s0+$0xFFFFFFA0];
	v62 =	vshrl.u32 v48, $0x3;
	v48 =	vadd.s32 v13, v43;
	[tilespmem:v52+s20+$0x0] =	vst.idx.msk $0xffff, v46  }
0x6a: {  	s10 =	simm.s32 $0xA;
	v38 =	vmul.f32 $8.000000000e+00, v58;
	v0 =	vld [tilespmem:$0x1FF30]  }
0x6b: {  	v12 =	vmovc v3;
	v3 =	vmov v29;
	v57 =	vmov s10;
	v29 =	vmov v63;
	v63 =	vld [tilespmem:s0+$0x20]  }
0x6c: {  	v50 =	vshrl.u32 v57, $0x3;
	v57 =	vadd.s32 v20, v44;
	v55 =	vadd.f32 v38, v34  }
0x6d: {  	v56 =	vadd.s32 v24, v42;
	v47 =	vmul.f32 $8.000000000e+00, v60  }
0x6e: {  	v54 =	vmul.f32 $8.000000000e+00, v54;
	v38 =	vadd.s32 v28, v41;
	[tilespmem:v48+s20+$0x0] =	vst.idx.msk $0xffff, v55  }
0x6f: {  	v46 =	vadd.f32 v47, v34;
	v47 =	vmul.f32 $8.000000000e+00, v61;
	v52 =	vadd.s32 v0, v39;
	v0 =	vld [tilespmem:$0x1FF70]  }
0x70: {  	v58 =	vld [tilespmem:s0+$0xA0];
	v48 =	vadd.f32 v54, v34;
	v54 =	vmul.f32 $8.000000000e+00, v63  }
0x71: {  	v60 =	vld [tilespmem:s0+$0x120];
	[tilespmem:v57+s20+$0x0] =	vst.idx.msk $0xffff, v46;
	v46 =	vadd.f32 v47, v34  }
0x72: {  	s12 =	simm.s32 $0xB;
	s13 =	simm.s32 $0xC;
	v61 =	vld [tilespmem:s0+$0x1B0];
	v54 =	vadd.f32 v54, v34;
	[tilespmem:v56+s20+$0x0] =	vst.idx.msk $0xffff, v48  }
0x73: {  	s14 =	simm.s32 $0xD;
	s31 =	simm.s32 $0xE;
	v49 =	vmov s12;
	v59 =	vmov s13;
	v37 =	vshll.u32 v53, v1;
	v57 =	vld [tilespmem:s0+$0xFFFFFE30];
	[tilespmem:v38+s20+$0x0] =	vst.idx.msk $0xffff, v46  }
0x74: {  	v53 =	vmov s14;
	v51 =	vmov s31;
	v56 =	vld [tilespmem:s0+$0xFFFFFEB0];
	v55 =	vadd.s32 v0, v40;
	[tilespmem:v52+s20+$0x0] =	vst.idx.msk $0xffff, v54  }
0x75: {  	v16 =	vmovc v6;
	v6 =	vmovc v13;
	v44 =	vadd.s32 v10, v44;
	v58 =	vmul.f32 $8.000000000e+00, v58;
	v63 =	vadd.s32 v32, v2;
	v13 =	vld [tilespmem:$0x1FFF0]  }
0x76: {  	v60 =	vmul.f32 $8.000000000e+00, v60;
	v48 =	vshrl.u32 v49, $0x3;
	v49 =	vshrl.u32 v53, $0x3;
	v38 =	vld [tilespmem:s0+$0xFFFFFF30]  }
0x77: {  	v53 =	vadd.f32 v58, v34;
	v61 =	vmul.f32 $8.000000000e+00, v61;
	v46 =	vshrl.u32 v51, $0x3;
	v51 =	vld [tilespmem:s0+$0xFFFFFFB0]  }
0x78: {  	v47 =	vshrl.u32 v59, $0x3;
	v58 =	vadd.s32 v8, v43;
	v43 =	vadd.s32 v18, v41  }
0x79: {  	v61 =	vadd.f32 v61, v33;
	v54 =	vshll.u32 v62, v1;
	v62 =	vmul.f32 $8.000000000e+00, v57;
	v59 =	vld [tilespmem:s0+$0x30];
	[tilespmem:v55+s20+$0x0] =	vst.idx.msk $0xffff, v53  }
0x7a: {  	v52 =	vadd.f32 v60, v34;
	v56 =	vmul.f32 $8.000000000e+00, v56;
	v45 =	vadd.s32 v13, v45;
	v60 =	vld [tilespmem:s0+$0xB0]  }
0x7b: {  	v38 =	vmul.f32 $8.000000000e+00, v38;
	v55 =	vshll.u32 v50, v1;
	v50 =	vadd.f32 v62, v33  }
0x7c: {  	[tilespmem:v63+s20+$0x0] =	vst.idx.msk $0xffff, v52;
	v63 =	vmul.f32 $8.000000000e+00, v51;
	v53 =	vadd.s32 v14, v42;
	v62 =	vadd.f32 v56, v33  }
0x7d: {  	v42 =	vadd.s32 v22, v39;
	v56 =	vadd.f32 v38, v33;
	[tilespmem:v58+s20+$0x0] =	vst.idx.msk $0xffff, v50  }
0x7e: {  	v38 =	vadd.s32 v26, v40;
	v52 =	vadd.f32 v63, v33;
	[tilespmem:v44+s20+$0x0] =	vst.idx.msk $0xffff, v62  }
0x7f: {  	s30 =	sshll.u32 s29, $0x2;
	s1 =	simm.s32 $0x10;
	s10 =	simm.s32 $0xF;
	v41 =	vld [tilespmem:s0+$0x130];
	v39 =	vadd.s32 v30, v2;
	v51 =	vmul.f32 $8.000000000e+00, v59;
	[tilespmem:v45+s20+$0x0] =	vst.idx.msk $0xffff, v61;
	v40 =	vmul.f32 $8.000000000e+00, v60  }
.LBB2_3:
0x80: {  	v44 =	vmov s10;
	s0 =	sadd.s32 $0x400, s0;
	v48 =	vshll.u32 v48, v1;
	v47 =	vshll.u32 v47, v1  }
0x81: {  	v49 =	vshll.u32 v49, v1;
	[tilespmem:v53+s20+$0x0] =	vst.idx.msk $0xffff, v56;
	v45 =	vadd.f32 v51, v33;
	v63 =	vld [tilespmem:s0+$0x180];
	v44 =	vshrl.u32 v44, $0x3  }
0x82: {  	[tilespmem:v43+s20+$0x0] =	vst.idx.msk $0xffff, v52;
	v57 =	vld [tilespmem:s0+$0xFFFFFE00];
	v43 =	vbroadcast v55, $0x0;
	v58 =	vshll.u32 v44, v1;
	v44 =	vbroadcast v54, $0x0  }
0x83: {  	v40 =	vadd.f32 v40, v33;
	v60 =	vld [tilespmem:s0+$0xFFFFFE80];
	[tilespmem:v42+s20+$0x0] =	vst.idx.msk $0xffff, v45;
	v45 =	vbroadcast v58, $0x0;
	v42 =	vbroadcast v48, $0x0  }
0x84: {  	v46 =	vshll.u32 v46, v1;
	v50 =	vmul.f32 $8.000000000e+00, v41;
	v41 =	vbroadcast v37, $0x0;
	v37 =	vld [tilespmem:s0+$0xFFFFFF00]  }
0x85: {  	v53 =	vld [tilespmem:s0+$0xFFFFFF80];
	[tilespmem:v38+s20+$0x0] =	vst.idx.msk $0xffff, v40;
	v40 =	vbroadcast v47, $0x0;
	v38 =	vbroadcast v49, $0x0;
	v47 =	vadd.s32 v12, v45  }
0x86: {  	v54 =	vld [tilespmem:s0+$0x0];
	v59 =	vadd.f32 v50, v33;
	v48 =	vadd.s32 v7, v41;
	v49 =	vmul.f32 $8.000000000e+00, v63  }
0x87: {  	v61 =	vadd.s32 v11, v44;
	v58 =	vadd.s32 v23, v40;
	v51 =	vmul.f32 $8.000000000e+00, v57  }
0x88: {  	v62 =	vld [tilespmem:s0+$0x80];
	v63 =	vmul.f32 $8.000000000e+00, v60;
	v50 =	vadd.s32 v15, v43;
	[tilespmem:v39+s20+$0x0] =	vst.idx.msk $0xffff, v59;
	v49 =	vadd.f32 v49, v36  }
0x89: {  	v57 =	vadd.s32 v19, v42;
	v51 =	vadd.f32 v51, v36;
	v60 =	vld [tilespmem:s0+$0x100];
	v37 =	vmul.f32 $8.000000000e+00, v37  }
0x8a: {  	v53 =	vmul.f32 $8.000000000e+00, v53;
	v39 =	vbroadcast v46, $0x0;
	v46 =	vadd.f32 v63, v36;
	[tilespmem:v47+s20+$0x0] =	vst.idx.msk $0xffff, v49  }
0x8b: {  	v63 =	vmul.f32 $8.000000000e+00, v54;
	[tilespmem:v48+s20+$0x0] =	vst.idx.msk $0xffff, v51;
	v37 =	vadd.f32 v37, v36;
	v49 =	vld [tilespmem:s0+$0x190]  }
0x8c: {  	v59 =	vadd.f32 v53, v36;
	[tilespmem:v61+s20+$0x0] =	vst.idx.msk $0xffff, v46;
	v48 =	vadd.s32 v27, v38;
	v51 =	vld [tilespmem:s0+$0xFFFFFE10]  }
0x8d: {  	v61 =	vmul.f32 $8.000000000e+00, v62;
	v53 =	vadd.s32 v31, v39;
	v55 =	vld [tilespmem:s0+$0xFFFFFE90];
	v63 =	vadd.f32 v63, v36;
	[tilespmem:v50+s20+$0x0] =	vst.idx.msk $0xffff, v37  }
0x8e: {  	[tilespmem:v57+s20+$0x0] =	vst.idx.msk $0xffff, v59;
	v60 =	vmul.f32 $8.000000000e+00, v60;
	v54 =	vld [tilespmem:s0+$0xFFFFFF10]  }
0x8f: {  	v62 =	vmov s1;
	v47 =	vadd.s32 v16, v45;
	v61 =	vadd.f32 v61, v36;
	v56 =	vld [tilespmem:s0+$0xFFFFFF90];
	[tilespmem:v58+s20+$0x0] =	vst.idx.msk $0xffff, v63  }
0x90: {  	v58 =	vadd.s32 v9, v41;
	v59 =	vld [tilespmem:s0+$0x10];
	v37 =	vadd.f32 v60, v36;
	v46 =	vmul.f32 $8.000000000e+00, v49  }
0x91: {  	v50 =	vshrl.u32 v62, $0x3;
	[tilespmem:v48+s20+$0x0] =	vst.idx.msk $0xffff, v61;
	v49 =	vmul.f32 $8.000000000e+00, v51;
	v51 =	vadd.s32 v5, v44  }
0x92: {  	v60 =	vld [tilespmem:s0+$0x90];
	[tilespmem:v53+s20+$0x0] =	vst.idx.msk $0xffff, v37;
	v37 =	vmul.f32 $8.000000000e+00, v55;
	v53 =	vadd.s32 v17, v43;
	v46 =	vadd.f32 v46, v35  }
0x93: {  	v61 =	vadd.s32 v21, v42;
	v55 =	vld [tilespmem:s0+$0x110];
	v49 =	vadd.f32 v49, v35;
	v54 =	vmul.f32 $8.000000000e+00, v54  }
0x94: {  	v62 =	vadd.s32 v25, v40;
	v56 =	vmul.f32 $8.000000000e+00, v56;
	v37 =	vadd.f32 v37, v35;
	[tilespmem:v47+s20+$0x0] =	vst.idx.msk $0xffff, v46  }
0x95: {  	v47 =	vmul.f32 $8.000000000e+00, v59;
	[tilespmem:v58+s20+$0x0] =	vst.idx.msk $0xffff, v49;
	v46 =	vadd.f32 v54, v35  }
0x96: {  	v49 =	vadd.s32 v29, v38;
	v54 =	vld [tilespmem:s0+$0x1A0];
	[tilespmem:v51+s20+$0x0] =	vst.idx.msk $0xffff, v37;
	v51 =	vadd.f32 v56, v35  }
0x97: {  	v2 =	vld [tilespmem:$0x1FF30];
	v56 =	vmul.f32 $8.000000000e+00, v60;
	[tilespmem:v53+s20+$0x0] =	vst.idx.msk $0xffff, v46;
	v46 =	vadd.f32 v47, v35  }
0x98: {  	v59 =	vadd.s32 v3, v39;
	v58 =	vld [tilespmem:s0+$0xFFFFFE20];
	v47 =	vmul.f32 $8.000000000e+00, v55;
	[tilespmem:v61+s20+$0x0] =	vst.idx.msk $0xffff, v51  }
0x99: {  	v63 =	vld [tilespmem:s0+$0xFFFFFEA0];
	v51 =	vadd.f32 v56, v35;
	[tilespmem:v62+s20+$0x0] =	vst.idx.msk $0xffff, v46  }
0x9a: {  	v46 =	vadd.f32 v47, v35;
	v47 =	vadd.s32 v4, v45;
	v62 =	vld [tilespmem:s0+$0x20]  }
0x9b: {  	s31 =	sadd.s32 $0x2, s1;
	v53 =	vld [tilespmem:s0+$0xFFFFFF20];
	[tilespmem:v49+s20+$0x0] =	vst.idx.msk $0xffff, v51;
	v49 =	vmul.f32 $8.000000000e+00, v54  }
0x9c: {  	v57 =	vmov s31;
	v56 =	vld [tilespmem:s0+$0xFFFFFFA0]  }
0x9d: {  	v61 =	vadd.s32 v6, v41;
	v54 =	vmul.f32 $8.000000000e+00, v58;
	v58 =	vld [tilespmem:s0+$0xA0];
	[tilespmem:v59+s20+$0x0] =	vst.idx.msk $0xffff, v46;
	v49 =	vadd.f32 v49, v34  }
0x9e: {  	v51 =	vshrl.u32 v57, $0x3;
	v57 =	vadd.s32 v20, v44;
	v46 =	vmul.f32 $8.000000000e+00, v63;
	v63 =	vld [tilespmem:s0+$0x120]  }
0x9f: {  	s14 =	sadd.s32 $0x1, s1;
	v59 =	vadd.s32 v24, v43;
	[tilespmem:v47+s20+$0x0] =	vst.idx.msk $0xffff, v49;
	v49 =	vmul.f32 $8.000000000e+00, v62;
	v62 =	vld [tilespmem:$0x1FF70]  }
0xa0: {  	v52 =	vmov s14;
	v54 =	vadd.f32 v54, v34;
	v53 =	vmul.f32 $8.000000000e+00, v53  }
0xa1: {  	v2 =	vadd.s32 v2, v40;
	v46 =	vadd.f32 v46, v34;
	v56 =	vmul.f32 $8.000000000e+00, v56  }
0xa2: {  	v52 =	vshrl.u32 v52, $0x3;
	v0 =	vadd.s32 v28, v42;
	[tilespmem:v61+s20+$0x0] =	vst.idx.msk $0xffff, v54;
	v47 =	vadd.f32 v53, v34  }
0xa3: {  	v61 =	vld [tilespmem:s0+$0x1B0];
	[tilespmem:v57+s20+$0x0] =	vst.idx.msk $0xffff, v46;
	v46 =	vadd.f32 v56, v34;
	v54 =	vmul.f32 $8.000000000e+00, v58;
	v56 =	vadd.s32 v32, v39  }
0xa4: {  	s12 =	sadd.s32 $0x3, s1;
	s13 =	sadd.s32 $0x4, s1;
	v57 =	vld [tilespmem:s0+$0xFFFFFEB0];
	[tilespmem:v59+s20+$0x0] =	vst.idx.msk $0xffff, v47;
	v58 =	vadd.f32 v49, v34;
	v59 =	vmul.f32 $8.000000000e+00, v63;
	v53 =	vadd.s32 v62, v38  }
0xa5: {  	s14 =	sadd.s32 $0x5, s1;
	s31 =	sadd.s32 $0x6, s1;
	v48 =	vmov s12;
	v60 =	vmov s13;
	v37 =	vshll.u32 v50, v1;
	v62 =	vld [tilespmem:s0+$0xFFFFFE30]  }
0xa6: {  	v50 =	vmov s14;
	v55 =	vmov s31;
	[tilespmem:v2+s20+$0x0] =	vst.idx.msk $0xffff, v58;
	v2 =	vadd.f32 v59, v34  }
0xa7: {  	v45 =	vadd.s32 v13, v45;
	v49 =	vshrl.u32 v50, $0x3;
	v50 =	vld [tilespmem:s0+$0xFFFFFF30];
	[tilespmem:v0+s20+$0x0] =	vst.idx.msk $0xffff, v46;
	v0 =	vadd.f32 v54, v34  }
0xa8: {  	v44 =	vadd.s32 v10, v44;
	v39 =	vadd.s32 v30, v39;
	v47 =	vshrl.u32 v60, $0x3;
	v60 =	vld [tilespmem:s0+$0xFFFFFFB0];
	[tilespmem:v56+s20+$0x0] =	vst.idx.msk $0xffff, v2  }
0xa9: {  	v46 =	vshrl.u32 v55, $0x3;
	v54 =	vshll.u32 v52, v1;
	v58 =	vld [tilespmem:s0+$0x30];
	v2 =	vmul.f32 $8.000000000e+00, v57;
	[tilespmem:v53+s20+$0x0] =	vst.idx.msk $0xffff, v0  }
0xaa: {  	p0 =	slt.u32 s1, $0x78;
	v52 =	vadd.s32 v8, v41;
	v0 =	vmul.f32 $8.000000000e+00, v61;
	v61 =	vmul.f32 $8.000000000e+00, v62;
	v62 =	vld [tilespmem:s0+$0xB0]  }
.Ltmp2:
0xab: {  	v55 =	vshll.u32 v51, v1;
	v38 =	vadd.s32 v26, v38;
	v2 =	vadd.f32 v2, v33;
	(pc) =	sbr.rel @p0 .LBB2_3-.Ltmp2, $4  }
0xac: {  	v50 =	vmul.f32 $8.000000000e+00, v50;
	v53 =	vadd.s32 v14, v43;
	v0 =	vadd.f32 v0, v33  }
0xad: {  	v63 =	vmul.f32 $8.000000000e+00, v60;
	v43 =	vadd.s32 v18, v42;
	[tilespmem:v44+s20+$0x0] =	vst.idx.msk $0xffff, v2;
	v51 =	vadd.f32 v61, v33  }
0xae: {  	v48 =	vshrl.u32 v48, $0x3;
	v42 =	vadd.s32 v22, v40;
	v56 =	vadd.f32 v50, v33;
	[tilespmem:v45+s20+$0x0] =	vst.idx.msk $0xffff, v0  }
0xaf: {  	s10 =	sadd.s32 $0x7, s1;
	s1 =	sadd.s32 $0x8, s1;
	v41 =	vld [tilespmem:s0+$0x130];
	[tilespmem:v52+s20+$0x0] =	vst.idx.msk $0xffff, v51;
	v51 =	vmul.f32 $8.000000000e+00, v58;
	v52 =	vadd.f32 v63, v33;
	v40 =	vmul.f32 $8.000000000e+00, v62  }
0xb0: {  	v0 =	vmov s10;
	s0 =	sadd.s32 $0x400, s0  }
0xb1: {  	v2 =	vld [tilespmem:s0+$0x180];
	v0 =	vshrl.u32 v0, $0x3  }
0xb2: {  	v44 =	vshll.u32 v48, v1;
	v45 =	vld [tilespmem:s0+$0xFFFFFE00];
	v0 =	vshll.u32 v0, v1  }
0xb3: {  	v48 =	vbroadcast v37, $0x0;
	v63 =	vshll.u32 v47, v1;
	v57 =	vld [tilespmem:s0+$0xFFFFFE80];
	v50 =	vbroadcast v0, $0x0  }
0xb4: {  	v58 =	vshll.u32 v49, v1;
	v49 =	vbroadcast v54, $0x0;
	v47 =	vbroadcast v55, $0x0;
	v0 =	vld [tilespmem:s0+$0xFFFFFF00]  }
0xb5: {  	v54 =	vshll.u32 v46, v1;
	v55 =	vld [tilespmem:s0+$0xFFFFFF80];
	v46 =	vbroadcast v44, $0x0;
	v59 =	vadd.s32 v12, v50  }
0xb6: {  	v44 =	vbroadcast v63, $0x0;
	v61 =	vld [tilespmem:s0+$0x0];
	v60 =	vadd.s32 v7, v48;
	v2 =	vmul.f32 $8.000000000e+00, v2  }
0xb7: {  	v63 =	vld [tilespmem:s0+$0x80];
	v62 =	vadd.s32 v11, v49;
	v37 =	vmul.f32 $8.000000000e+00, v45;
	v45 =	vbroadcast v54, $0x0  }
0xb8: {  	v11 =	vld [tilespmem:s0+$0x100];
	v54 =	vmul.f32 $8.000000000e+00, v57;
	v57 =	vadd.s32 v15, v47;
	v2 =	vadd.f32 v2, v36  }
0xb9: {  	v7 =	vbroadcast v58, $0x0;
	v12 =	vmovc v44;
	v58 =	vadd.f32 v37, v36;
	v0 =	vmul.f32 $8.000000000e+00, v0  }
0xba: {  	v37 =	vadd.s32 v19, v46;
	[tilespmem:v59+s20+$0x0] =	vst.idx.msk $0xffff, v2;
	v2 =	vadd.f32 v54, v36;
	v54 =	vmul.f32 $8.000000000e+00, v55  }
0xbb: {  	v55 =	vadd.s32 v23, v44;
	[tilespmem:v60+s20+$0x0] =	vst.idx.msk $0xffff, v58;
	v0 =	vadd.f32 v0, v36;
	v44 =	vmul.f32 $8.000000000e+00, v61;
	v60 =	vld [tilespmem:s0+$0x190]  }
0xbc: {  	v59 =	vadd.s32 v27, v7;
	v61 =	vmul.f32 $8.000000000e+00, v63;
	[tilespmem:v62+s20+$0x0] =	vst.idx.msk $0xffff, v2;
	v2 =	vld [tilespmem:s0+$0xFFFFFE10]  }
0xbd: {  	v54 =	vadd.f32 v54, v36;
	[tilespmem:v57+s20+$0x0] =	vst.idx.msk $0xffff, v0;
	v57 =	vadd.f32 v44, v36;
	v44 =	vmul.f32 $8.000000000e+00, v11;
	v0 =	vld [tilespmem:s0+$0xFFFFFE90]  }
0xbe: {  	v62 =	vadd.s32 v31, v45;
	v63 =	vadd.f32 v61, v36  }
0xbf: {  	[tilespmem:v37+s20+$0x0] =	vst.idx.msk $0xffff, v54;
	v37 =	vld [tilespmem:s0+$0xFFFFFF10];
	v36 =	vadd.f32 v44, v36;
	v44 =	vadd.s32 v16, v50  }
0xc0: {  	v58 =	vld [tilespmem:s0+$0xFFFFFF90];
	[tilespmem:v55+s20+$0x0] =	vst.idx.msk $0xffff, v57;
	v55 =	vadd.s32 v9, v48;
	v54 =	vmul.f32 $8.000000000e+00, v60  }
0xc1: {  	[tilespmem:v59+s20+$0x0] =	vst.idx.msk $0xffff, v63;
	v59 =	vadd.s32 v5, v49;
	v57 =	vld [tilespmem:s0+$0x10];
	v2 =	vmul.f32 $8.000000000e+00, v2  }
0xc2: {  	[tilespmem:v53+s20+$0x0] =	vst.idx.msk $0xffff, v56;
	v0 =	vmul.f32 $8.000000000e+00, v0;
	v54 =	vadd.f32 v54, v35  }
0xc3: {  	v60 =	vld [tilespmem:s0+$0x90];
	[tilespmem:v62+s20+$0x0] =	vst.idx.msk $0xffff, v36;
	v2 =	vadd.f32 v2, v35  }
0xc4: {  	v53 =	vadd.s32 v21, v46;
	v61 =	vld [tilespmem:s0+$0x110];
	v37 =	vmul.f32 $8.000000000e+00, v37;
	[tilespmem:v44+s20+$0x0] =	vst.idx.msk $0xffff, v54;
	v0 =	vadd.f32 v0, v35  }
0xc5: {  	v51 =	vadd.f32 v51, v33;
	v44 =	vmul.f32 $8.000000000e+00, v58;
	v54 =	vadd.s32 v25, v12;
	[tilespmem:v55+s20+$0x0] =	vst.idx.msk $0xffff, v2;
	v56 =	vld [tilespmem:s0+$0x1A0]  }
0xc6: {  	v36 =	vadd.s32 v17, v47;
	v2 =	vadd.f32 v37, v35;
	v37 =	vmul.f32 $8.000000000e+00, v57;
	[tilespmem:v59+s20+$0x0] =	vst.idx.msk $0xffff, v0;
	v0 =	vld [tilespmem:s0+$0xFFFFFE20]  }
0xc7: {  	[tilespmem:v43+s20+$0x0] =	vst.idx.msk $0xffff, v52;
	v55 =	vadd.s32 v29, v7;
	v44 =	vadd.f32 v44, v35  }
0xc8: {  	[tilespmem:v42+s20+$0x0] =	vst.idx.msk $0xffff, v51;
	v58 =	vadd.s32 v3, v45;
	v60 =	vmul.f32 $8.000000000e+00, v60;
	v63 =	vadd.f32 v37, v35  }
0xc9: {  	v59 =	vmul.f32 $8.000000000e+00, v61;
	v37 =	vadd.s32 v4, v50;
	[tilespmem:v53+s20+$0x0] =	vst.idx.msk $0xffff, v44  }
0xca: {  	v60 =	vadd.f32 v60, v35;
	v53 =	vadd.s32 v6, v48;
	[tilespmem:v54+s20+$0x0] =	vst.idx.msk $0xffff, v63;
	v63 =	vmul.f32 $8.000000000e+00, v56  }
0xcb: {  	[tilespmem:v36+s20+$0x0] =	vst.idx.msk $0xffff, v2;
	v2 =	vld [tilespmem:s0+$0xFFFFFEA0];
	v61 =	vadd.f32 v59, v35;
	v0 =	vmul.f32 $8.000000000e+00, v0  }
0xcc: {  	v44 =	vld [tilespmem:s0+$0xFFFFFF20];
	[tilespmem:v55+s20+$0x0] =	vst.idx.msk $0xffff, v60;
	v55 =	vadd.f32 v63, v34  }
0xcd: {  	v36 =	vld [tilespmem:s0+$0xFFFFFFA0];
	[tilespmem:v58+s20+$0x0] =	vst.idx.msk $0xffff, v61;
	v0 =	vadd.f32 v0, v34  }
0xce: {  	v54 =	vld [tilespmem:s0+$0x20];
	[tilespmem:v37+s20+$0x0] =	vst.idx.msk $0xffff, v55  }
0xcf: {  	v23 =	vld [tilespmem:$0x1FF30];
	[tilespmem:v53+s20+$0x0] =	vst.idx.msk $0xffff, v0  }
0xd0: {  	v27 =	vld [tilespmem:$0x1FF70]  }
0xd1: {  	v35 =	vadd.s32 v20, v49;
	v60 =	vld [tilespmem:s0+$0xA0]  }
0xd2: {  	v43 =	vadd.s32 v24, v47;
	v2 =	vmul.f32 $8.000000000e+00, v2;
	v52 =	vld [tilespmem:s0+$0x120]  }
0xd3: {  	v63 =	vadd.s32 v28, v46;
	v61 =	vmul.f32 $8.000000000e+00, v44  }
0xd4: {  	v2 =	vadd.f32 v2, v34;
	v36 =	vmul.f32 $8.000000000e+00, v36;
	v57 =	vadd.s32 v23, v12  }
0xd5: {  	v0 =	vadd.f32 v61, v34;
	v58 =	vmul.f32 $8.000000000e+00, v54;
	v53 =	vld [tilespmem:s0+$0x1B0];
	v51 =	vadd.s32 v27, v7  }
0xd6: {  	v54 =	vadd.s32 v32, v45;
	[tilespmem:v35+s20+$0x0] =	vst.idx.msk $0xffff, v2;
	v2 =	vld [tilespmem:s0+$0xFFFFFE30];
	v59 =	vadd.f32 v36, v34;
	v60 =	vmul.f32 $8.000000000e+00, v60  }
0xd7: {  	[tilespmem:v43+s20+$0x0] =	vst.idx.msk $0xffff, v0;
	v0 =	vld [tilespmem:s0+$0xFFFFFEB0];
	v42 =	vadd.f32 v58, v34;
	v61 =	vmul.f32 $8.000000000e+00, v52  }
0xd8: {  	v52 =	vld [tilespmem:s0+$0xFFFFFF30];
	[tilespmem:v63+s20+$0x0] =	vst.idx.msk $0xffff, v59;
	v63 =	vadd.f32 v60, v34  }
0xd9: {  	v55 =	vmul.f32 $8.000000000e+00, v41;
	v37 =	vadd.s32 v13, v50;
	v56 =	vld [tilespmem:s0+$0xFFFFFFB0];
	[tilespmem:v57+s20+$0x0] =	vst.idx.msk $0xffff, v42;
	v57 =	vadd.f32 v61, v34  }
0xda: {  	v40 =	vadd.f32 v40, v33;
	v58 =	vadd.s32 v8, v48;
	v60 =	vmul.f32 $8.000000000e+00, v53;
	v59 =	vld [tilespmem:s0+$0x30];
	[tilespmem:v51+s20+$0x0] =	vst.idx.msk $0xffff, v63  }
0xdb: {  	v36 =	vadd.f32 v55, v33;
	v2 =	vmul.f32 $8.000000000e+00, v2;
	v61 =	vadd.s32 v10, v49;
	v63 =	vld [tilespmem:s0+$0xB0];
	[tilespmem:v54+s20+$0x0] =	vst.idx.msk $0xffff, v57  }
0xdc: {  	[tilespmem:v38+s20+$0x0] =	vst.idx.msk $0xffff, v40;
	v0 =	vmul.f32 $8.000000000e+00, v0;
	v35 =	vadd.f32 v60, v33;
	v51 =	vadd.s32 v14, v47;
	v53 =	vld [tilespmem:s0+$0x130]  }
0xdd: {  	v55 =	vadd.s32 v18, v46;
	[tilespmem:v39+s20+$0x0] =	vst.idx.msk $0xffff, v36;
	v2 =	vadd.f32 v2, v33;
	v54 =	vmul.f32 $8.000000000e+00, v52  }
0xde: {  	v0 =	vadd.f32 v0, v33;
	v56 =	vmul.f32 $8.000000000e+00, v56;
	[tilespmem:v37+s20+$0x0] =	vst.idx.msk $0xffff, v35;
	v57 =	vadd.s32 v22, v12  }
0xdf: {  	[tilespmem:v58+s20+$0x0] =	vst.idx.msk $0xffff, v2;
	v2 =	vadd.f32 v54, v33;
	v58 =	vmul.f32 $8.000000000e+00, v59;
	v59 =	vadd.s32 v26, v7  }
0xe0: {  	[tilespmem:v61+s20+$0x0] =	vst.idx.msk $0xffff, v0;
	v0 =	vadd.f32 v56, v33;
	v61 =	vadd.s32 v30, v45;
	v60 =	vmul.f32 $8.000000000e+00, v63  }
0xe1: {  	[tilespmem:v51+s20+$0x0] =	vst.idx.msk $0xffff, v2;
	v2 =	vadd.f32 v58, v33;
	v63 =	vmul.f32 $8.000000000e+00, v53  }
0xe2: {  	s13 =	sshll.u32 s29, $0x14;
	[tilespmem:v55+s20+$0x0] =	vst.idx.msk $0xffff, v0;
	v0 =	vadd.f32 v60, v33  }
0xe3: {  	s0 =	sor.u32 s7, s13;
	[tilespmem:v57+s20+$0x0] =	vst.idx.msk $0xffff, v2;
	v2 =	vadd.f32 v63, v33  }
0xe4: {  	s0 =	sshrl.u32 s0, $0x3;
	[tilespmem:v59+s20+$0x0] =	vst.idx.msk $0xffff, v0  }
0xe5: {  	s14 =	simm.s32 $0x19600;
	s1 =	sadd.s32 s2, s0;
	[tilespmem:v61+s20+$0x0] =	vst.idx.msk $0xffff, v2  }
0xe6: {  	[hbm4b:s1+s3] =	stream.linear.scatter [tilespmem:s14], [sflag:$0x5], $0x80, $0x38;
	[tilespmem:$0x1DA00] =	vst v63  }
0xe7: {  	s10 =	simm.s32 $0x19688;
	s12 =	sadd.s32 $0x10, s1  }
0xe8: {  	[hbm4b:s12+s3] =	stream.linear.scatter [tilespmem:s10], [sflag:$0x5], $0x80, $0x38;
	[tilespmem:$0x1DA00] =	vst v63  }
0xe9: {  	s13 =	simm.s32 $0x19710;
	s0 =	simm.s32 $0x440;
	s14 =	sadd.s32 $0x20, s1  }
0xea: {  	[hbm4b:s14+s3] =	stream.linear.scatter [tilespmem:s13], [sflag:$0x5], $0x80, $0x38;
	[tilespmem:$0x1DA00] =	vst v63  }
0xeb: {  	s31 =	sadd.s32 $0x70, s1;
	s10 =	simm.s32 $0x19798;
	s12 =	sadd.s32 $0x30, s1  }
0xec: {  	[hbm4b:s12+s3] =	stream.linear.scatter [tilespmem:s10], [sflag:$0x5], $0x80, $0x38;
	[tilespmem:$0x1DA00] =	vst v63  }
0xed: {  	s13 =	simm.s32 $0x19820;
	s14 =	sadd.s32 $0x40, s1;
	s10 =	simm.s32 $0x198A8  }
0xee: {  	[hbm4b:s14+s3] =	stream.linear.scatter [tilespmem:s13], [sflag:$0x5], $0x80, $0x38;
	[tilespmem:$0x1DA00] =	vst v63  }
0xef: {  	s12 =	sadd.s32 $0x50, s1;
	s13 =	simm.s32 $0x19930;
	s14 =	sadd.s32 $0x60, s1  }
0xf0: {  	[hbm4b:s12+s3] =	stream.linear.scatter [tilespmem:s10], [sflag:$0x5], $0x80, $0x38;
	[tilespmem:$0x1DA00] =	vst v63  }
0xf1: {  	v15 =	vmov v24;
	v19 =	vmov v28;
	s1 =	sadd.s32 $0x1000, s1;
	s10 =	simm.s32 $0x2200;
	s12 =	simm.s32 $0x199B8  }
0xf2: {  	v11 =	vmovc v20;
	v62 =	vmovc v29;
	v29 =	vmov v3;
	v7 =	vmov v6;
	v63 =	vmov v13;
	[hbm4b:s14+s3] =	stream.linear.scatter [tilespmem:s13], [sflag:$0x5], $0x80, $0x38;
	[tilespmem:$0x1DA00] =	vst v63  }
.LBB2_5:
0xf3: {  	[hbm4b:s31+s3] =	stream.linear.scatter [tilespmem:s12], [sflag:$0x5], $0x80, $0x38;
	[tilespmem:$0x1DA00] =	vst v63  }
0xf4: {  	s12 =	smov.u32 s0;
	s0 =	smov.u32 s10  }
0xf5: {  	s13 =	sadd.s32 $0x1100, s10;
	s0 =	sshra.s32 s0, $0x2;
	s31 =	sadd.s32 $0x19600, s12  }
0xf6: {  	[hbm4b:s1+s3] =	stream.linear.scatter [tilespmem:s31], [sflag:$0x5], $0x80, $0x38;
	[tilespmem:$0x1DA00] =	vst v63  }
0xf7: {  	p0 =	sne.s32 s10, $0x7700;
	s10 =	sadd.s32 $0x19688, s12;
	s31 =	sadd.s32 $0x10, s1  }
0xf8: {  	[hbm4b:s31+s3] =	stream.linear.scatter [tilespmem:s10], [sflag:$0x5], $0x80, $0x38;
	[tilespmem:$0x1DA00] =	vst v63  }
0xf9: {  	s10 =	sadd.s32 $0x19710, s12;
	s31 =	sadd.s32 $0x20, s1  }
0xfa: {  	[hbm4b:s31+s3] =	stream.linear.scatter [tilespmem:s10], [sflag:$0x5], $0x80, $0x38;
	[tilespmem:$0x1DA00] =	vst v63  }
0xfb: {  	s10 =	sadd.s32 $0x19798, s12;
	s31 =	sadd.s32 $0x30, s1  }
0xfc: {  	[hbm4b:s31+s3] =	stream.linear.scatter [tilespmem:s10], [sflag:$0x5], $0x80, $0x38;
	[tilespmem:$0x1DA00] =	vst v63  }
0xfd: {  	s10 =	sadd.s32 $0x19820, s12;
	s31 =	sadd.s32 $0x40, s1  }
0xfe: {  	[hbm4b:s31+s3] =	stream.linear.scatter [tilespmem:s10], [sflag:$0x5], $0x80, $0x38;
	[tilespmem:$0x1DA00] =	vst v63  }
.Ltmp3:
0xff: {  	s10 =	sadd.s32 $0x198A8, s12;
	s31 =	sadd.s32 $0x50, s1;
	(pc) =	sbr.rel @p0 .LBB2_5-.Ltmp3, $4  }
0x100: {  	[hbm4b:s31+s3] =	stream.linear.scatter [tilespmem:s10], [sflag:$0x5], $0x80, $0x38;
	[tilespmem:$0x1DA00] =	vst v63  }
0x101: {  	s10 =	sadd.s32 $0x19930, s12;
	s31 =	sadd.s32 $0x60, s1;
	s12 =	sadd.s32 $0x199B8, s12  }
0x102: {  	[hbm4b:s31+s3] =	stream.linear.scatter [tilespmem:s10], [sflag:$0x5], $0x80, $0x38;
	[tilespmem:$0x1DA00] =	vst v63  }
0x103: {  	s31 =	sadd.s32 $0x70, s1;
	s1 =	sadd.s32 $0x1000, s1;
	s10 =	smov.u32 s13  }
0x104: {  	[hbm4b:s31+s3] =	stream.linear.scatter [tilespmem:s12], [sflag:$0x5], $0x80, $0x38;
	[tilespmem:$0x1DA00] =	vst v63  }
0x105: {  	s10 =	sadd.s32 $0x19600, s0  }
0x106: {  	[hbm4b:s1+s3] =	stream.linear.scatter [tilespmem:s10], [sflag:$0x5], $0x80, $0x38;
	[tilespmem:$0x1DA00] =	vst v63  }
0x107: {  	s13 =	sadd.s32 $0x19688, s0;
	s14 =	sadd.s32 $0x10, s1  }
0x108: {  	[hbm4b:s14+s3] =	stream.linear.scatter [tilespmem:s13], [sflag:$0x5], $0x80, $0x38;
	[tilespmem:$0x1DA00] =	vst v63  }
0x109: {  	s13 =	sadd.s32 $0x19710, s0;
	s14 =	sadd.s32 $0x20, s1  }
0x10a: {  	[hbm4b:s14+s3] =	stream.linear.scatter [tilespmem:s13], [sflag:$0x5], $0x80, $0x38;
	[tilespmem:$0x1DA00] =	vst v63  }
0x10b: {  	s13 =	sadd.s32 $0x19798, s0;
	s14 =	sadd.s32 $0x30, s1  }
0x10c: {  	[hbm4b:s14+s3] =	stream.linear.scatter [tilespmem:s13], [sflag:$0x5], $0x80, $0x38;
	[tilespmem:$0x1DA00] =	vst v63  }
0x10d: {  	s12 =	sadd.s32 $0x19930, s0;
	s13 =	sadd.s32 $0x19820, s0;
	s14 =	sadd.s32 $0x40, s1  }
0x10e: {  	[hbm4b:s14+s3] =	stream.linear.scatter [tilespmem:s13], [sflag:$0x5], $0x80, $0x38;
	[tilespmem:$0x1DA00] =	vst v63  }
0x10f: {  	p0 =	seq.s32 s29, $0x31;
	s13 =	sadd.s32 $0x198A8, s0;
	s14 =	sadd.s32 $0x50, s1  }
0x110: {  	[hbm4b:s14+s3] =	stream.linear.scatter [tilespmem:s13], [sflag:$0x5], $0x80, $0x38;
	[tilespmem:$0x1DA00] =	vst v63  }
0x111: {  	s13 =	sadd.s32 $0x60, s1;
	s14 =	sadd.s32 $0x199B8, s0;
	s0 =	sshll.u32 @!p0 s29, $0x9  }
0x112: {  	[hbm4b:s13+s3] =	stream.linear.scatter [tilespmem:s12], [sflag:$0x5], $0x80, $0x38;
	[tilespmem:$0x1DA00] =	vst v63  }
0x113: {  	s10 =	sadd.s32 $0x70, s1;
	s31 =	sand.u32 @!p0 $0x3FFFFE00, s0  }
0x114: {  	[hbm4b:s10+s3] =	stream.linear.scatter [tilespmem:s14], [sflag:$0x5], $0x80, $0x38;
	[tilespmem:$0x1DA00] =	vst v63  }
0x115: {  	s1 =	simm.s32 @!p0 $0x80;
	s0 =	sadd.s32 @!p0 $0x200, s31;
	s10 =	simm.s32 @!p0 $0x9600  }
0x116: {  	[tilespmem:s10], [sflag:$0x1] =	stream.indirect.gather @!p0 [hbm4b:s5+s1], $0x80, s0, s1, $0xb8;
	[tilespmem:$0x1DA00] =	vst v63  }
0x117: {  	_ =	swait.ge [sflag:s21], $0x4000  }
0x118: {  	[sflag:s21] =	ssyncset.done $0x0  }
0x119: {  	s1 =	simm.s32 @!p1 $0x6;
	[sflag:s21] =	ssyncadd.s32 $0xFFFFC000  }
0x11a: {  	_ =	swait.ge @!p1 [sflag:s1], $0x2000  }
0x11b: {  	s13 =	simm.s32 $0x1;
	v31 =	vld [tilespmem:$0x1FFD0]  }
0x11c: {  	s12 =	simm.s32 $0x0;
	v2 =	vmov s13;
	s13 =	simm.s32 $0x3;
	v3 =	vld [tilespmem:$0x1FE10]  }
0x11d: {  	v0 =	vmov s12;
	v34 =	vmov s13;
	s13 =	simm.s32 $0x5;
	v9 =	vld [tilespmem:$0x1FE50]  }
0x11e: {  	s14 =	simm.s32 $0x2;
	v0 =	vshrl.u32 v0, $0x3;
	v38 =	vmov s13;
	s13 =	simm.s32 $0x7;
	[sflag:s1] =	ssyncset.done @!p1 $0x0;
	v8 =	vld [tilespmem:$0x1FE90]  }
0x11f: {  	v2 =	vshrl.u32 v2, $0x3;
	v33 =	vmov s14;
	s0 =	sor.u32 $0x1, s30;
	v41 =	vmov s13;
	v12 =	vld [tilespmem:$0x1FED0];
	[sflag:s1] =	ssyncadd.s32 @!p1 $0xFFFFE000;
	s1 =	simm.s32 $0xD9B0  }
0x120: {  	s14 =	simm.s32 $0x4;
	v0 =	vshll.u32 v0, v1;
	v2 =	vshll.u32 v2, v1;
	s12 =	sshll.u32 s0, $0x6;
	v41 =	vshrl.u32 v41, $0x3;
	v46 =	vld [tilespmem:s1+$0xFFFFFFD0]  }
0x121: {  	v37 =	vmov s14;
	s14 =	simm.s32 $0x6;
	v43 =	vbroadcast v0, $0x0;
	s12 =	sand.u32 $0x3FFFFFC0, s12;
	v0 =	vshll.u32 v41, v1;
	v47 =	vld [tilespmem:s1+$0xFFFFFC50]  }
0x122: {  	v39 =	vmov s14;
	v37 =	vshrl.u32 v37, $0x3;
	v45 =	vbroadcast v0, $0x0;
	v36 =	vld [tilespmem:s12+$0x6400]  }
0x123: {  	v44 =	vbroadcast v2, $0x0;
	v39 =	vshrl.u32 v39, $0x3;
	v37 =	vshll.u32 v37, v1;
	v16 =	vld [tilespmem:$0x1FF10]  }
0x124: {  	v2 =	vshll.u32 v39, v1;
	v39 =	vbroadcast v37, $0x0;
	v35 =	vld [tilespmem:s12+$0x6410];
	v37 =	vadd.s32 v31, v45  }
0x125: {  	v40 =	vshrl.u32 v34, $0x3;
	v34 =	vld [tilespmem:s12+$0x6420];
	v50 =	vadd.s32 v3, v43;
	v58 =	vmul.f32 $8.000000000e+00, v46  }
0x126: {  	v48 =	vld [tilespmem:s1+$0xFFFFFCD0];
	v59 =	vmul.f32 $8.000000000e+00, v47  }
0x127: {  	v33 =	vshrl.u32 v33, $0x3;
	v0 =	vld [tilespmem:s1+$0xFFFFFD50];
	v54 =	vadd.f32 v58, v36  }
0x128: {  	v33 =	vshll.u32 v33, v1;
	v49 =	vld [tilespmem:s1+$0xFFFFFDD0];
	v46 =	vadd.f32 v59, v36  }
0x129: {  	v38 =	vshrl.u32 v38, $0x3;
	v42 =	vbroadcast v33, $0x0;
	v33 =	vld [tilespmem:s12+$0x6430];
	[tilespmem:v37+s22+$0x0] =	vst.idx.msk $0xffff, v54  }
0x12a: {  	v40 =	vshll.u32 v40, v1;
	v38 =	vshll.u32 v38, v1;
	v51 =	vld [tilespmem:s1+$0xFFFFFE50];
	[tilespmem:v50+s22+$0x0] =	vst.idx.msk $0xffff, v46  }
0x12b: {  	v41 =	vbroadcast v40, $0x0;
	v40 =	vbroadcast v38, $0x0;
	v60 =	vadd.s32 v9, v44;
	v20 =	vld [tilespmem:$0x1FF50]  }
0x12c: {  	v38 =	vbroadcast v2, $0x0;
	v52 =	vld [tilespmem:s1+$0xFFFFFED0];
	v61 =	vadd.s32 v8, v42;
	v2 =	vmul.f32 $8.000000000e+00, v48  }
0x12d: {  	v55 =	vadd.s32 v12, v41;
	v0 =	vmul.f32 $8.000000000e+00, v0  }
0x12e: {  	v56 =	vadd.s32 v16, v39;
	v49 =	vmul.f32 $8.000000000e+00, v49;
	v2 =	vadd.f32 v2, v36  }
0x12f: {  	v57 =	vmul.f32 $8.000000000e+00, v51;
	v0 =	vadd.f32 v0, v36  }
0x130: {  	v53 =	vld [tilespmem:s1+$0xFFFFFF50];
	[tilespmem:v60+s22+$0x0] =	vst.idx.msk $0xffff, v2;
	v2 =	vadd.f32 v49, v36;
	v46 =	vadd.s32 v20, v40  }
0x131: {  	v58 =	vmul.f32 $8.000000000e+00, v52;
	v24 =	vld [tilespmem:$0x1FF90];
	[tilespmem:v61+s22+$0x0] =	vst.idx.msk $0xffff, v0;
	v0 =	vadd.f32 v57, v36  }
0x132: {  	v50 =	vld [tilespmem:s1+$0xFFFFFFE0];
	[tilespmem:v55+s22+$0x0] =	vst.idx.msk $0xffff, v2  }
0x133: {  	v51 =	vld [tilespmem:s1+$0xFFFFFC60];
	v2 =	vadd.f32 v58, v36;
	[tilespmem:v56+s22+$0x0] =	vst.idx.msk $0xffff, v0  }
0x134: {  	v32 =	vld [tilespmem:$0x1FFE0]  }
0x135: {  	v5 =	vld [tilespmem:$0x1FE20];
	[tilespmem:v46+s22+$0x0] =	vst.idx.msk $0xffff, v2  }
0x136: {  	v10 =	vld [tilespmem:$0x1FE60]  }
0x137: {  	v54 =	vld [tilespmem:s1+$0xFFFFFCE0];
	v49 =	vadd.s32 v24, v38  }
0x138: {  	s14 =	simm.s32 $0x8;
	v60 =	vmul.f32 $8.000000000e+00, v53;
	v52 =	vld [tilespmem:s1+$0xFFFFFD60]  }
0x139: {  	v59 =	vmov s14;
	v61 =	vld [tilespmem:s1+$0xFFFFFDE0];
	v37 =	vadd.s32 v32, v45  }
0x13a: {  	v0 =	vadd.f32 v60, v36;
	v57 =	vld [tilespmem:s1+$0xFFFFFE60];
	v56 =	vadd.s32 v5, v43;
	v2 =	vmul.f32 $8.000000000e+00, v50  }
0x13b: {  	v48 =	vshrl.u32 v59, $0x3;
	v60 =	vmul.f32 $8.000000000e+00, v51;
	v58 =	vld [tilespmem:s1+$0xFFFFFEE0];
	v51 =	vadd.s32 v10, v44  }
0x13c: {  	[tilespmem:v49+s22+$0x0] =	vst.idx.msk $0xffff, v0;
	v0 =	vmul.f32 $8.000000000e+00, v54;
	v49 =	vadd.s32 v17, v42;
	v2 =	vadd.f32 v2, v35  }
0x13d: {  	v59 =	vadd.s32 v21, v41;
	v52 =	vmul.f32 $8.000000000e+00, v52;
	v50 =	vadd.f32 v60, v35;
	v54 =	vld [tilespmem:s1+$0xFFFFFF60]  }
0x13e: {  	v53 =	vmul.f32 $8.000000000e+00, v61;
	v60 =	vadd.s32 v25, v39;
	v0 =	vadd.f32 v0, v35;
	[tilespmem:v37+s22+$0x0] =	vst.idx.msk $0xffff, v2  }
0x13f: {  	v61 =	vmul.f32 $8.000000000e+00, v57;
	[tilespmem:v56+s22+$0x0] =	vst.idx.msk $0xffff, v50;
	v2 =	vadd.f32 v52, v35;
	v50 =	vadd.s32 v62, v40;
	v52 =	vld [tilespmem:s1+$0xFFFFFFF0]  }
0x140: {  	v26 =	vmov v62;
	s12 =	simm.s32 $0x9;
	v56 =	vld [tilespmem:s1+$0xFFFFFC70];
	v62 =	vmul.f32 $8.000000000e+00, v58;
	[tilespmem:v51+s22+$0x0] =	vst.idx.msk $0xffff, v0;
	v0 =	vadd.f32 v53, v35  }
0x141: {  	v47 =	vmov s12;
	[tilespmem:v49+s22+$0x0] =	vst.idx.msk $0xffff, v2;
	v2 =	vadd.f32 v61, v35;
	v53 =	vadd.s32 v29, v38;
	v58 =	vld [tilespmem:s1+$0xFFFFFCF0]  }
0x142: {  	s13 =	simm.s32 $0xA;
	v37 =	vshll.u32 v48, v1;
	v61 =	vmul.f32 $8.000000000e+00, v54;
	v48 =	vld [tilespmem:s1+$0xFFFFFD70];
	[tilespmem:v59+s22+$0x0] =	vst.idx.msk $0xffff, v0;
	v0 =	vadd.f32 v62, v35  }
0x143: {  	v55 =	vmov s13;
	v49 =	vadd.s32 v4, v45;
	[tilespmem:v60+s22+$0x0] =	vst.idx.msk $0xffff, v2;
	v60 =	vshrl.u32 v47, $0x3;
	v59 =	vld [tilespmem:s1+$0xFFFFFDF0]  }
0x144: {  	v47 =	vadd.s32 v7, v43;
	v2 =	vadd.f32 v61, v35;
	v61 =	vld [tilespmem:s1+$0xFFFFFE70];
	[tilespmem:v50+s22+$0x0] =	vst.idx.msk $0xffff, v0;
	v0 =	vmul.f32 $8.000000000e+00, v52  }
0x145: {  	v62 =	vmul.f32 $8.000000000e+00, v56;
	v50 =	vshrl.u32 v55, $0x3;
	v55 =	vadd.s32 v11, v44  }
0x146: {  	[tilespmem:v53+s22+$0x0] =	vst.idx.msk $0xffff, v2;
	v53 =	vadd.s32 v15, v42;
	v2 =	vmul.f32 $8.000000000e+00, v58;
	v0 =	vadd.f32 v0, v34  }
0x147: {  	v48 =	vmul.f32 $8.000000000e+00, v48;
	v52 =	vadd.f32 v62, v34;
	v62 =	vadd.s32 v19, v41  }
0x148: {  	[tilespmem:v49+s22+$0x0] =	vst.idx.msk $0xffff, v0;
	v0 =	vadd.f32 v2, v34;
	v2 =	vmul.f32 $8.000000000e+00, v59;
	v59 =	vadd.s32 v23, v39  }
0x149: {  	s14 =	simm.s32 $0xB;
	v56 =	vld [tilespmem:s1+$0xFFFFFEF0];
	[tilespmem:v47+s22+$0x0] =	vst.idx.msk $0xffff, v52;
	v47 =	vadd.f32 v48, v34;
	v49 =	vmul.f32 $8.000000000e+00, v61  }
0x14a: {  	v46 =	vmov s14;
	[tilespmem:v55+s22+$0x0] =	vst.idx.msk $0xffff, v0;
	v2 =	vadd.f32 v2, v34  }
0x14b: {  	v48 =	vshrl.u32 v46, $0x3;
	v46 =	vadd.f32 v49, v34;
	v28 =	vld [tilespmem:$0x1FFB0];
	[tilespmem:v53+s22+$0x0] =	vst.idx.msk $0xffff, v47  }
0x14c: {  	v58 =	vld [tilespmem:s1+$0xFFFFFF70];
	[tilespmem:v62+s22+$0x0] =	vst.idx.msk $0xffff, v2  }
0x14d: {  	v52 =	vadd.s32 v27, v40;
	v61 =	vld [tilespmem:s1+$0x0];
	[tilespmem:v59+s22+$0x0] =	vst.idx.msk $0xffff, v46  }
0x14e: {  	v55 =	vmul.f32 $8.000000000e+00, v56;
	v6 =	vld [tilespmem:$0x1FE40]  }
0x14f: {  	v0 =	vld [tilespmem:s1+$0xFFFFFC80]  }
0x150: {  	s12 =	simm.s32 $0xC;
	v55 =	vadd.f32 v55, v34  }
0x151: {  	s13 =	simm.s32 $0xD;
	v57 =	vmov s12;
	v58 =	vmul.f32 $8.000000000e+00, v58;
	v56 =	vadd.s32 v28, v38  }
0x152: {  	v45 =	vadd.s32 v63, v45;
	v54 =	vmov s13;
	v47 =	vshrl.u32 v57, $0x3;
	[tilespmem:v52+s22+$0x0] =	vst.idx.msk $0xffff, v55  }
0x153: {  	s14 =	simm.s32 $0xE;
	v57 =	vadd.f32 v58, v34;
	v61 =	vmul.f32 $8.000000000e+00, v61;
	v13 =	vld [tilespmem:$0x1FE80];
	v58 =	vadd.s32 v6, v43  }
0x154: {  	v51 =	vmov s14;
	v49 =	vshrl.u32 v54, $0x3;
	v53 =	vld [tilespmem:s1+$0xFFFFFD00];
	v0 =	vmul.f32 $8.000000000e+00, v0  }
0x155: {  	v54 =	vshll.u32 v60, v1;
	v46 =	vshrl.u32 v51, $0x3;
	v51 =	vld [tilespmem:s1+$0xFFFFFE00];
	v60 =	vadd.f32 v61, v33  }
0x156: {  	v14 =	vmov v17;
	v17 =	vld [tilespmem:$0x1FEC0];
	v0 =	vadd.f32 v0, v33;
	[tilespmem:v56+s22+$0x0] =	vst.idx.msk $0xffff, v57  }
0x157: {  	v18 =	vmov v21;
	v21 =	vld [tilespmem:$0x1FF00];
	[tilespmem:v45+s22+$0x0] =	vst.idx.msk $0xffff, v60  }
0x158: {  	v22 =	vmov v25;
	v44 =	vadd.s32 v13, v44;
	v25 =	vld [tilespmem:$0x1FF40];
	[tilespmem:v58+s22+$0x0] =	vst.idx.msk $0xffff, v0  }
0x159: {  	v62 =	vmul.f32 $8.000000000e+00, v53;
	v0 =	vld [tilespmem:$0x1FF80]  }
0x15a: {  	v2 =	vld [tilespmem:s1+$0xFFFFFD80]  }
0x15b: {  	v52 =	vld [tilespmem:s1+$0xFFFFFE80];
	v61 =	vadd.f32 v62, v33;
	_ =	sdelay $0x1  }
0x15c: {  	v55 =	vshll.u32 v50, v1;
	v50 =	vld [tilespmem:s1+$0xFFFFFF00];
	v62 =	vmul.f32 $8.000000000e+00, v51;
	[tilespmem:v44+s22+$0x0] =	vst.idx.msk $0xffff, v61  }
0x15d: {  	v53 =	vadd.s32 v17, v42;
	v42 =	vadd.s32 v25, v39;
	v39 =	vadd.s32 v0, v40;
	v0 =	vld [tilespmem:$0x1FFC0]  }
0x15e: {  	v2 =	vmul.f32 $8.000000000e+00, v2  }
0x15f: {  	v30 =	vmovc v29;
	v29 =	vmov v24;
	v51 =	vmul.f32 $8.000000000e+00, v52;
	v52 =	vadd.f32 v62, v33  }
0x160: {  	v24 =	vmovc v4;
	v56 =	vadd.f32 v2, v33;
	v43 =	vadd.s32 v21, v41;
	v21 =	vmovc v16;
	v16 =	vmov v17  }
0x161: {  	v17 =	vmovc v12;
	v12 =	vmovc v13;
	v13 =	vmov v8;
	v8 =	vmov v6;
	v6 =	vmov v5  }
0x162: {  	s10 =	simm.s32 $0x10;
	s12 =	simm.s32 $0xF;
	v41 =	vld [tilespmem:s1+$0xFFFFFF80];
	v5 =	vmovc v3;
	v25 =	vmovc v20;
	v20 =	vmov v63;
	v40 =	vmul.f32 $8.000000000e+00, v50;
	v38 =	vadd.s32 v0, v38  }
.LBB2_7:
0x163: {  	_ =	sdelay $0x1  }
0x164: {  	v0 =	vmov s12;
	s1 =	sadd.s32 $0x400, s1  }
0x165: {  	v48 =	vshll.u32 v48, v1;
	v47 =	vshll.u32 v47, v1;
	v49 =	vshll.u32 v49, v1;
	v50 =	vld [tilespmem:s1+$0xFFFFFFD0]  }
0x166: {  	[tilespmem:v53+s22+$0x0] =	vst.idx.msk $0xffff, v56;
	v2 =	vadd.f32 v51, v33;
	v0 =	vshrl.u32 v0, $0x3;
	v58 =	vld [tilespmem:s1+$0xFFFFFC50];
	v44 =	vmul.f32 $8.000000000e+00, v41  }
0x167: {  	[tilespmem:v43+s22+$0x0] =	vst.idx.msk $0xffff, v52;
	v40 =	vadd.f32 v40, v33;
	v59 =	vld [tilespmem:s1+$0xFFFFFCD0];
	v0 =	vshll.u32 v0, v1  }
0x168: {  	v43 =	vbroadcast v55, $0x0;
	[tilespmem:v42+s22+$0x0] =	vst.idx.msk $0xffff, v2;
	v45 =	vbroadcast v0, $0x0;
	v2 =	vadd.f32 v44, v33  }
0x169: {  	v46 =	vshll.u32 v46, v1;
	[tilespmem:v39+s22+$0x0] =	vst.idx.msk $0xffff, v40;
	v0 =	vld [tilespmem:s1+$0xFFFFFD50];
	v42 =	vbroadcast v48, $0x0;
	v41 =	vbroadcast v37, $0x0  }
0x16a: {  	v40 =	vbroadcast v47, $0x0;
	v47 =	vadd.s32 v31, v45;
	v44 =	vbroadcast v54, $0x0;
	[tilespmem:v38+s22+$0x0] =	vst.idx.msk $0xffff, v2;
	v2 =	vld [tilespmem:s1+$0xFFFFFDD0]  }
0x16b: {  	v39 =	vbroadcast v49, $0x0;
	v52 =	vld [tilespmem:s1+$0xFFFFFE50];
	v48 =	vadd.s32 v5, v41;
	v60 =	vmul.f32 $8.000000000e+00, v50  }
0x16c: {  	v63 =	vld [tilespmem:s1+$0xFFFFFED0];
	v61 =	vmul.f32 $8.000000000e+00, v58;
	v37 =	vmul.f32 $8.000000000e+00, v59;
	v62 =	vadd.s32 v9, v44  }
0x16d: {  	v38 =	vbroadcast v46, $0x0;
	v46 =	vadd.s32 v13, v43;
	v49 =	vadd.f32 v60, v36  }
0x16e: {  	v55 =	vadd.s32 v17, v42;
	v50 =	vadd.f32 v61, v36;
	v0 =	vmul.f32 $8.000000000e+00, v0;
	v54 =	vld [tilespmem:s1+$0xFFFFFF50]  }
0x16f: {  	v56 =	vadd.s32 v21, v40;
	v37 =	vadd.f32 v37, v36;
	[tilespmem:v47+s22+$0x0] =	vst.idx.msk $0xffff, v49;
	v2 =	vmul.f32 $8.000000000e+00, v2  }
0x170: {  	v60 =	vmul.f32 $8.000000000e+00, v52;
	v0 =	vadd.f32 v0, v36;
	[tilespmem:v48+s22+$0x0] =	vst.idx.msk $0xffff, v50;
	v48 =	vadd.s32 v25, v39;
	v49 =	vld [tilespmem:s1+$0xFFFFFFE0]  }
0x171: {  	v61 =	vmul.f32 $8.000000000e+00, v63;
	v50 =	vld [tilespmem:s1+$0xFFFFFC60];
	[tilespmem:v62+s22+$0x0] =	vst.idx.msk $0xffff, v37;
	v2 =	vadd.f32 v2, v36  }
0x172: {  	v51 =	vadd.s32 v29, v38;
	[tilespmem:v46+s22+$0x0] =	vst.idx.msk $0xffff, v0;
	v0 =	vadd.f32 v60, v36;
	v63 =	vld [tilespmem:s1+$0xFFFFFCE0]  }
0x173: {  	v59 =	vmul.f32 $8.000000000e+00, v54;
	v60 =	vld [tilespmem:s1+$0xFFFFFD60];
	[tilespmem:v55+s22+$0x0] =	vst.idx.msk $0xffff, v2;
	v2 =	vadd.f32 v61, v36  }
0x174: {  	v62 =	vmov s10;
	v46 =	vadd.s32 v32, v45;
	[tilespmem:v56+s22+$0x0] =	vst.idx.msk $0xffff, v0;
	v61 =	vld [tilespmem:s1+$0xFFFFFDE0]  }
0x175: {  	v56 =	vadd.s32 v6, v41;
	v0 =	vadd.f32 v59, v36;
	v57 =	vld [tilespmem:s1+$0xFFFFFE60];
	[tilespmem:v48+s22+$0x0] =	vst.idx.msk $0xffff, v2;
	v2 =	vmul.f32 $8.000000000e+00, v49  }
0x176: {  	v47 =	vshrl.u32 v62, $0x3;
	v62 =	vmul.f32 $8.000000000e+00, v50;
	v50 =	vadd.s32 v10, v44;
	v58 =	vld [tilespmem:s1+$0xFFFFFEE0]  }
0x177: {  	[tilespmem:v51+s22+$0x0] =	vst.idx.msk $0xffff, v0;
	v51 =	vadd.s32 v14, v43;
	v0 =	vmul.f32 $8.000000000e+00, v63;
	v2 =	vadd.f32 v2, v35  }
0x178: {  	v59 =	vadd.s32 v18, v42;
	v53 =	vld [tilespmem:s1+$0xFFFFFF60];
	v49 =	vadd.f32 v62, v35;
	v52 =	vmul.f32 $8.000000000e+00, v60  }
0x179: {  	v60 =	vadd.s32 v22, v40;
	v0 =	vadd.f32 v0, v35;
	v37 =	vmul.f32 $8.000000000e+00, v61;
	[tilespmem:v46+s22+$0x0] =	vst.idx.msk $0xffff, v2  }
0x17a: {  	[tilespmem:v56+s22+$0x0] =	vst.idx.msk $0xffff, v49;
	v49 =	vadd.s32 v26, v39;
	v2 =	vadd.f32 v52, v35;
	v46 =	vmul.f32 $8.000000000e+00, v57;
	v52 =	vld [tilespmem:s1+$0xFFFFFFF0]  }
0x17b: {  	v56 =	vld [tilespmem:s1+$0xFFFFFC70];
	[tilespmem:v50+s22+$0x0] =	vst.idx.msk $0xffff, v0;
	v0 =	vadd.f32 v37, v35;
	v50 =	vmul.f32 $8.000000000e+00, v58  }
0x17c: {  	v57 =	vadd.s32 v30, v38;
	v61 =	vld [tilespmem:s1+$0xFFFFFCF0];
	[tilespmem:v51+s22+$0x0] =	vst.idx.msk $0xffff, v2;
	v2 =	vadd.f32 v46, v35  }
0x17d: {  	s14 =	sadd.s32 $0x2, s10;
	v63 =	vmul.f32 $8.000000000e+00, v53;
	[tilespmem:v59+s22+$0x0] =	vst.idx.msk $0xffff, v0;
	v0 =	vadd.f32 v50, v35  }
0x17e: {  	v55 =	vmov s14;
	v37 =	vshll.u32 v47, v1;
	v46 =	vadd.s32 v24, v45;
	v47 =	vld [tilespmem:s1+$0xFFFFFD70];
	[tilespmem:v60+s22+$0x0] =	vst.idx.msk $0xffff, v2  }
0x17f: {  	v2 =	vadd.f32 v63, v35;
	v59 =	vadd.s32 v7, v41;
	v53 =	vld [tilespmem:s1+$0xFFFFFDF0];
	[tilespmem:v49+s22+$0x0] =	vst.idx.msk $0xffff, v0;
	v0 =	vmul.f32 $8.000000000e+00, v52  }
0x180: {  	v60 =	vld [tilespmem:s1+$0xFFFFFE70];
	v52 =	vshrl.u32 v55, $0x3;
	v49 =	vmul.f32 $8.000000000e+00, v56;
	v55 =	vadd.s32 v11, v44  }
0x181: {  	s13 =	sadd.s32 $0x1, s10;
	[tilespmem:v57+s22+$0x0] =	vst.idx.msk $0xffff, v2;
	v2 =	vmul.f32 $8.000000000e+00, v61;
	v56 =	vld [tilespmem:s1+$0xFFFFFEF0];
	v0 =	vadd.f32 v0, v34  }
0x182: {  	v54 =	vmov s13;
	v57 =	vadd.s32 v15, v43;
	v61 =	vld [tilespmem:s1+$0xFFFFFF70];
	v49 =	vadd.f32 v49, v34  }
0x183: {  	s13 =	sadd.s32 $0x3, s10;
	v62 =	vadd.s32 v19, v42;
	v47 =	vmul.f32 $8.000000000e+00, v47;
	v2 =	vadd.f32 v2, v34;
	[tilespmem:v46+s22+$0x0] =	vst.idx.msk $0xffff, v0  }
0x184: {  	v48 =	vmov s13;
	v63 =	vadd.s32 v23, v40;
	v53 =	vmul.f32 $8.000000000e+00, v53;
	[tilespmem:v59+s22+$0x0] =	vst.idx.msk $0xffff, v49  }
0x185: {  	v0 =	vadd.f32 v47, v34;
	v46 =	vmul.f32 $8.000000000e+00, v60;
	v59 =	vadd.s32 v27, v39;
	v60 =	vld [tilespmem:s1+$0x0];
	[tilespmem:v55+s22+$0x0] =	vst.idx.msk $0xffff, v2  }
0x186: {  	s13 =	sadd.s32 $0x5, s10;
	v2 =	vadd.f32 v53, v34;
	v53 =	vmul.f32 $8.000000000e+00, v56;
	v56 =	vadd.s32 v28, v38;
	v4 =	vld [tilespmem:s1+$0xFFFFFD00]  }
0x187: {  	v51 =	vmov s13;
	v3 =	vld [tilespmem:s1+$0xFFFFFC80];
	[tilespmem:v57+s22+$0x0] =	vst.idx.msk $0xffff, v0;
	v0 =	vadd.f32 v46, v34;
	v57 =	vmul.f32 $8.000000000e+00, v61  }
0x188: {  	s14 =	sadd.s32 $0x4, s10;
	v49 =	vshrl.u32 v51, $0x3;
	v51 =	vld [tilespmem:s1+$0xFFFFFD80];
	[tilespmem:v62+s22+$0x0] =	vst.idx.msk $0xffff, v2;
	v2 =	vadd.f32 v53, v34  }
0x189: {  	v58 =	vmov s14;
	s14 =	sadd.s32 $0x6, s10;
	v45 =	vadd.s32 v20, v45;
	[tilespmem:v63+s22+$0x0] =	vst.idx.msk $0xffff, v0;
	v0 =	vadd.f32 v57, v34;
	v62 =	vld [tilespmem:$0x1FF00]  }
0x18a: {  	v50 =	vmov s14;
	v44 =	vadd.s32 v12, v44;
	v63 =	vld [tilespmem:$0x1FF40];
	[tilespmem:v59+s22+$0x0] =	vst.idx.msk $0xffff, v2;
	v2 =	vmul.f32 $8.000000000e+00, v60  }
0x18b: {  	v46 =	vshrl.u32 v50, $0x3;
	v50 =	vld [tilespmem:s1+$0xFFFFFE00];
	[tilespmem:v56+s22+$0x0] =	vst.idx.msk $0xffff, v0;
	v0 =	vmul.f32 $8.000000000e+00, v4  }
0x18c: {  	v61 =	vld [tilespmem:s1+$0xFFFFFE80];
	v2 =	vadd.f32 v2, v33  }
0x18d: {  	v59 =	vld [tilespmem:s1+$0xFFFFFF00];
	v0 =	vadd.f32 v0, v33  }
0x18e: {  	v54 =	vshrl.u32 v54, $0x3;
	[tilespmem:v45+s22+$0x0] =	vst.idx.msk $0xffff, v2;
	v2 =	vld [tilespmem:$0x1FF80]  }
0x18f: {  	p1 =	slt.u32 s10, $0x78;
	v54 =	vshll.u32 v54, v1;
	v48 =	vshrl.u32 v48, $0x3;
	v57 =	vadd.s32 v8, v41;
	[tilespmem:v44+s22+$0x0] =	vst.idx.msk $0xffff, v0;
	v0 =	vld [tilespmem:$0x1FFC0]  }
.Ltmp4:
0x190: {  	v47 =	vshrl.u32 v58, $0x3;
	v55 =	vshll.u32 v52, v1;
	v3 =	vmul.f32 $8.000000000e+00, v3;
	(pc) =	sbr.rel @p1 .LBB2_7-.Ltmp4, $4  }
0x191: {  	v53 =	vadd.s32 v16, v43;
	v4 =	vmul.f32 $8.000000000e+00, v51;
	v50 =	vmul.f32 $8.000000000e+00, v50  }
0x192: {  	v3 =	vadd.f32 v3, v33;
	v43 =	vadd.s32 v62, v42;
	v42 =	vadd.s32 v63, v40  }
0x193: {  	v56 =	vadd.f32 v4, v33;
	v51 =	vmul.f32 $8.000000000e+00, v61;
	v52 =	vadd.f32 v50, v33  }
0x194: {  	s12 =	sadd.s32 $0x7, s10;
	s10 =	sadd.s32 $0x8, s10;
	v41 =	vld [tilespmem:s1+$0xFFFFFF80];
	[tilespmem:v57+s22+$0x0] =	vst.idx.msk $0xffff, v3;
	v40 =	vmul.f32 $8.000000000e+00, v59;
	v39 =	vadd.s32 v2, v39;
	v38 =	vadd.s32 v0, v38  }
0x195: {  	v0 =	vmov s12;
	s1 =	sadd.s32 $0x400, s1  }
0x196: {  	v2 =	vld [tilespmem:s1+$0xFFFFFFD0];
	v0 =	vshrl.u32 v0, $0x3  }
0x197: {  	v3 =	vshll.u32 v48, v1;
	v48 =	vbroadcast v37, $0x0;
	v4 =	vld [tilespmem:s1+$0xFFFFFC50];
	v0 =	vshll.u32 v0, v1  }
0x198: {  	v63 =	vshll.u32 v47, v1;
	v45 =	vshll.u32 v49, v1;
	v57 =	vld [tilespmem:s1+$0xFFFFFCD0];
	v50 =	vbroadcast v0, $0x0  }
0x199: {  	v49 =	vbroadcast v54, $0x0;
	v47 =	vbroadcast v55, $0x0;
	v54 =	vshll.u32 v46, v1;
	v0 =	vld [tilespmem:s1+$0xFFFFFD50]  }
0x19a: {  	v55 =	vld [tilespmem:s1+$0xFFFFFDD0];
	v46 =	vbroadcast v3, $0x0;
	v44 =	vbroadcast v63, $0x0;
	v3 =	vadd.s32 v31, v50  }
0x19b: {  	v59 =	vld [tilespmem:s1+$0xFFFFFE50];
	v37 =	vbroadcast v45, $0x0;
	v58 =	vadd.s32 v5, v48;
	v2 =	vmul.f32 $8.000000000e+00, v2  }
0x19c: {  	v61 =	vld [tilespmem:s1+$0xFFFFFED0];
	v45 =	vbroadcast v54, $0x0;
	v60 =	vadd.s32 v9, v49;
	v4 =	vmul.f32 $8.000000000e+00, v4  }
0x19d: {  	v31 =	vmul.f32 $8.000000000e+00, v57;
	v57 =	vadd.s32 v13, v47;
	v2 =	vadd.f32 v2, v36  }
0x19e: {  	v62 =	vld [tilespmem:s1+$0xFFFFFF50];
	v63 =	vadd.s32 v17, v46;
	v4 =	vadd.f32 v4, v36;
	v0 =	vmul.f32 $8.000000000e+00, v0  }
0x19f: {  	v54 =	vadd.s32 v21, v44;
	[tilespmem:v3+s22+$0x0] =	vst.idx.msk $0xffff, v2;
	v2 =	vadd.f32 v31, v36;
	v3 =	vmul.f32 $8.000000000e+00, v55  }
0x1a0: {  	v21 =	vmul.f32 $8.000000000e+00, v59;
	[tilespmem:v58+s22+$0x0] =	vst.idx.msk $0xffff, v4;
	v0 =	vadd.f32 v0, v36;
	v55 =	vadd.s32 v25, v37;
	v58 =	vld [tilespmem:s1+$0xFFFFFFE0]  }
0x1a1: {  	v31 =	vmul.f32 $8.000000000e+00, v61;
	[tilespmem:v60+s22+$0x0] =	vst.idx.msk $0xffff, v2;
	v2 =	vld [tilespmem:s1+$0xFFFFFC60];
	v3 =	vadd.f32 v3, v36  }
0x1a2: {  	v17 =	vadd.s32 v29, v45;
	v4 =	vadd.f32 v21, v36;
	[tilespmem:v57+s22+$0x0] =	vst.idx.msk $0xffff, v0;
	v0 =	vld [tilespmem:s1+$0xFFFFFCE0]  }
0x1a3: {  	v21 =	vmul.f32 $8.000000000e+00, v62;
	v59 =	vadd.f32 v31, v36;
	[tilespmem:v63+s22+$0x0] =	vst.idx.msk $0xffff, v3;
	v3 =	vld [tilespmem:s1+$0xFFFFFD60]  }
0x1a4: {  	v29 =	vadd.s32 v32, v50;
	[tilespmem:v54+s22+$0x0] =	vst.idx.msk $0xffff, v4;
	v61 =	vld [tilespmem:s1+$0xFFFFFDE0]  }
0x1a5: {  	v25 =	vadd.f32 v21, v36;
	v54 =	vadd.s32 v6, v48;
	v57 =	vld [tilespmem:s1+$0xFFFFFE60];
	[tilespmem:v55+s22+$0x0] =	vst.idx.msk $0xffff, v59;
	v31 =	vmul.f32 $8.000000000e+00, v58  }
0x1a6: {  	[tilespmem:v53+s22+$0x0] =	vst.idx.msk $0xffff, v56;
	v32 =	vadd.s32 v10, v49;
	v59 =	vld [tilespmem:s1+$0xFFFFFEE0];
	v2 =	vmul.f32 $8.000000000e+00, v2  }
0x1a7: {  	[tilespmem:v17+s22+$0x0] =	vst.idx.msk $0xffff, v25;
	v17 =	vadd.s32 v14, v47;
	v0 =	vmul.f32 $8.000000000e+00, v0;
	v55 =	vadd.f32 v31, v35  }
0x1a8: {  	[tilespmem:v43+s22+$0x0] =	vst.idx.msk $0xffff, v52;
	v21 =	vadd.s32 v18, v46;
	v60 =	vld [tilespmem:s1+$0xFFFFFF60];
	v2 =	vadd.f32 v2, v35;
	v3 =	vmul.f32 $8.000000000e+00, v3  }
0x1a9: {  	[tilespmem:v29+s22+$0x0] =	vst.idx.msk $0xffff, v55;
	v0 =	vadd.f32 v0, v35;
	v25 =	vmul.f32 $8.000000000e+00, v61;
	v29 =	vadd.s32 v22, v44  }
0x1aa: {  	v31 =	vadd.s32 v26, v37;
	[tilespmem:v54+s22+$0x0] =	vst.idx.msk $0xffff, v2;
	v2 =	vadd.f32 v3, v35;
	v3 =	vmul.f32 $8.000000000e+00, v57;
	v61 =	vld [tilespmem:s1+$0xFFFFFFF0]  }
0x1ab: {  	v62 =	vmul.f32 $8.000000000e+00, v59;
	[tilespmem:v32+s22+$0x0] =	vst.idx.msk $0xffff, v0;
	v0 =	vld [tilespmem:s1+$0xFFFFFC70];
	v36 =	vadd.f32 v25, v35  }
0x1ac: {  	v63 =	vadd.s32 v30, v45;
	[tilespmem:v17+s22+$0x0] =	vst.idx.msk $0xffff, v2;
	v2 =	vld [tilespmem:s1+$0xFFFFFCF0];
	v3 =	vadd.f32 v3, v35  }
0x1ad: {  	v51 =	vadd.f32 v51, v33;
	v17 =	vmul.f32 $8.000000000e+00, v60;
	[tilespmem:v21+s22+$0x0] =	vst.idx.msk $0xffff, v36;
	v18 =	vld [tilespmem:s1+$0xFFFFFD70];
	v21 =	vadd.f32 v62, v35  }
0x1ae: {  	v30 =	vadd.s32 v11, v49;
	v22 =	vadd.s32 v24, v50;
	[tilespmem:v29+s22+$0x0] =	vst.idx.msk $0xffff, v3;
	v3 =	vld [tilespmem:s1+$0xFFFFFDF0]  }
0x1af: {  	v25 =	vadd.s32 v7, v48;
	v4 =	vadd.f32 v17, v35;
	[tilespmem:v31+s22+$0x0] =	vst.idx.msk $0xffff, v21;
	v29 =	vmul.f32 $8.000000000e+00, v61  }
0x1b0: {  	[tilespmem:v42+s22+$0x0] =	vst.idx.msk $0xffff, v51;
	v62 =	vadd.s32 v27, v37;
	v27 =	vadd.f32 v40, v33;
	v0 =	vmul.f32 $8.000000000e+00, v0;
	v31 =	vld [tilespmem:s1+$0xFFFFFEF0]  }
0x1b1: {  	v57 =	vadd.s32 v15, v47;
	v26 =	vld [tilespmem:s1+$0xFFFFFE70];
	[tilespmem:v63+s22+$0x0] =	vst.idx.msk $0xffff, v4;
	v2 =	vmul.f32 $8.000000000e+00, v2;
	v55 =	vadd.f32 v29, v34  }
0x1b2: {  	v59 =	vadd.s32 v19, v46;
	[tilespmem:v39+s22+$0x0] =	vst.idx.msk $0xffff, v27;
	v58 =	vld [tilespmem:s1+$0xFFFFFF70];
	v0 =	vadd.f32 v0, v34;
	v36 =	vmul.f32 $8.000000000e+00, v18  }
0x1b3: {  	[tilespmem:v22+s22+$0x0] =	vst.idx.msk $0xffff, v55;
	v2 =	vadd.f32 v2, v34;
	v3 =	vmul.f32 $8.000000000e+00, v3  }
0x1b4: {  	v22 =	vmul.f32 $8.000000000e+00, v41;
	[tilespmem:v25+s22+$0x0] =	vst.idx.msk $0xffff, v0;
	v0 =	vadd.f32 v36, v34;
	v63 =	vld [tilespmem:s1+$0x0]  }
0x1b5: {  	v60 =	vadd.s32 v23, v44;
	[tilespmem:v30+s22+$0x0] =	vst.idx.msk $0xffff, v2;
	v2 =	vld [tilespmem:s1+$0xFFFFFC80];
	v3 =	vadd.f32 v3, v34;
	v17 =	vmul.f32 $8.000000000e+00, v31  }
0x1b6: {  	v18 =	vadd.s32 v28, v45;
	v61 =	vmul.f32 $8.000000000e+00, v26;
	v4 =	vadd.f32 v22, v33;
	[tilespmem:v57+s22+$0x0] =	vst.idx.msk $0xffff, v0;
	v0 =	vld [tilespmem:s1+$0xFFFFFD00]  }
0x1b7: {  	v19 =	vmul.f32 $8.000000000e+00, v58;
	[tilespmem:v59+s22+$0x0] =	vst.idx.msk $0xffff, v3;
	v3 =	vadd.f32 v17, v34  }
0x1b8: {  	v26 =	vadd.s32 v20, v50;
	v36 =	vadd.f32 v61, v34;
	[tilespmem:v38+s22+$0x0] =	vst.idx.msk $0xffff, v4  }
0x1b9: {  	v28 =	vadd.s32 v8, v48;
	v21 =	vld [tilespmem:s1+$0xFFFFFD80];
	v25 =	vadd.f32 v19, v34;
	[tilespmem:v62+s22+$0x0] =	vst.idx.msk $0xffff, v3;
	v3 =	vmul.f32 $8.000000000e+00, v63  }
0x1ba: {  	v30 =	vadd.s32 v12, v49;
	v23 =	vld [tilespmem:s1+$0xFFFFFE00];
	[tilespmem:v60+s22+$0x0] =	vst.idx.msk $0xffff, v36;
	v2 =	vmul.f32 $8.000000000e+00, v2  }
0x1bb: {  	v29 =	vld [tilespmem:s1+$0xFFFFFE80];
	[tilespmem:v18+s22+$0x0] =	vst.idx.msk $0xffff, v25;
	v0 =	vmul.f32 $8.000000000e+00, v0;
	v3 =	vadd.f32 v3, v33  }
0x1bc: {  	v55 =	vld [tilespmem:$0x1FF00];
	v2 =	vadd.f32 v2, v33  }
0x1bd: {  	v58 =	vld [tilespmem:$0x1FF40];
	v0 =	vadd.f32 v0, v33;
	[tilespmem:v26+s22+$0x0] =	vst.idx.msk $0xffff, v3  }
0x1be: {  	v31 =	vld [tilespmem:s1+$0xFFFFFF00];
	[tilespmem:v28+s22+$0x0] =	vst.idx.msk $0xffff, v2  }
0x1bf: {  	v60 =	vld [tilespmem:$0x1FF80];
	[tilespmem:v30+s22+$0x0] =	vst.idx.msk $0xffff, v0  }
0x1c0: {  	v62 =	vld [tilespmem:$0x1FFC0]  }
0x1c1: {  	v51 =	vadd.s32 v16, v47;
	v53 =	vld [tilespmem:s1+$0xFFFFFF80]  }
0x1c2: {  	v54 =	vmul.f32 $8.000000000e+00, v21;
	v56 =	vadd.s32 v55, v46  }
0x1c3: {  	v57 =	vmul.f32 $8.000000000e+00, v23;
	v59 =	vadd.s32 v58, v44  }
0x1c4: {  	v2 =	vadd.f32 v54, v33;
	v3 =	vmul.f32 $8.000000000e+00, v29;
	v4 =	vadd.s32 v60, v37  }
0x1c5: {  	v0 =	vadd.f32 v57, v33;
	v61 =	vmul.f32 $8.000000000e+00, v31;
	v63 =	vadd.s32 v62, v45  }
0x1c6: {  	[tilespmem:v51+s22+$0x0] =	vst.idx.msk $0xffff, v2;
	v2 =	vadd.f32 v3, v33;
	v3 =	vmul.f32 $8.000000000e+00, v53  }
0x1c7: {  	s0 =	sshll.u32 s0, $0x12;
	[tilespmem:v56+s22+$0x0] =	vst.idx.msk $0xffff, v0;
	v0 =	vadd.f32 v61, v33  }
0x1c8: {  	s0 =	sor.u32 s7, s0;
	[tilespmem:v59+s22+$0x0] =	vst.idx.msk $0xffff, v2;
	v2 =	vadd.f32 v3, v33  }
0x1c9: {  	s0 =	sshrl.u32 s0, $0x3;
	[tilespmem:v4+s22+$0x0] =	vst.idx.msk $0xffff, v0  }
0x1ca: {  	s10 =	simm.s32 $0x1B800;
	s1 =	sadd.s32 s2, s0;
	[tilespmem:v63+s22+$0x0] =	vst.idx.msk $0xffff, v2  }
0x1cb: {  	[hbm4b:s1+s3] =	stream.linear.scatter [tilespmem:s10], [sflag:$0x6], $0x80, $0x38;
	[tilespmem:$0x1DA00] =	vst v63  }
0x1cc: {  	s12 =	simm.s32 $0x1B888;
	s10 =	sadd.s32 $0x10, s1  }
0x1cd: {  	[hbm4b:s10+s3] =	stream.linear.scatter [tilespmem:s12], [sflag:$0x6], $0x80, $0x38;
	[tilespmem:$0x1DA00] =	vst v63  }
0x1ce: {  	s13 =	simm.s32 $0x1B910;
	s14 =	sadd.s32 $0x20, s1  }
0x1cf: {  	[hbm4b:s14+s3] =	stream.linear.scatter [tilespmem:s13], [sflag:$0x6], $0x80, $0x38;
	[tilespmem:$0x1DA00] =	vst v63  }
0x1d0: {  	s10 =	simm.s32 $0x1B998;
	s12 =	sadd.s32 $0x30, s1  }
0x1d1: {  	[hbm4b:s12+s3] =	stream.linear.scatter [tilespmem:s10], [sflag:$0x6], $0x80, $0x38;
	[tilespmem:$0x1DA00] =	vst v63  }
0x1d2: {  	s13 =	simm.s32 $0x1BA20;
	s14 =	sadd.s32 $0x40, s1  }
0x1d3: {  	[hbm4b:s14+s3] =	stream.linear.scatter [tilespmem:s13], [sflag:$0x6], $0x80, $0x38;
	[tilespmem:$0x1DA00] =	vst v63  }
0x1d4: {  	s0 =	simm.s32 $0x440;
	s10 =	simm.s32 $0x1BAA8;
	s12 =	sadd.s32 $0x50, s1  }
0x1d5: {  	[hbm4b:s12+s3] =	stream.linear.scatter [tilespmem:s10], [sflag:$0x6], $0x80, $0x38;
	[tilespmem:$0x1DA00] =	vst v63  }
0x1d6: {  	s13 =	simm.s32 $0x1BB30;
	s14 =	sadd.s32 $0x60, s1;
	s10 =	simm.s32 $0x2200  }
0x1d7: {  	[hbm4b:s14+s3] =	stream.linear.scatter [tilespmem:s13], [sflag:$0x6], $0x80, $0x38;
	[tilespmem:$0x1DA00] =	vst v63  }
0x1d8: {  	v9 =	vmov v24;
	v13 =	vmov v20;
	s12 =	simm.s32 $0x1BBB8;
	s13 =	sadd.s32 $0x70, s1;
	s1 =	sadd.s32 $0x1000, s1  }
.LBB2_9:
0x1d9: {  	[hbm4b:s13+s3] =	stream.linear.scatter [tilespmem:s12], [sflag:$0x6], $0x80, $0x38;
	[tilespmem:$0x1DA00] =	vst v63  }
0x1da: {  	s12 =	smov.u32 s0;
	s0 =	smov.u32 s10  }
0x1db: {  	s14 =	sadd.s32 $0x1100, s10;
	s0 =	sshra.s32 s0, $0x2;
	s13 =	sadd.s32 $0x1B800, s12  }
0x1dc: {  	[hbm4b:s1+s3] =	stream.linear.scatter [tilespmem:s13], [sflag:$0x6], $0x80, $0x38;
	[tilespmem:$0x1DA00] =	vst v63  }
0x1dd: {  	p1 =	sne.s32 s10, $0x7700;
	s10 =	sadd.s32 $0x1B888, s12;
	s13 =	sadd.s32 $0x10, s1  }
0x1de: {  	[hbm4b:s13+s3] =	stream.linear.scatter [tilespmem:s10], [sflag:$0x6], $0x80, $0x38;
	[tilespmem:$0x1DA00] =	vst v63  }
0x1df: {  	s10 =	sadd.s32 $0x1B910, s12;
	s13 =	sadd.s32 $0x20, s1  }
0x1e0: {  	[hbm4b:s13+s3] =	stream.linear.scatter [tilespmem:s10], [sflag:$0x6], $0x80, $0x38;
	[tilespmem:$0x1DA00] =	vst v63  }
0x1e1: {  	s10 =	sadd.s32 $0x1B998, s12;
	s13 =	sadd.s32 $0x30, s1  }
0x1e2: {  	[hbm4b:s13+s3] =	stream.linear.scatter [tilespmem:s10], [sflag:$0x6], $0x80, $0x38;
	[tilespmem:$0x1DA00] =	vst v63  }
0x1e3: {  	s10 =	sadd.s32 $0x1BA20, s12;
	s13 =	sadd.s32 $0x40, s1  }
0x1e4: {  	[hbm4b:s13+s3] =	stream.linear.scatter [tilespmem:s10], [sflag:$0x6], $0x80, $0x38;
	[tilespmem:$0x1DA00] =	vst v63  }
.Ltmp5:
0x1e5: {  	s10 =	sadd.s32 $0x1BAA8, s12;
	s13 =	sadd.s32 $0x50, s1;
	(pc) =	sbr.rel @p1 .LBB2_9-.Ltmp5, $4  }
0x1e6: {  	[hbm4b:s13+s3] =	stream.linear.scatter [tilespmem:s10], [sflag:$0x6], $0x80, $0x38;
	[tilespmem:$0x1DA00] =	vst v63  }
0x1e7: {  	s10 =	sadd.s32 $0x1BB30, s12;
	s13 =	sadd.s32 $0x60, s1;
	s12 =	sadd.s32 $0x1BBB8, s12  }
0x1e8: {  	[hbm4b:s13+s3] =	stream.linear.scatter [tilespmem:s10], [sflag:$0x6], $0x80, $0x38;
	[tilespmem:$0x1DA00] =	vst v63  }
0x1e9: {  	s13 =	sadd.s32 $0x70, s1;
	s1 =	sadd.s32 $0x1000, s1;
	s10 =	smov.u32 s14  }
0x1ea: {  	[hbm4b:s13+s3] =	stream.linear.scatter [tilespmem:s12], [sflag:$0x6], $0x80, $0x38;
	[tilespmem:$0x1DA00] =	vst v63  }
0x1eb: {  	s10 =	sadd.s32 $0x1B800, s0  }
0x1ec: {  	[hbm4b:s1+s3] =	stream.linear.scatter [tilespmem:s10], [sflag:$0x6], $0x80, $0x38;
	[tilespmem:$0x1DA00] =	vst v63  }
0x1ed: {  	s13 =	sadd.s32 $0x1B888, s0;
	s14 =	sadd.s32 $0x10, s1  }
0x1ee: {  	[hbm4b:s14+s3] =	stream.linear.scatter [tilespmem:s13], [sflag:$0x6], $0x80, $0x38;
	[tilespmem:$0x1DA00] =	vst v63  }
0x1ef: {  	s13 =	sadd.s32 $0x1B910, s0;
	s14 =	sadd.s32 $0x20, s1  }
0x1f0: {  	[hbm4b:s14+s3] =	stream.linear.scatter [tilespmem:s13], [sflag:$0x6], $0x80, $0x38;
	[tilespmem:$0x1DA00] =	vst v63  }
0x1f1: {  	s13 =	sadd.s32 $0x1B998, s0;
	s14 =	sadd.s32 $0x30, s1  }
0x1f2: {  	[hbm4b:s14+s3] =	stream.linear.scatter [tilespmem:s13], [sflag:$0x6], $0x80, $0x38;
	[tilespmem:$0x1DA00] =	vst v63  }
0x1f3: {  	s13 =	sadd.s32 $0x1BA20, s0;
	s14 =	sadd.s32 $0x40, s1  }
0x1f4: {  	[hbm4b:s14+s3] =	stream.linear.scatter [tilespmem:s13], [sflag:$0x6], $0x80, $0x38;
	[tilespmem:$0x1DA00] =	vst v63  }
0x1f5: {  	s13 =	sadd.s32 $0x1BAA8, s0;
	s14 =	sadd.s32 $0x50, s1  }
0x1f6: {  	[hbm4b:s14+s3] =	stream.linear.scatter [tilespmem:s13], [sflag:$0x6], $0x80, $0x38;
	[tilespmem:$0x1DA00] =	vst v63  }
0x1f7: {  	s12 =	sadd.s32 $0x1BB30, s0;
	s13 =	sadd.s32 $0x60, s1  }
0x1f8: {  	[hbm4b:s13+s3] =	stream.linear.scatter [tilespmem:s12], [sflag:$0x6], $0x80, $0x38;
	[tilespmem:$0x1DA00] =	vst v63  }
0x1f9: {  	s10 =	sadd.s32 $0x70, s1;
	s14 =	sadd.s32 $0x1BBB8, s0;
	s0 =	sadd.s32 @!p0 $0x280, s31  }
0x1fa: {  	[hbm4b:s10+s3] =	stream.linear.scatter [tilespmem:s14], [sflag:$0x6], $0x80, $0x38;
	[tilespmem:$0x1DA00] =	vst v63  }
0x1fb: {  	s1 =	simm.s32 @!p0 $0x80;
	s13 =	simm.s32 $0x1;
	s10 =	simm.s32 @!p0 $0xD600  }
0x1fc: {  	[tilespmem:s10], [sflag:$0x2] =	stream.indirect.gather @!p0 [hbm4b:s5+s1], $0x80, s0, s1, $0xb8;
	[tilespmem:$0x1DA00] =	vst v63  }
0x1fd: {  	v2 =	vmov s13;
	s13 =	simm.s32 $0x3;
	_ =	swait.ge [sflag:s23], $0x4000  }
0x1fe: {  	v4 =	vmov s13;
	[sflag:s23] =	ssyncset.done $0x0  }
0x1ff: {  	v4 =	vshrl.u32 v4, $0x3;
	[sflag:s23] =	ssyncadd.s32 $0xFFFFC000  }
0x200: {  	v4 =	vshll.u32 v4, v1;
	_ =	swait.ge [sflag:s24], $0x2000  }
0x201: {  	v41 =	vbroadcast v4, $0x0;
	v4 =	vld [tilespmem:$0x1FFD0]  }
0x202: {  	s12 =	simm.s32 $0x0;
	s0 =	sor.u32 $0x2, s30;
	v5 =	vld [tilespmem:$0x1FE10]  }
0x203: {  	v0 =	vmov s12;
	s12 =	sshll.u32 s0, $0x6;
	[sflag:s24] =	ssyncset.done $0x0;
	v17 =	vld [tilespmem:$0x1FED0]  }
0x204: {  	v0 =	vshrl.u32 v0, $0x3;
	s13 =	simm.s32 $0x5;
	s12 =	sand.u32 $0x3FFFFFC0, s12;
	v21 =	vld [tilespmem:$0x1FF10];
	[sflag:s24] =	ssyncadd.s32 $0xFFFFE000  }
0x205: {  	v0 =	vshll.u32 v0, v1;
	v37 =	vmov s13;
	s13 =	simm.s32 $0x7;
	s1 =	simm.s32 $0x119B0;
	v36 =	vld [tilespmem:s12+$0x6400]  }
0x206: {  	s14 =	simm.s32 $0x2;
	v2 =	vshrl.u32 v2, $0x3;
	v39 =	vmov s13;
	v43 =	vbroadcast v0, $0x0;
	v46 =	vld [tilespmem:s1+$0xFFFFFFD0]  }
0x207: {  	v3 =	vmov s14;
	s14 =	simm.s32 $0x4;
	v2 =	vshll.u32 v2, v1;
	v39 =	vshrl.u32 v39, $0x3;
	v47 =	vld [tilespmem:s1+$0xFFFFFC50]  }
0x208: {  	v33 =	vmov s14;
	v0 =	vshll.u32 v39, v1;
	v49 =	vadd.s32 v5, v43;
	v5 =	vld [tilespmem:$0x1FE50]  }
0x209: {  	s14 =	simm.s32 $0x6;
	v3 =	vshrl.u32 v3, $0x3;
	v37 =	vshrl.u32 v37, $0x3;
	v45 =	vbroadcast v0, $0x0;
	v48 =	vld [tilespmem:s1+$0xFFFFFCD0]  }
0x20a: {  	v44 =	vbroadcast v2, $0x0;
	v38 =	vmov s14;
	v33 =	vshrl.u32 v33, $0x3;
	v35 =	vld [tilespmem:s12+$0x6410]  }
0x20b: {  	v3 =	vshll.u32 v3, v1;
	v37 =	vshll.u32 v37, v1;
	v34 =	vld [tilespmem:s12+$0x6420];
	v4 =	vadd.s32 v4, v45  }
0x20c: {  	v38 =	vshrl.u32 v38, $0x3;
	v42 =	vbroadcast v3, $0x0;
	v0 =	vld [tilespmem:s1+$0xFFFFFD50];
	v60 =	vmul.f32 $8.000000000e+00, v46  }
0x20d: {  	v2 =	vshll.u32 v38, v1;
	v61 =	vmul.f32 $8.000000000e+00, v47;
	v62 =	vadd.s32 v5, v44;
	v5 =	vld [tilespmem:$0x1FE90]  }
0x20e: {  	v38 =	vbroadcast v2, $0x0;
	v3 =	vld [tilespmem:s1+$0xFFFFFDD0];
	v2 =	vmul.f32 $8.000000000e+00, v48;
	v52 =	vadd.f32 v60, v36  }
0x20f: {  	v33 =	vshll.u32 v33, v1;
	v40 =	vbroadcast v37, $0x0;
	v50 =	vld [tilespmem:s1+$0xFFFFFE50];
	v37 =	vadd.f32 v61, v36  }
0x210: {  	v39 =	vbroadcast v33, $0x0;
	v33 =	vld [tilespmem:s12+$0x6430];
	v2 =	vadd.f32 v2, v36;
	[tilespmem:v4+s20+$0x0] =	vst.idx.msk $0xffff, v52  }
0x211: {  	v63 =	vld [tilespmem:s1+$0xFFFFFED0];
	[tilespmem:v49+s20+$0x0] =	vst.idx.msk $0xffff, v37  }
0x212: {  	v25 =	vld [tilespmem:$0x1FF50];
	v57 =	vadd.s32 v5, v42;
	[tilespmem:v62+s20+$0x0] =	vst.idx.msk $0xffff, v2  }
0x213: {  	v53 =	vadd.s32 v17, v41;
	v0 =	vmul.f32 $8.000000000e+00, v0;
	v29 =	vld [tilespmem:$0x1FF90]  }
0x214: {  	v51 =	vld [tilespmem:s1+$0xFFFFFF50];
	v54 =	vadd.s32 v21, v39;
	v3 =	vmul.f32 $8.000000000e+00, v3  }
0x215: {  	v0 =	vadd.f32 v0, v36;
	v4 =	vmul.f32 $8.000000000e+00, v50  }
0x216: {  	v59 =	vld [tilespmem:s1+$0xFFFFFFE0];
	v2 =	vadd.f32 v3, v36  }
0x217: {  	v60 =	vld [tilespmem:s1+$0xFFFFFC60];
	v58 =	vadd.s32 v25, v40;
	[tilespmem:v57+s20+$0x0] =	vst.idx.msk $0xffff, v0;
	v0 =	vadd.f32 v4, v36  }
0x218: {  	v3 =	vmul.f32 $8.000000000e+00, v63;
	v62 =	vld [tilespmem:s1+$0xFFFFFCE0];
	[tilespmem:v53+s20+$0x0] =	vst.idx.msk $0xffff, v2;
	v46 =	vadd.s32 v29, v38  }
0x219: {  	v63 =	vld [tilespmem:s1+$0xFFFFFDE0];
	v4 =	vmul.f32 $8.000000000e+00, v51;
	[tilespmem:v54+s20+$0x0] =	vst.idx.msk $0xffff, v0  }
0x21a: {  	v2 =	vadd.f32 v3, v36;
	v5 =	vld [tilespmem:$0x1FFE0]  }
0x21b: {  	v0 =	vadd.f32 v4, v36;
	v6 =	vld [tilespmem:$0x1FE20]  }
0x21c: {  	v48 =	vld [tilespmem:s1+$0xFFFFFD60];
	[tilespmem:v58+s20+$0x0] =	vst.idx.msk $0xffff, v2  }
0x21d: {  	v10 =	vld [tilespmem:$0x1FE60];
	[tilespmem:v46+s20+$0x0] =	vst.idx.msk $0xffff, v0  }
0x21e: {  	v14 =	vld [tilespmem:$0x1FEA0]  }
0x21f: {  	v18 =	vld [tilespmem:$0x1FEE0];
	v4 =	vadd.s32 v5, v45  }
0x220: {  	s14 =	simm.s32 $0x8;
	v2 =	vmul.f32 $8.000000000e+00, v59;
	v22 =	vld [tilespmem:$0x1FF20];
	v32 =	vadd.s32 v6, v43  }
0x221: {  	v61 =	vmov s14;
	v60 =	vmul.f32 $8.000000000e+00, v60;
	v55 =	vld [tilespmem:s1+$0xFFFFFE60]  }
0x222: {  	v47 =	vshrl.u32 v61, $0x3;
	v2 =	vadd.f32 v2, v35;
	v61 =	vadd.s32 v10, v44  }
0x223: {  	v37 =	vadd.f32 v60, v35;
	v0 =	vmul.f32 $8.000000000e+00, v62;
	v46 =	vadd.s32 v14, v42  }
0x224: {  	v48 =	vmul.f32 $8.000000000e+00, v48;
	v57 =	vadd.s32 v18, v41;
	[tilespmem:v4+s20+$0x0] =	vst.idx.msk $0xffff, v2  }
0x225: {  	v51 =	vmul.f32 $8.000000000e+00, v63;
	v56 =	vld [tilespmem:s1+$0xFFFFFEE0];
	v0 =	vadd.f32 v0, v35;
	v58 =	vadd.s32 v22, v39;
	[tilespmem:v32+s20+$0x0] =	vst.idx.msk $0xffff, v37  }
0x226: {  	v2 =	vadd.f32 v48, v35;
	v4 =	vmul.f32 $8.000000000e+00, v55;
	v26 =	vld [tilespmem:$0x1FF60]  }
0x227: {  	v62 =	vld [tilespmem:s1+$0xFFFFFF60];
	[tilespmem:v61+s20+$0x0] =	vst.idx.msk $0xffff, v0;
	v0 =	vadd.f32 v51, v35  }
0x228: {  	v30 =	vld [tilespmem:$0x1FFA0];
	[tilespmem:v46+s20+$0x0] =	vst.idx.msk $0xffff, v2;
	v2 =	vadd.f32 v4, v35  }
0x229: {  	[tilespmem:v57+s20+$0x0] =	vst.idx.msk $0xffff, v0  }
0x22a: {  	v54 =	vld [tilespmem:s1+$0xFFFFFFF0];
	[tilespmem:v58+s20+$0x0] =	vst.idx.msk $0xffff, v2  }
0x22b: {  	v48 =	vadd.s32 v26, v40;
	v7 =	vld [tilespmem:$0x1FE30]  }
0x22c: {  	v60 =	vmul.f32 $8.000000000e+00, v56;
	v63 =	vld [tilespmem:s1+$0xFFFFFC70]  }
0x22d: {  	v4 =	vmul.f32 $8.000000000e+00, v62;
	v61 =	vadd.s32 v30, v38  }
0x22e: {  	v59 =	vld [tilespmem:s1+$0xFFFFFCF0];
	v0 =	vadd.f32 v60, v35  }
0x22f: {  	v62 =	vld [tilespmem:s1+$0xFFFFFD70];
	v2 =	vadd.f32 v4, v35;
	v4 =	vadd.s32 v9, v45  }
0x230: {  	v52 =	vld [tilespmem:s1+$0xFFFFFDF0];
	[tilespmem:v48+s20+$0x0] =	vst.idx.msk $0xffff, v0;
	v0 =	vmul.f32 $8.000000000e+00, v54;
	v57 =	vadd.s32 v7, v43  }
0x231: {  	v63 =	vmul.f32 $8.000000000e+00, v63;
	v58 =	vld [tilespmem:s1+$0xFFFFFE70]  }
0x232: {  	v11 =	vld [tilespmem:$0x1FE70];
	[tilespmem:v61+s20+$0x0] =	vst.idx.msk $0xffff, v2;
	v0 =	vadd.f32 v0, v34  }
0x233: {  	v48 =	vadd.f32 v63, v34;
	v15 =	vld [tilespmem:$0x1FEB0]  }
0x234: {  	v19 =	vld [tilespmem:$0x1FEF0];
	[tilespmem:v4+s20+$0x0] =	vst.idx.msk $0xffff, v0  }
0x235: {  	v23 =	vld [tilespmem:$0x1FF30];
	[tilespmem:v57+s20+$0x0] =	vst.idx.msk $0xffff, v48  }
0x236: {  	v27 =	vld [tilespmem:$0x1FF70]  }
0x237: {  	v32 =	vld [tilespmem:s1+$0xFFFFFEF0];
	v54 =	vadd.s32 v11, v44  }
0x238: {  	v2 =	vmul.f32 $8.000000000e+00, v59;
	v51 =	vadd.s32 v15, v42  }
0x239: {  	v37 =	vshll.u32 v47, v1;
	v47 =	vmul.f32 $8.000000000e+00, v62;
	v60 =	vadd.s32 v19, v41  }
0x23a: {  	v0 =	vadd.f32 v2, v34;
	v2 =	vmul.f32 $8.000000000e+00, v52;
	v4 =	vadd.s32 v23, v39  }
0x23b: {  	v47 =	vadd.f32 v47, v34;
	v52 =	vmul.f32 $8.000000000e+00, v58;
	v57 =	vadd.s32 v27, v40  }
0x23c: {  	v59 =	vld [tilespmem:s1+$0xFFFFFF70];
	v2 =	vadd.f32 v2, v34;
	[tilespmem:v54+s20+$0x0] =	vst.idx.msk $0xffff, v0;
	v54 =	vmul.f32 $8.000000000e+00, v32  }
0x23d: {  	v52 =	vadd.f32 v52, v34;
	v31 =	vld [tilespmem:$0x1FFB0];
	[tilespmem:v51+s20+$0x0] =	vst.idx.msk $0xffff, v47  }
0x23e: {  	v58 =	vld [tilespmem:s1+$0x0];
	[tilespmem:v60+s20+$0x0] =	vst.idx.msk $0xffff, v2;
	v63 =	vadd.f32 v54, v34  }
0x23f: {  	v0 =	vld [tilespmem:s1+$0xFFFFFC80];
	[tilespmem:v4+s20+$0x0] =	vst.idx.msk $0xffff, v52  }
0x240: {  	v8 =	vld [tilespmem:$0x1FE40];
	[tilespmem:v57+s20+$0x0] =	vst.idx.msk $0xffff, v63  }
0x241: {  	v12 =	vld [tilespmem:$0x1FE80]  }
0x242: {  	s12 =	simm.s32 $0x9;
	v51 =	vld [tilespmem:s1+$0xFFFFFD00]  }
0x243: {  	v3 =	vmov s12;
	v61 =	vadd.s32 v31, v38  }
0x244: {  	v3 =	vshrl.u32 v3, $0x3;
	v45 =	vadd.s32 v13, v45;
	v62 =	vmul.f32 $8.000000000e+00, v59;
	v2 =	vld [tilespmem:s1+$0xFFFFFD80]  }
0x245: {  	v60 =	vmul.f32 $8.000000000e+00, v58;
	v54 =	vshll.u32 v3, v1;
	v4 =	vld [tilespmem:s1+$0xFFFFFE00];
	v3 =	vadd.s32 v8, v43  }
0x246: {  	v32 =	vadd.f32 v62, v34;
	v52 =	vld [tilespmem:s1+$0xFFFFFE80];
	v0 =	vmul.f32 $8.000000000e+00, v0;
	v44 =	vadd.s32 v12, v44  }
0x247: {  	v62 =	vadd.f32 v60, v33;
	v51 =	vmul.f32 $8.000000000e+00, v51;
	v57 =	vld [tilespmem:s1+$0xFFFFFF00]  }
0x248: {  	v16 =	vld [tilespmem:$0x1FEC0];
	v0 =	vadd.f32 v0, v33;
	[tilespmem:v61+s20+$0x0] =	vst.idx.msk $0xffff, v32  }
0x249: {  	s13 =	simm.s32 $0xA;
	s14 =	simm.s32 $0xB;
	v63 =	vadd.f32 v51, v33;
	v20 =	vld [tilespmem:$0x1FF00];
	[tilespmem:v45+s20+$0x0] =	vst.idx.msk $0xffff, v62  }
0x24a: {  	v49 =	vmov s14;
	s14 =	simm.s32 $0xE;
	v53 =	vmov s13;
	v24 =	vld [tilespmem:$0x1FF40];
	[tilespmem:v3+s20+$0x0] =	vst.idx.msk $0xffff, v0  }
0x24b: {  	v50 =	vmov s14;
	s12 =	simm.s32 $0xC;
	s13 =	simm.s32 $0xD;
	v53 =	vshrl.u32 v53, $0x3;
	v28 =	vld [tilespmem:$0x1FF80];
	[tilespmem:v44+s20+$0x0] =	vst.idx.msk $0xffff, v63  }
0x24c: {  	v56 =	vmov s12;
	v55 =	vshll.u32 v53, v1;
	v46 =	vmov s13;
	v32 =	vld [tilespmem:$0x1FFC0]  }
0x24d: {  	v48 =	vshrl.u32 v49, $0x3;
	v49 =	vshrl.u32 v46, $0x3;
	v2 =	vmul.f32 $8.000000000e+00, v2  }
0x24e: {  	v46 =	vshrl.u32 v50, $0x3;
	v47 =	vshrl.u32 v56, $0x3;
	v4 =	vmul.f32 $8.000000000e+00, v4  }
0x24f: {  	v56 =	vadd.f32 v2, v33;
	v51 =	vmul.f32 $8.000000000e+00, v52;
	v53 =	vadd.s32 v16, v42  }
0x250: {  	v52 =	vadd.f32 v4, v33;
	v43 =	vadd.s32 v20, v41;
	v42 =	vadd.s32 v24, v39  }
0x251: {  	s10 =	simm.s32 $0x10;
	s12 =	simm.s32 $0xF;
	v41 =	vld [tilespmem:s1+$0xFFFFFF80];
	v39 =	vadd.s32 v28, v40;
	v40 =	vmul.f32 $8.000000000e+00, v57;
	v38 =	vadd.s32 v32, v38  }
.LBB2_11:
0x252: {  	v58 =	vld [tilespmem:$0x1FE10]  }
0x253: {  	s1 =	sadd.s32 $0x400, s1;
	v61 =	vld [tilespmem:$0x1FE50];
	v2 =	vadd.f32 v51, v33  }
0x254: {  	v4 =	vshll.u32 v48, v1;
	[tilespmem:v53+s20+$0x0] =	vst.idx.msk $0xffff, v56;
	v53 =	vld [tilespmem:s1+$0xFFFFFFD0]  }
0x255: {  	v0 =	vmov s12;
	v40 =	vadd.f32 v40, v33;
	[tilespmem:v42+s20+$0x0] =	vst.idx.msk $0xffff, v2;
	v42 =	vbroadcast v4, $0x0;
	v4 =	vld [tilespmem:$0x1FFD0]  }
0x256: {  	v57 =	vshll.u32 v49, v1;
	v0 =	vshrl.u32 v0, $0x3;
	v50 =	vld [tilespmem:s1+$0xFFFFFC50];
	v3 =	vmul.f32 $8.000000000e+00, v41  }
0x257: {  	v0 =	vshll.u32 v0, v1;
	[tilespmem:v39+s20+$0x0] =	vst.idx.msk $0xffff, v40;
	v39 =	vbroadcast v57, $0x0;
	v57 =	vld [tilespmem:$0x1FE90]  }
0x258: {  	v45 =	vbroadcast v0, $0x0;
	v2 =	vadd.f32 v3, v33;
	v3 =	vld [tilespmem:s1+$0xFFFFFCD0]  }
0x259: {  	v44 =	vbroadcast v54, $0x0;
	v46 =	vshll.u32 v46, v1;
	[tilespmem:v43+s20+$0x0] =	vst.idx.msk $0xffff, v52;
	v0 =	vld [tilespmem:s1+$0xFFFFFD50];
	v41 =	vbroadcast v37, $0x0  }
0x25a: {  	v56 =	vshll.u32 v47, v1;
	v43 =	vbroadcast v55, $0x0;
	[tilespmem:v38+s20+$0x0] =	vst.idx.msk $0xffff, v2;
	v2 =	vld [tilespmem:s1+$0xFFFFFDD0];
	v4 =	vadd.s32 v4, v45  }
0x25b: {  	v40 =	vbroadcast v56, $0x0;
	v49 =	vld [tilespmem:s1+$0xFFFFFE50];
	v37 =	vadd.s32 v58, v41;
	v59 =	vmul.f32 $8.000000000e+00, v53  }
0x25c: {  	v63 =	vld [tilespmem:s1+$0xFFFFFED0];
	v62 =	vadd.s32 v61, v44;
	v60 =	vmul.f32 $8.000000000e+00, v50;
	v38 =	vbroadcast v46, $0x0  }
0x25d: {  	v46 =	vadd.s32 v57, v43;
	v47 =	vadd.f32 v59, v36;
	v58 =	vld [tilespmem:s1+$0xFFFFFF50];
	v3 =	vmul.f32 $8.000000000e+00, v3  }
0x25e: {  	v48 =	vadd.f32 v60, v36;
	v0 =	vmul.f32 $8.000000000e+00, v0;
	v59 =	vadd.s32 v17, v42  }
0x25f: {  	v60 =	vadd.s32 v21, v40;
	v3 =	vadd.f32 v3, v36;
	v2 =	vmul.f32 $8.000000000e+00, v2;
	[tilespmem:v4+s20+$0x0] =	vst.idx.msk $0xffff, v47  }
0x260: {  	v61 =	vadd.s32 v25, v39;
	v0 =	vadd.f32 v0, v36;
	[tilespmem:v37+s20+$0x0] =	vst.idx.msk $0xffff, v48;
	v4 =	vmul.f32 $8.000000000e+00, v49;
	v47 =	vld [tilespmem:s1+$0xFFFFFFE0]  }
0x261: {  	v48 =	vld [tilespmem:s1+$0xFFFFFC60];
	v49 =	vadd.s32 v29, v38;
	[tilespmem:v62+s20+$0x0] =	vst.idx.msk $0xffff, v3;
	v2 =	vadd.f32 v2, v36;
	v3 =	vmul.f32 $8.000000000e+00, v63  }
0x262: {  	s14 =	sadd.s32 $0x2, s10;
	[tilespmem:v46+s20+$0x0] =	vst.idx.msk $0xffff, v0;
	v0 =	vadd.f32 v4, v36;
	v4 =	vmul.f32 $8.000000000e+00, v58;
	v51 =	vld [tilespmem:s1+$0xFFFFFCE0]  }
0x263: {  	v53 =	vmov s14;
	v54 =	vadd.s32 v6, v41;
	s14 =	sadd.s32 $0x4, s10;
	v50 =	vld [tilespmem:s1+$0xFFFFFD60];
	[tilespmem:v59+s20+$0x0] =	vst.idx.msk $0xffff, v2;
	v2 =	vadd.f32 v3, v36  }
0x264: {  	v56 =	vmov s14;
	[tilespmem:v60+s20+$0x0] =	vst.idx.msk $0xffff, v0;
	v0 =	vadd.f32 v4, v36;
	v4 =	vadd.s32 v5, v45;
	v52 =	vld [tilespmem:s1+$0xFFFFFDE0]  }
0x265: {  	v57 =	vadd.s32 v18, v42;
	v62 =	vmov s10;
	v63 =	vld [tilespmem:s1+$0xFFFFFE60];
	[tilespmem:v61+s20+$0x0] =	vst.idx.msk $0xffff, v2;
	v2 =	vmul.f32 $8.000000000e+00, v47  }
0x266: {  	v46 =	vshrl.u32 v62, $0x3;
	v60 =	vmul.f32 $8.000000000e+00, v48;
	v61 =	vadd.s32 v10, v44;
	[tilespmem:v49+s20+$0x0] =	vst.idx.msk $0xffff, v0;
	v62 =	vld [tilespmem:s1+$0xFFFFFEE0]  }
0x267: {  	v49 =	vadd.s32 v14, v43;
	v0 =	vmul.f32 $8.000000000e+00, v51;
	v51 =	vld [tilespmem:s1+$0xFFFFFF60];
	v2 =	vadd.f32 v2, v35  }
0x268: {  	s13 =	sadd.s32 $0x1, s10;
	v58 =	vadd.s32 v22, v40;
	v37 =	vadd.f32 v60, v35;
	v50 =	vmul.f32 $8.000000000e+00, v50  }
0x269: {  	v3 =	vmov s13;
	v0 =	vadd.f32 v0, v35;
	v52 =	vmul.f32 $8.000000000e+00, v52;
	[tilespmem:v4+s20+$0x0] =	vst.idx.msk $0xffff, v2  }
0x26a: {  	[tilespmem:v54+s20+$0x0] =	vst.idx.msk $0xffff, v37;
	v2 =	vadd.f32 v50, v35;
	v4 =	vmul.f32 $8.000000000e+00, v63;
	v50 =	vadd.s32 v26, v39;
	v63 =	vld [tilespmem:s1+$0xFFFFFFF0]  }
0x26b: {  	v60 =	vld [tilespmem:s1+$0xFFFFFC70];
	[tilespmem:v61+s20+$0x0] =	vst.idx.msk $0xffff, v0;
	v0 =	vadd.f32 v52, v35;
	v61 =	vmul.f32 $8.000000000e+00, v62;
	v62 =	vadd.s32 v30, v38  }
0x26c: {  	s13 =	sadd.s32 $0x3, s10;
	v3 =	vshrl.u32 v3, $0x3;
	[tilespmem:v49+s20+$0x0] =	vst.idx.msk $0xffff, v2;
	v2 =	vadd.f32 v4, v35;
	v59 =	vld [tilespmem:s1+$0xFFFFFCF0];
	v4 =	vmul.f32 $8.000000000e+00, v51  }
0x26d: {  	v47 =	vmov s13;
	s13 =	sadd.s32 $0x5, s10;
	v37 =	vshll.u32 v46, v1;
	v49 =	vld [tilespmem:s1+$0xFFFFFD70];
	[tilespmem:v57+s20+$0x0] =	vst.idx.msk $0xffff, v0;
	v0 =	vadd.f32 v61, v35  }
0x26e: {  	v46 =	vmov s13;
	[tilespmem:v58+s20+$0x0] =	vst.idx.msk $0xffff, v2;
	v48 =	vld [tilespmem:s1+$0xFFFFFDF0];
	v2 =	vadd.f32 v4, v35;
	v4 =	vadd.s32 v9, v45  }
0x26f: {  	v54 =	vadd.s32 v11, v44;
	v57 =	vadd.s32 v7, v41;
	v58 =	vld [tilespmem:s1+$0xFFFFFE70];
	[tilespmem:v50+s20+$0x0] =	vst.idx.msk $0xffff, v0;
	v0 =	vmul.f32 $8.000000000e+00, v63  }
0x270: {  	v44 =	vadd.s32 v12, v44;
	v52 =	vadd.s32 v15, v43;
	v63 =	vmul.f32 $8.000000000e+00, v60;
	v55 =	vld [tilespmem:s1+$0xFFFFFEF0];
	[tilespmem:v62+s20+$0x0] =	vst.idx.msk $0xffff, v2  }
0x271: {  	v50 =	vshrl.u32 v53, $0x3;
	v2 =	vmul.f32 $8.000000000e+00, v59;
	v59 =	vld [tilespmem:s1+$0xFFFFFF70];
	v0 =	vadd.f32 v0, v34  }
0x272: {  	v60 =	vadd.s32 v19, v42;
	v53 =	vadd.f32 v63, v34;
	v49 =	vmul.f32 $8.000000000e+00, v49  }
0x273: {  	v61 =	vadd.s32 v23, v40;
	v2 =	vadd.f32 v2, v34;
	v48 =	vmul.f32 $8.000000000e+00, v48;
	[tilespmem:v4+s20+$0x0] =	vst.idx.msk $0xffff, v0  }
0x274: {  	s14 =	sadd.s32 $0x6, s10;
	[tilespmem:v57+s20+$0x0] =	vst.idx.msk $0xffff, v53;
	v0 =	vadd.f32 v49, v34;
	v4 =	vmul.f32 $8.000000000e+00, v58;
	v53 =	vadd.s32 v27, v39;
	v57 =	vld [tilespmem:s1+$0x0]  }
0x275: {  	v51 =	vmov s14;
	v58 =	vld [tilespmem:s1+$0xFFFFFC80];
	[tilespmem:v54+s20+$0x0] =	vst.idx.msk $0xffff, v2;
	v2 =	vadd.f32 v48, v34;
	v54 =	vmul.f32 $8.000000000e+00, v55  }
0x276: {  	v62 =	vadd.s32 v31, v38;
	[tilespmem:v52+s20+$0x0] =	vst.idx.msk $0xffff, v0;
	v0 =	vadd.f32 v4, v34;
	v63 =	vld [tilespmem:s1+$0xFFFFFD00];
	v4 =	vmul.f32 $8.000000000e+00, v59  }
0x277: {  	v38 =	vadd.s32 v32, v38;
	v49 =	vshrl.u32 v46, $0x3;
	v52 =	vld [tilespmem:s1+$0xFFFFFD80];
	[tilespmem:v60+s20+$0x0] =	vst.idx.msk $0xffff, v2;
	v2 =	vadd.f32 v54, v34  }
0x278: {  	v46 =	vshrl.u32 v51, $0x3;
	[tilespmem:v61+s20+$0x0] =	vst.idx.msk $0xffff, v0;
	v51 =	vld [tilespmem:s1+$0xFFFFFE00];
	v0 =	vadd.f32 v4, v34;
	v4 =	vadd.s32 v13, v45  }
0x279: {  	v54 =	vshll.u32 v3, v1;
	v3 =	vadd.s32 v8, v41;
	v45 =	vld [tilespmem:s1+$0xFFFFFE80];
	[tilespmem:v53+s20+$0x0] =	vst.idx.msk $0xffff, v2;
	v2 =	vmul.f32 $8.000000000e+00, v57  }
0x27a: {  	p1 =	slt.u32 s10, $0x78;
	v39 =	vadd.s32 v28, v39;
	v48 =	vshrl.u32 v47, $0x3;
	v60 =	vmul.f32 $8.000000000e+00, v58;
	v61 =	vld [tilespmem:s1+$0xFFFFFF00]  }
.Ltmp6:
0x27b: {  	v55 =	vshll.u32 v50, v1;
	[tilespmem:v62+s20+$0x0] =	vst.idx.msk $0xffff, v0;
	v0 =	vmul.f32 $8.000000000e+00, v63;
	v2 =	vadd.f32 v2, v33;
	(pc) =	sbr.rel @p1 .LBB2_11-.Ltmp6, $4  }
0x27c: {  	v53 =	vadd.s32 v16, v43;
	v50 =	vadd.f32 v60, v33;
	v52 =	vmul.f32 $8.000000000e+00, v52  }
0x27d: {  	v43 =	vadd.s32 v20, v42;
	v0 =	vadd.f32 v0, v33;
	v63 =	vmul.f32 $8.000000000e+00, v51;
	[tilespmem:v4+s20+$0x0] =	vst.idx.msk $0xffff, v2  }
0x27e: {  	v47 =	vshrl.u32 v56, $0x3;
	v42 =	vadd.s32 v24, v40;
	[tilespmem:v3+s20+$0x0] =	vst.idx.msk $0xffff, v50;
	v56 =	vadd.f32 v52, v33  }
0x27f: {  	s12 =	sadd.s32 $0x7, s10;
	s10 =	sadd.s32 $0x8, s10;
	v41 =	vld [tilespmem:s1+$0xFFFFFF80];
	v51 =	vmul.f32 $8.000000000e+00, v45;
	[tilespmem:v44+s20+$0x0] =	vst.idx.msk $0xffff, v0;
	v52 =	vadd.f32 v63, v33;
	v40 =	vmul.f32 $8.000000000e+00, v61  }
0x280: {  	v61 =	vld [tilespmem:$0x1FE10]  }
0x281: {  	v62 =	vld [tilespmem:$0x1FE50]  }
0x282: {  	v0 =	vmov s12;
	v3 =	vshll.u32 v48, v1;
	v45 =	vshll.u32 v49, v1;
	v63 =	vld [tilespmem:$0x1FE90]  }
0x283: {  	s1 =	sadd.s32 $0x400, s1;
	v49 =	vbroadcast v54, $0x0;
	v54 =	vshll.u32 v46, v1;
	v46 =	vbroadcast v3, $0x0;
	v3 =	vld [tilespmem:$0x1FFD0]  }
0x284: {  	v2 =	vld [tilespmem:s1+$0xFFFFFFD0];
	v0 =	vshrl.u32 v0, $0x3  }
0x285: {  	v4 =	vld [tilespmem:s1+$0xFFFFFC50];
	v0 =	vshll.u32 v0, v1  }
0x286: {  	v57 =	vld [tilespmem:s1+$0xFFFFFCD0];
	v50 =	vbroadcast v0, $0x0  }
0x287: {  	v48 =	vbroadcast v37, $0x0;
	v60 =	vshll.u32 v47, v1;
	v0 =	vld [tilespmem:s1+$0xFFFFFD50]  }
0x288: {  	v47 =	vbroadcast v55, $0x0;
	v55 =	vld [tilespmem:s1+$0xFFFFFDD0];
	v44 =	vbroadcast v60, $0x0;
	v3 =	vadd.s32 v3, v50  }
0x289: {  	v59 =	vld [tilespmem:s1+$0xFFFFFE50];
	v37 =	vbroadcast v45, $0x0;
	v58 =	vadd.s32 v61, v48;
	v2 =	vmul.f32 $8.000000000e+00, v2  }
0x28a: {  	v45 =	vbroadcast v54, $0x0;
	v60 =	vadd.s32 v62, v49;
	v61 =	vld [tilespmem:s1+$0xFFFFFED0];
	v4 =	vmul.f32 $8.000000000e+00, v4  }
0x28b: {  	v62 =	vld [tilespmem:s1+$0xFFFFFF50];
	v54 =	vmul.f32 $8.000000000e+00, v57;
	v57 =	vadd.s32 v63, v47;
	v2 =	vadd.f32 v2, v36  }
0x28c: {  	v63 =	vadd.s32 v17, v46;
	v4 =	vadd.f32 v4, v36;
	v0 =	vmul.f32 $8.000000000e+00, v0  }
0x28d: {  	[tilespmem:v3+s20+$0x0] =	vst.idx.msk $0xffff, v2;
	v2 =	vadd.f32 v54, v36;
	v3 =	vmul.f32 $8.000000000e+00, v55;
	v54 =	vadd.s32 v21, v44  }
0x28e: {  	[tilespmem:v58+s20+$0x0] =	vst.idx.msk $0xffff, v4;
	v0 =	vadd.f32 v0, v36;
	v4 =	vmul.f32 $8.000000000e+00, v59;
	v55 =	vadd.s32 v25, v37;
	v58 =	vld [tilespmem:s1+$0xFFFFFFE0]  }
0x28f: {  	v17 =	vmul.f32 $8.000000000e+00, v61;
	[tilespmem:v60+s20+$0x0] =	vst.idx.msk $0xffff, v2;
	v2 =	vld [tilespmem:s1+$0xFFFFFC60];
	v3 =	vadd.f32 v3, v36;
	v60 =	vadd.s32 v29, v45  }
0x290: {  	[tilespmem:v57+s20+$0x0] =	vst.idx.msk $0xffff, v0;
	v4 =	vadd.f32 v4, v36;
	v29 =	vmul.f32 $8.000000000e+00, v62;
	v0 =	vld [tilespmem:s1+$0xFFFFFCE0]  }
0x291: {  	v59 =	vadd.f32 v17, v36;
	[tilespmem:v63+s20+$0x0] =	vst.idx.msk $0xffff, v3;
	v3 =	vld [tilespmem:s1+$0xFFFFFD60]  }
0x292: {  	v63 =	vadd.f32 v29, v36;
	v36 =	vadd.s32 v5, v50;
	v61 =	vld [tilespmem:s1+$0xFFFFFDE0];
	[tilespmem:v54+s20+$0x0] =	vst.idx.msk $0xffff, v4  }
0x293: {  	v54 =	vadd.s32 v6, v48;
	[tilespmem:v55+s20+$0x0] =	vst.idx.msk $0xffff, v59;
	v57 =	vld [tilespmem:s1+$0xFFFFFE60];
	v55 =	vmul.f32 $8.000000000e+00, v58  }
0x294: {  	v17 =	vadd.s32 v10, v49;
	v59 =	vld [tilespmem:s1+$0xFFFFFEE0];
	v2 =	vmul.f32 $8.000000000e+00, v2;
	[tilespmem:v60+s20+$0x0] =	vst.idx.msk $0xffff, v63  }
0x295: {  	v29 =	vadd.s32 v14, v47;
	v0 =	vmul.f32 $8.000000000e+00, v0;
	v60 =	vld [tilespmem:s1+$0xFFFFFF60];
	v55 =	vadd.f32 v55, v35  }
0x296: {  	[tilespmem:v53+s20+$0x0] =	vst.idx.msk $0xffff, v56;
	v53 =	vadd.s32 v18, v46;
	v2 =	vadd.f32 v2, v35;
	v3 =	vmul.f32 $8.000000000e+00, v3  }
0x297: {  	v62 =	vadd.s32 v22, v44;
	[tilespmem:v36+s20+$0x0] =	vst.idx.msk $0xffff, v55;
	v0 =	vadd.f32 v0, v35;
	v61 =	vmul.f32 $8.000000000e+00, v61  }
0x298: {  	v63 =	vadd.s32 v26, v37;
	[tilespmem:v54+s20+$0x0] =	vst.idx.msk $0xffff, v2;
	v2 =	vadd.f32 v3, v35;
	v3 =	vmul.f32 $8.000000000e+00, v57;
	v10 =	vld [tilespmem:s1+$0xFFFFFFF0]  }
0x299: {  	v14 =	vmul.f32 $8.000000000e+00, v59;
	[tilespmem:v17+s20+$0x0] =	vst.idx.msk $0xffff, v0;
	v0 =	vld [tilespmem:s1+$0xFFFFFC70];
	v36 =	vadd.f32 v61, v35;
	v17 =	vadd.s32 v30, v45  }
0x29a: {  	[tilespmem:v29+s20+$0x0] =	vst.idx.msk $0xffff, v2;
	v2 =	vld [tilespmem:s1+$0xFFFFFCF0];
	v3 =	vadd.f32 v3, v35;
	v29 =	vmul.f32 $8.000000000e+00, v60  }
0x29b: {  	v60 =	vadd.f32 v14, v35;
	[tilespmem:v53+s20+$0x0] =	vst.idx.msk $0xffff, v36;
	v30 =	vld [tilespmem:s1+$0xFFFFFD70]  }
0x29c: {  	v61 =	vadd.s32 v9, v50;
	[tilespmem:v62+s20+$0x0] =	vst.idx.msk $0xffff, v3;
	v3 =	vld [tilespmem:s1+$0xFFFFFDF0];
	v4 =	vadd.f32 v29, v35  }
0x29d: {  	[tilespmem:v63+s20+$0x0] =	vst.idx.msk $0xffff, v60;
	v62 =	vadd.s32 v7, v48;
	v63 =	vld [tilespmem:s1+$0xFFFFFE70];
	v10 =	vmul.f32 $8.000000000e+00, v10  }
0x29e: {  	v51 =	vadd.f32 v51, v33;
	v11 =	vadd.s32 v11, v49;
	v14 =	vld [tilespmem:s1+$0xFFFFFEF0];
	v0 =	vmul.f32 $8.000000000e+00, v0;
	[tilespmem:v17+s20+$0x0] =	vst.idx.msk $0xffff, v4  }
0x29f: {  	[tilespmem:v43+s20+$0x0] =	vst.idx.msk $0xffff, v52;
	v15 =	vadd.s32 v15, v47;
	v2 =	vmul.f32 $8.000000000e+00, v2;
	v17 =	vld [tilespmem:s1+$0xFFFFFF70];
	v55 =	vadd.f32 v10, v34  }
0x2a0: {  	[tilespmem:v42+s20+$0x0] =	vst.idx.msk $0xffff, v51;
	v29 =	vadd.s32 v19, v46;
	v0 =	vadd.f32 v0, v34;
	v36 =	vmul.f32 $8.000000000e+00, v30  }
0x2a1: {  	v30 =	vadd.s32 v23, v44;
	[tilespmem:v61+s20+$0x0] =	vst.idx.msk $0xffff, v55;
	v2 =	vadd.f32 v2, v34;
	v3 =	vmul.f32 $8.000000000e+00, v3  }
0x2a2: {  	v58 =	vadd.s32 v27, v37;
	[tilespmem:v62+s20+$0x0] =	vst.idx.msk $0xffff, v0;
	v0 =	vadd.f32 v36, v34;
	v57 =	vmul.f32 $8.000000000e+00, v63;
	v59 =	vld [tilespmem:s1+$0x0]  }
0x2a3: {  	v61 =	vadd.s32 v31, v45;
	v60 =	vmul.f32 $8.000000000e+00, v14;
	[tilespmem:v11+s20+$0x0] =	vst.idx.msk $0xffff, v2;
	v2 =	vld [tilespmem:s1+$0xFFFFFC80];
	v3 =	vadd.f32 v3, v34  }
0x2a4: {  	[tilespmem:v15+s20+$0x0] =	vst.idx.msk $0xffff, v0;
	v0 =	vld [tilespmem:s1+$0xFFFFFD00];
	v36 =	vadd.f32 v57, v34;
	v62 =	vmul.f32 $8.000000000e+00, v17  }
0x2a5: {  	v10 =	vmul.f32 $8.000000000e+00, v41;
	v63 =	vld [tilespmem:s1+$0xFFFFFD80];
	[tilespmem:v29+s20+$0x0] =	vst.idx.msk $0xffff, v3;
	v3 =	vadd.f32 v60, v34  }
0x2a6: {  	v15 =	vadd.s32 v13, v50;
	v11 =	vld [tilespmem:s1+$0xFFFFFE00];
	[tilespmem:v30+s20+$0x0] =	vst.idx.msk $0xffff, v36;
	v14 =	vadd.f32 v62, v34  }
0x2a7: {  	v4 =	vadd.f32 v10, v33;
	v29 =	vadd.s32 v8, v48;
	v30 =	vld [tilespmem:s1+$0xFFFFFE80];
	[tilespmem:v58+s20+$0x0] =	vst.idx.msk $0xffff, v3;
	v3 =	vmul.f32 $8.000000000e+00, v59  }
0x2a8: {  	v31 =	vadd.s32 v12, v49;
	v17 =	vadd.f32 v40, v33;
	v2 =	vmul.f32 $8.000000000e+00, v2;
	v53 =	vld [tilespmem:s1+$0xFFFFFF00];
	[tilespmem:v61+s20+$0x0] =	vst.idx.msk $0xffff, v14  }
0x2a9: {  	v55 =	vadd.s32 v16, v47;
	[tilespmem:v38+s20+$0x0] =	vst.idx.msk $0xffff, v4;
	v0 =	vmul.f32 $8.000000000e+00, v0;
	v56 =	vld [tilespmem:s1+$0xFFFFFF80];
	v3 =	vadd.f32 v3, v33  }
0x2aa: {  	[tilespmem:v39+s20+$0x0] =	vst.idx.msk $0xffff, v17;
	v58 =	vadd.s32 v20, v46;
	v2 =	vadd.f32 v2, v33;
	v57 =	vmul.f32 $8.000000000e+00, v63  }
0x2ab: {  	v60 =	vadd.s32 v24, v44;
	v0 =	vadd.f32 v0, v33;
	v59 =	vmul.f32 $8.000000000e+00, v11;
	[tilespmem:v15+s20+$0x0] =	vst.idx.msk $0xffff, v3  }
0x2ac: {  	v61 =	vadd.s32 v28, v37;
	[tilespmem:v29+s20+$0x0] =	vst.idx.msk $0xffff, v2;
	v2 =	vadd.f32 v57, v33;
	v3 =	vmul.f32 $8.000000000e+00, v30  }
0x2ad: {  	v63 =	vadd.s32 v32, v45;
	[tilespmem:v31+s20+$0x0] =	vst.idx.msk $0xffff, v0;
	v0 =	vadd.f32 v59, v33;
	v62 =	vmul.f32 $8.000000000e+00, v53  }
0x2ae: {  	[tilespmem:v55+s20+$0x0] =	vst.idx.msk $0xffff, v2;
	v2 =	vadd.f32 v3, v33;
	v3 =	vmul.f32 $8.000000000e+00, v56  }
0x2af: {  	s0 =	sshll.u32 s0, $0x12;
	[tilespmem:v58+s20+$0x0] =	vst.idx.msk $0xffff, v0;
	v0 =	vadd.f32 v62, v33  }
0x2b0: {  	s0 =	sor.u32 s7, s0;
	[tilespmem:v60+s20+$0x0] =	vst.idx.msk $0xffff, v2;
	v2 =	vadd.f32 v3, v33  }
0x2b1: {  	s0 =	sshrl.u32 s0, $0x3;
	[tilespmem:v61+s20+$0x0] =	vst.idx.msk $0xffff, v0  }
0x2b2: {  	s10 =	simm.s32 $0x19600;
	s1 =	sadd.s32 s2, s0;
	[tilespmem:v63+s20+$0x0] =	vst.idx.msk $0xffff, v2  }
0x2b3: {  	[hbm4b:s1+s3] =	stream.linear.scatter [tilespmem:s10], [sflag:$0x5], $0x80, $0x38;
	[tilespmem:$0x1DA00] =	vst v63  }
0x2b4: {  	s12 =	simm.s32 $0x19688;
	s10 =	sadd.s32 $0x10, s1  }
0x2b5: {  	[hbm4b:s10+s3] =	stream.linear.scatter [tilespmem:s12], [sflag:$0x5], $0x80, $0x38;
	[tilespmem:$0x1DA00] =	vst v63  }
0x2b6: {  	s13 =	simm.s32 $0x19710;
	s14 =	sadd.s32 $0x20, s1  }
0x2b7: {  	[hbm4b:s14+s3] =	stream.linear.scatter [tilespmem:s13], [sflag:$0x5], $0x80, $0x38;
	[tilespmem:$0x1DA00] =	vst v63  }
0x2b8: {  	s10 =	simm.s32 $0x19798;
	s12 =	sadd.s32 $0x30, s1  }
0x2b9: {  	[hbm4b:s12+s3] =	stream.linear.scatter [tilespmem:s10], [sflag:$0x5], $0x80, $0x38;
	[tilespmem:$0x1DA00] =	vst v63  }
0x2ba: {  	s13 =	simm.s32 $0x19820;
	s14 =	sadd.s32 $0x40, s1  }
0x2bb: {  	[hbm4b:s14+s3] =	stream.linear.scatter [tilespmem:s13], [sflag:$0x5], $0x80, $0x38;
	[tilespmem:$0x1DA00] =	vst v63  }
0x2bc: {  	s0 =	simm.s32 $0x440;
	s10 =	simm.s32 $0x198A8;
	s12 =	sadd.s32 $0x50, s1  }
0x2bd: {  	[hbm4b:s12+s3] =	stream.linear.scatter [tilespmem:s10], [sflag:$0x5], $0x80, $0x38;
	[tilespmem:$0x1DA00] =	vst v63  }
0x2be: {  	s13 =	simm.s32 $0x19930;
	s14 =	sadd.s32 $0x60, s1;
	s10 =	simm.s32 $0x2200  }
0x2bf: {  	[hbm4b:s14+s3] =	stream.linear.scatter [tilespmem:s13], [sflag:$0x5], $0x80, $0x38;
	[tilespmem:$0x1DA00] =	vst v63  }
0x2c0: {  	v24 =	vmov v13;
	v20 =	vmov v9;
	s12 =	simm.s32 $0x199B8;
	s13 =	sadd.s32 $0x70, s1;
	s1 =	sadd.s32 $0x1000, s1  }
.LBB2_13:
0x2c1: {  	[hbm4b:s13+s3] =	stream.linear.scatter [tilespmem:s12], [sflag:$0x5], $0x80, $0x38;
	[tilespmem:$0x1DA00] =	vst v63  }
0x2c2: {  	s12 =	smov.u32 s0;
	s0 =	smov.u32 s10  }
0x2c3: {  	s14 =	sadd.s32 $0x1100, s10;
	s0 =	sshra.s32 s0, $0x2;
	s13 =	sadd.s32 $0x19600, s12  }
0x2c4: {  	[hbm4b:s1+s3] =	stream.linear.scatter [tilespmem:s13], [sflag:$0x5], $0x80, $0x38;
	[tilespmem:$0x1DA00] =	vst v63  }
0x2c5: {  	p1 =	sne.s32 s10, $0x7700;
	s10 =	sadd.s32 $0x19688, s12;
	s13 =	sadd.s32 $0x10, s1  }
0x2c6: {  	[hbm4b:s13+s3] =	stream.linear.scatter [tilespmem:s10], [sflag:$0x5], $0x80, $0x38;
	[tilespmem:$0x1DA00] =	vst v63  }
0x2c7: {  	s10 =	sadd.s32 $0x19710, s12;
	s13 =	sadd.s32 $0x20, s1  }
0x2c8: {  	[hbm4b:s13+s3] =	stream.linear.scatter [tilespmem:s10], [sflag:$0x5], $0x80, $0x38;
	[tilespmem:$0x1DA00] =	vst v63  }
0x2c9: {  	s10 =	sadd.s32 $0x19798, s12;
	s13 =	sadd.s32 $0x30, s1  }
0x2ca: {  	[hbm4b:s13+s3] =	stream.linear.scatter [tilespmem:s10], [sflag:$0x5], $0x80, $0x38;
	[tilespmem:$0x1DA00] =	vst v63  }
0x2cb: {  	s10 =	sadd.s32 $0x19820, s12;
	s13 =	sadd.s32 $0x40, s1  }
0x2cc: {  	[hbm4b:s13+s3] =	stream.linear.scatter [tilespmem:s10], [sflag:$0x5], $0x80, $0x38;
	[tilespmem:$0x1DA00] =	vst v63  }
.Ltmp7:
0x2cd: {  	s10 =	sadd.s32 $0x198A8, s12;
	s13 =	sadd.s32 $0x50, s1;
	(pc) =	sbr.rel @p1 .LBB2_13-.Ltmp7, $4  }
0x2ce: {  	[hbm4b:s13+s3] =	stream.linear.scatter [tilespmem:s10], [sflag:$0x5], $0x80, $0x38;
	[tilespmem:$0x1DA00] =	vst v63  }
0x2cf: {  	s10 =	sadd.s32 $0x19930, s12;
	s13 =	sadd.s32 $0x60, s1;
	s12 =	sadd.s32 $0x199B8, s12  }
0x2d0: {  	[hbm4b:s13+s3] =	stream.linear.scatter [tilespmem:s10], [sflag:$0x5], $0x80, $0x38;
	[tilespmem:$0x1DA00] =	vst v63  }
0x2d1: {  	s13 =	sadd.s32 $0x70, s1;
	s1 =	sadd.s32 $0x1000, s1;
	s10 =	smov.u32 s14  }
0x2d2: {  	[hbm4b:s13+s3] =	stream.linear.scatter [tilespmem:s12], [sflag:$0x5], $0x80, $0x38;
	[tilespmem:$0x1DA00] =	vst v63  }
0x2d3: {  	s10 =	sadd.s32 $0x19600, s0  }
0x2d4: {  	[hbm4b:s1+s3] =	stream.linear.scatter [tilespmem:s10], [sflag:$0x5], $0x80, $0x38;
	[tilespmem:$0x1DA00] =	vst v63  }
0x2d5: {  	s13 =	sadd.s32 $0x19688, s0;
	s14 =	sadd.s32 $0x10, s1  }
0x2d6: {  	[hbm4b:s14+s3] =	stream.linear.scatter [tilespmem:s13], [sflag:$0x5], $0x80, $0x38;
	[tilespmem:$0x1DA00] =	vst v63  }
0x2d7: {  	s13 =	sadd.s32 $0x19710, s0;
	s14 =	sadd.s32 $0x20, s1  }
0x2d8: {  	[hbm4b:s14+s3] =	stream.linear.scatter [tilespmem:s13], [sflag:$0x5], $0x80, $0x38;
	[tilespmem:$0x1DA00] =	vst v63  }
0x2d9: {  	s13 =	sadd.s32 $0x19798, s0;
	s14 =	sadd.s32 $0x30, s1  }
0x2da: {  	[hbm4b:s14+s3] =	stream.linear.scatter [tilespmem:s13], [sflag:$0x5], $0x80, $0x38;
	[tilespmem:$0x1DA00] =	vst v63  }
0x2db: {  	s13 =	sadd.s32 $0x19820, s0;
	s14 =	sadd.s32 $0x40, s1  }
0x2dc: {  	[hbm4b:s14+s3] =	stream.linear.scatter [tilespmem:s13], [sflag:$0x5], $0x80, $0x38;
	[tilespmem:$0x1DA00] =	vst v63  }
0x2dd: {  	s13 =	sadd.s32 $0x198A8, s0;
	s14 =	sadd.s32 $0x50, s1  }
0x2de: {  	[hbm4b:s14+s3] =	stream.linear.scatter [tilespmem:s13], [sflag:$0x5], $0x80, $0x38;
	[tilespmem:$0x1DA00] =	vst v63  }
0x2df: {  	s13 =	sadd.s32 $0x19930, s0;
	s14 =	sadd.s32 $0x60, s1  }
0x2e0: {  	[hbm4b:s14+s3] =	stream.linear.scatter [tilespmem:s13], [sflag:$0x5], $0x80, $0x38;
	[tilespmem:$0x1DA00] =	vst v63  }
0x2e1: {  	s13 =	sadd.s32 $0x199B8, s0;
	s14 =	sadd.s32 $0x70, s1  }
0x2e2: {  	[hbm4b:s14+s3] =	stream.linear.scatter [tilespmem:s13], [sflag:$0x5], $0x80, $0x38;
	[tilespmem:$0x1DA00] =	vst v63  }
0x2e3: {  	s10 =	simm.s32 @!p0 $0x11600;
	s0 =	sadd.s32 @!p0 $0x300, s31;
	s1 =	simm.s32 @!p0 $0x80  }
0x2e4: {  	[tilespmem:s10], [sflag:$0x3] =	stream.indirect.gather @!p0 [hbm4b:s5+s1], $0x80, s0, s1, $0xb8;
	[tilespmem:$0x1DA00] =	vst v63  }
0x2e5: {  	_ =	swait.ge [sflag:s25], $0x4000  }
0x2e6: {  	[sflag:s25] =	ssyncset.done $0x0  }
0x2e7: {  	[sflag:s25] =	ssyncadd.s32 $0xFFFFC000  }
0x2e8: {  	s10 =	simm.s32 $0x0;
	_ =	swait.ge [sflag:s26], $0x2000  }
0x2e9: {  	v0 =	vmov s10;
	v5 =	vld [tilespmem:$0x1FE10]  }
0x2ea: {  	s0 =	sor.u32 $0x3, s30;
	v0 =	vshrl.u32 v0, $0x3  }
0x2eb: {  	s12 =	simm.s32 $0x1;
	s14 =	sshll.u32 s0, $0x6;
	v0 =	vshll.u32 v0, v1;
	[sflag:s26] =	ssyncset.done $0x0;
	v28 =	vld [tilespmem:$0x1FFD0]  }
0x2ec: {  	v2 =	vmov s12;
	s12 =	sand.u32 $0x3FFFFFC0, s14;
	v43 =	vbroadcast v0, $0x0;
	v32 =	vld [tilespmem:$0x1FED0];
	[sflag:s26] =	ssyncadd.s32 $0xFFFFE000  }
0x2ed: {  	v2 =	vshrl.u32 v2, $0x3;
	s14 =	simm.s32 $0x7;
	v36 =	vld [tilespmem:s12+$0x6400]  }
0x2ee: {  	v2 =	vshll.u32 v2, v1;
	s31 =	simm.s32 $0x4;
	s1 =	simm.s32 $0x159B0;
	v39 =	vmov s14;
	v49 =	vadd.s32 v5, v43;
	v5 =	vld [tilespmem:$0x1FE50]  }
0x2ef: {  	v44 =	vbroadcast v2, $0x0;
	v33 =	vmov s31;
	s30 =	simm.s32 $0x3;
	v39 =	vshrl.u32 v39, $0x3;
	v46 =	vld [tilespmem:s1+$0xFFFFFFD0]  }
0x2f0: {  	s13 =	simm.s32 $0x2;
	v33 =	vshrl.u32 v33, $0x3;
	v4 =	vmov s30;
	v0 =	vshll.u32 v39, v1;
	v47 =	vld [tilespmem:s1+$0xFFFFFC50]  }
0x2f1: {  	v3 =	vmov s13;
	s13 =	simm.s32 $0x6;
	v4 =	vshrl.u32 v4, $0x3;
	v45 =	vbroadcast v0, $0x0;
	v35 =	vld [tilespmem:s12+$0x6410]  }
0x2f2: {  	v33 =	vshll.u32 v33, v1;
	v38 =	vmov s13;
	v4 =	vshll.u32 v4, v1;
	v34 =	vld [tilespmem:s12+$0x6420]  }
0x2f3: {  	s10 =	simm.s32 $0x5;
	v41 =	vbroadcast v4, $0x0;
	v4 =	vadd.s32 v28, v45;
	v61 =	vadd.s32 v5, v44;
	v5 =	vld [tilespmem:$0x1FE90]  }
0x2f4: {  	v3 =	vshrl.u32 v3, $0x3;
	v37 =	vmov s10;
	v48 =	vld [tilespmem:s1+$0xFFFFFCD0];
	v59 =	vmul.f32 $8.000000000e+00, v46  }
0x2f5: {  	v3 =	vshll.u32 v3, v1;
	v37 =	vshrl.u32 v37, $0x3;
	v0 =	vld [tilespmem:s1+$0xFFFFFD50];
	v60 =	vmul.f32 $8.000000000e+00, v47  }
0x2f6: {  	v42 =	vbroadcast v3, $0x0;
	v37 =	vshll.u32 v37, v1;
	v3 =	vld [tilespmem:s1+$0xFFFFFDD0];
	v52 =	vadd.f32 v59, v36  }
0x2f7: {  	v39 =	vbroadcast v33, $0x0;
	v40 =	vbroadcast v37, $0x0;
	v33 =	vld [tilespmem:s12+$0x6430];
	v37 =	vadd.f32 v60, v36  }
0x2f8: {  	v38 =	vshrl.u32 v38, $0x3;
	v63 =	vadd.s32 v5, v42;
	v5 =	vld [tilespmem:$0x1FF10];
	[tilespmem:v4+s22+$0x0] =	vst.idx.msk $0xffff, v52  }
0x2f9: {  	v2 =	vshll.u32 v38, v1;
	v50 =	vld [tilespmem:s1+$0xFFFFFE50];
	[tilespmem:v49+s22+$0x0] =	vst.idx.msk $0xffff, v37  }
0x2fa: {  	v38 =	vbroadcast v2, $0x0;
	v2 =	vmul.f32 $8.000000000e+00, v48;
	v25 =	vld [tilespmem:$0x1FF50]  }
0x2fb: {  	v62 =	vld [tilespmem:s1+$0xFFFFFED0]  }
0x2fc: {  	v53 =	vadd.s32 v32, v41;
	v0 =	vmul.f32 $8.000000000e+00, v0;
	v2 =	vadd.f32 v2, v36  }
0x2fd: {  	v3 =	vmul.f32 $8.000000000e+00, v3;
	v54 =	vadd.s32 v5, v39  }
0x2fe: {  	v0 =	vadd.f32 v0, v36;
	v4 =	vmul.f32 $8.000000000e+00, v50;
	[tilespmem:v61+s22+$0x0] =	vst.idx.msk $0xffff, v2  }
0x2ff: {  	v2 =	vadd.f32 v3, v36;
	v16 =	vld [tilespmem:$0x1FF90];
	v57 =	vadd.s32 v25, v40  }
0x300: {  	v51 =	vld [tilespmem:s1+$0xFFFFFF50];
	v3 =	vmul.f32 $8.000000000e+00, v62;
	[tilespmem:v63+s22+$0x0] =	vst.idx.msk $0xffff, v0;
	v0 =	vadd.f32 v4, v36  }
0x301: {  	[tilespmem:v53+s22+$0x0] =	vst.idx.msk $0xffff, v2  }
0x302: {  	v2 =	vadd.f32 v3, v36;
	[tilespmem:v54+s22+$0x0] =	vst.idx.msk $0xffff, v0  }
0x303: {  	v12 =	vld [tilespmem:$0x1FFE0]  }
0x304: {  	v46 =	vadd.s32 v16, v38;
	v6 =	vld [tilespmem:$0x1FE20];
	[tilespmem:v57+s22+$0x0] =	vst.idx.msk $0xffff, v2  }
0x305: {  	v4 =	vmul.f32 $8.000000000e+00, v51;
	v8 =	vld [tilespmem:$0x1FE60];
	_ =	sdelay $0x1  }
0x306: {  	v0 =	vadd.f32 v4, v36  }
0x307: {  	s30 =	simm.s32 $0x8  }
0x308: {  	v60 =	vmov s30;
	[tilespmem:v46+s22+$0x0] =	vst.idx.msk $0xffff, v0  }
0x309: {  	v47 =	vshrl.u32 v60, $0x3;
	v5 =	vmovc v6;
	v62 =	vadd.s32 v6, v43;
	v6 =	vmovc v8;
	v60 =	vadd.s32 v8, v44;
	v8 =	vld [tilespmem:$0x1FEA0];
	_ =	sdelay $0x2  }
0x30a: {  	v58 =	vld [tilespmem:s1+$0xFFFFFFE0]  }
0x30b: {  	v59 =	vld [tilespmem:s1+$0xFFFFFC60]  }
0x30c: {  	v17 =	vmov v8;
	v46 =	vadd.s32 v8, v42;
	v8 =	vld [tilespmem:$0x1FEE0];
	_ =	sdelay $0x2  }
0x30d: {  	v4 =	vadd.s32 v12, v45  }
0x30e: {  	v61 =	vld [tilespmem:s1+$0xFFFFFCE0];
	v2 =	vmul.f32 $8.000000000e+00, v58  }
0x30f: {  	v63 =	vmul.f32 $8.000000000e+00, v59;
	v21 =	vmov v8;
	v57 =	vadd.s32 v8, v41;
	v8 =	vld [tilespmem:$0x1FF20]  }
0x310: {  	v2 =	vadd.f32 v2, v35  }
0x311: {  	v37 =	vadd.f32 v63, v35  }
0x312: {  	v48 =	vld [tilespmem:s1+$0xFFFFFD60];
	[tilespmem:v4+s22+$0x0] =	vst.idx.msk $0xffff, v2  }
0x313: {  	v51 =	vld [tilespmem:s1+$0xFFFFFDE0];
	[tilespmem:v62+s22+$0x0] =	vst.idx.msk $0xffff, v37  }
0x314: {  	v0 =	vmul.f32 $8.000000000e+00, v61;
	v13 =	vmov v8;
	v58 =	vadd.s32 v8, v39;
	v8 =	vld [tilespmem:$0x1FF60]  }
0x315: {  	v55 =	vld [tilespmem:s1+$0xFFFFFE60]  }
0x316: {  	v0 =	vadd.f32 v0, v35  }
0x317: {  	v48 =	vmul.f32 $8.000000000e+00, v48;
	v56 =	vld [tilespmem:s1+$0xFFFFFEE0]  }
0x318: {  	v61 =	vld [tilespmem:s1+$0xFFFFFF60];
	[tilespmem:v60+s22+$0x0] =	vst.idx.msk $0xffff, v0  }
0x319: {  	v51 =	vmul.f32 $8.000000000e+00, v51;
	v2 =	vadd.f32 v48, v35;
	v7 =	vmovc v8;
	v48 =	vadd.s32 v8, v40;
	v8 =	vld [tilespmem:$0x1FFA0]  }
0x31a: {  	v4 =	vmul.f32 $8.000000000e+00, v55  }
0x31b: {  	v0 =	vadd.f32 v51, v35  }
0x31c: {  	v54 =	vld [tilespmem:s1+$0xFFFFFFF0];
	[tilespmem:v46+s22+$0x0] =	vst.idx.msk $0xffff, v2;
	v2 =	vadd.f32 v4, v35  }
0x31d: {  	v63 =	vmul.f32 $8.000000000e+00, v56;
	[tilespmem:v57+s22+$0x0] =	vst.idx.msk $0xffff, v0  }
0x31e: {  	v62 =	vld [tilespmem:s1+$0xFFFFFC70];
	v4 =	vmul.f32 $8.000000000e+00, v61;
	[tilespmem:v58+s22+$0x0] =	vst.idx.msk $0xffff, v2;
	v60 =	vadd.s32 v8, v38  }
0x31f: {  	v0 =	vadd.f32 v63, v35;
	v29 =	vmov v8;
	v8 =	vld [tilespmem:$0x1FE30]  }
0x320: {  	v59 =	vld [tilespmem:s1+$0xFFFFFCF0];
	v2 =	vadd.f32 v4, v35;
	v4 =	vadd.s32 v20, v45  }
0x321: {  	v61 =	vld [tilespmem:s1+$0xFFFFFD70];
	[tilespmem:v48+s22+$0x0] =	vst.idx.msk $0xffff, v0;
	v0 =	vmul.f32 $8.000000000e+00, v54  }
0x322: {  	v52 =	vld [tilespmem:s1+$0xFFFFFDF0]  }
0x323: {  	v11 =	vld [tilespmem:$0x1FE70];
	v0 =	vadd.f32 v0, v34;
	[tilespmem:v60+s22+$0x0] =	vst.idx.msk $0xffff, v2  }
0x324: {  	v57 =	vadd.s32 v8, v43;
	v15 =	vld [tilespmem:$0x1FEB0]  }
0x325: {  	v62 =	vmul.f32 $8.000000000e+00, v62;
	v19 =	vld [tilespmem:$0x1FEF0];
	[tilespmem:v4+s22+$0x0] =	vst.idx.msk $0xffff, v0  }
0x326: {  	v23 =	vld [tilespmem:$0x1FF30]  }
0x327: {  	v58 =	vld [tilespmem:s1+$0xFFFFFE70];
	v48 =	vadd.f32 v62, v34  }
0x328: {  	v54 =	vadd.s32 v11, v44  }
0x329: {  	v2 =	vmul.f32 $8.000000000e+00, v59;
	[tilespmem:v57+s22+$0x0] =	vst.idx.msk $0xffff, v48;
	v51 =	vadd.s32 v15, v42  }
0x32a: {  	v37 =	vshll.u32 v47, v1;
	v47 =	vmul.f32 $8.000000000e+00, v61;
	v60 =	vadd.s32 v19, v41;
	v27 =	vld [tilespmem:$0x1FF70]  }
0x32b: {  	v55 =	vld [tilespmem:s1+$0xFFFFFEF0];
	v0 =	vadd.f32 v2, v34;
	v2 =	vmul.f32 $8.000000000e+00, v52;
	v4 =	vadd.s32 v23, v39  }
0x32c: {  	v47 =	vadd.f32 v47, v34;
	v52 =	vmul.f32 $8.000000000e+00, v58  }
0x32d: {  	v59 =	vld [tilespmem:s1+$0xFFFFFF70];
	v2 =	vadd.f32 v2, v34;
	[tilespmem:v54+s22+$0x0] =	vst.idx.msk $0xffff, v0  }
0x32e: {  	v52 =	vadd.f32 v52, v34;
	v31 =	vld [tilespmem:$0x1FFB0];
	[tilespmem:v51+s22+$0x0] =	vst.idx.msk $0xffff, v47  }
0x32f: {  	v57 =	vadd.s32 v27, v40;
	[tilespmem:v60+s22+$0x0] =	vst.idx.msk $0xffff, v2  }
0x330: {  	v58 =	vld [tilespmem:s1+$0x0];
	v54 =	vmul.f32 $8.000000000e+00, v55;
	[tilespmem:v4+s22+$0x0] =	vst.idx.msk $0xffff, v52  }
0x331: {  	v9 =	vmov v8;
	v8 =	vld [tilespmem:$0x1FE40]  }
0x332: {  	v0 =	vld [tilespmem:s1+$0xFFFFFC80];
	v60 =	vadd.f32 v54, v34  }
0x333: {  	s31 =	simm.s32 $0x9;
	v63 =	vmul.f32 $8.000000000e+00, v59  }
0x334: {  	v3 =	vmov s31;
	v61 =	vadd.s32 v31, v38;
	[tilespmem:v57+s22+$0x0] =	vst.idx.msk $0xffff, v60  }
0x335: {  	v3 =	vshrl.u32 v3, $0x3;
	v45 =	vadd.s32 v24, v45;
	v62 =	vadd.f32 v63, v34;
	v14 =	vld [tilespmem:$0x1FE80]  }
0x336: {  	v63 =	vmul.f32 $8.000000000e+00, v58;
	v54 =	vshll.u32 v3, v1;
	v59 =	vld [tilespmem:$0x1FEC0];
	v3 =	vadd.s32 v8, v43  }
0x337: {  	s12 =	simm.s32 $0xA;
	v51 =	vld [tilespmem:s1+$0xFFFFFD00];
	v0 =	vmul.f32 $8.000000000e+00, v0  }
0x338: {  	v53 =	vmov s12;
	v60 =	vadd.f32 v63, v33  }
0x339: {  	v53 =	vshrl.u32 v53, $0x3;
	v0 =	vadd.f32 v0, v33;
	[tilespmem:v61+s22+$0x0] =	vst.idx.msk $0xffff, v62  }
0x33a: {  	v55 =	vshll.u32 v53, v1;
	v62 =	vld [tilespmem:$0x1FF00];
	[tilespmem:v45+s22+$0x0] =	vst.idx.msk $0xffff, v60  }
0x33b: {  	v44 =	vadd.s32 v14, v44;
	v53 =	vadd.s32 v59, v42;
	v42 =	vld [tilespmem:$0x1FF40];
	[tilespmem:v3+s22+$0x0] =	vst.idx.msk $0xffff, v0  }
0x33c: {  	v51 =	vmul.f32 $8.000000000e+00, v51;
	v0 =	vld [tilespmem:$0x1FF80]  }
0x33d: {  	v2 =	vld [tilespmem:s1+$0xFFFFFD80]  }
0x33e: {  	v4 =	vld [tilespmem:s1+$0xFFFFFE00];
	v63 =	vadd.f32 v51, v33  }
0x33f: {  	v52 =	vld [tilespmem:s1+$0xFFFFFE80]  }
0x340: {  	s13 =	simm.s32 $0xB;
	v57 =	vld [tilespmem:s1+$0xFFFFFF00];
	[tilespmem:v44+s22+$0x0] =	vst.idx.msk $0xffff, v63  }
0x341: {  	s14 =	simm.s32 $0xC;
	s30 =	simm.s32 $0xD;
	v49 =	vmov s13;
	s31 =	simm.s32 $0xE;
	v22 =	vmovc v42;
	v42 =	vadd.s32 v42, v39;
	v26 =	vmovc v0;
	v39 =	vadd.s32 v0, v40;
	v0 =	vld [tilespmem:$0x1FFC0]  }
0x342: {  	v50 =	vmov s31;
	v56 =	vmov s14;
	v46 =	vmov s30  }
0x343: {  	v48 =	vshrl.u32 v49, $0x3;
	v2 =	vmul.f32 $8.000000000e+00, v2;
	v4 =	vmul.f32 $8.000000000e+00, v4  }
0x344: {  	v49 =	vshrl.u32 v46, $0x3;
	v46 =	vshrl.u32 v50, $0x3;
	v47 =	vshrl.u32 v56, $0x3  }
0x345: {  	v51 =	vmul.f32 $8.000000000e+00, v52;
	v56 =	vadd.f32 v2, v33;
	v52 =	vadd.f32 v4, v33;
	v10 =	vmovc v14;
	v14 =	vmovc v59  }
0x346: {  	s10 =	simm.s32 $0x10;
	s12 =	simm.s32 $0xF;
	v18 =	vmovc v62;
	v43 =	vadd.s32 v62, v41;
	v41 =	vld [tilespmem:s1+$0xFFFFFF80];
	v40 =	vmul.f32 $8.000000000e+00, v57;
	v30 =	vmovc v0;
	v38 =	vadd.s32 v0, v38  }
.LBB2_15:
0x347: {  	_ = 	snop  }
0x348: {  	s1 =	sadd.s32 $0x400, s1;
	v58 =	vld [tilespmem:$0x1FE10]  }
0x349: {  	v0 =	vmov s12;
	v50 =	vld [tilespmem:s1+$0xFFFFFC50]  }
0x34a: {  	v61 =	vld [tilespmem:$0x1FE50];
	v2 =	vadd.f32 v51, v33;
	v0 =	vshrl.u32 v0, $0x3  }
0x34b: {  	[tilespmem:v53+s22+$0x0] =	vst.idx.msk $0xffff, v56;
	v53 =	vld [tilespmem:s1+$0xFFFFFFD0];
	v40 =	vadd.f32 v40, v33;
	v0 =	vshll.u32 v0, v1;
	v3 =	vmul.f32 $8.000000000e+00, v41  }
0x34c: {  	v57 =	vshll.u32 v49, v1;
	[tilespmem:v42+s22+$0x0] =	vst.idx.msk $0xffff, v2;
	v45 =	vbroadcast v0, $0x0;
	v0 =	vld [tilespmem:s1+$0xFFFFFD50]  }
0x34d: {  	[tilespmem:v39+s22+$0x0] =	vst.idx.msk $0xffff, v40;
	v39 =	vbroadcast v57, $0x0;
	v57 =	vld [tilespmem:$0x1FE90];
	v2 =	vadd.f32 v3, v33  }
0x34e: {  	v4 =	vshll.u32 v48, v1;
	v44 =	vbroadcast v54, $0x0;
	[tilespmem:v43+s22+$0x0] =	vst.idx.msk $0xffff, v52;
	v3 =	vld [tilespmem:s1+$0xFFFFFCD0];
	v60 =	vmul.f32 $8.000000000e+00, v50  }
0x34f: {  	v46 =	vshll.u32 v46, v1;
	v56 =	vshll.u32 v47, v1;
	v41 =	vbroadcast v37, $0x0;
	[tilespmem:v38+s22+$0x0] =	vst.idx.msk $0xffff, v2;
	v2 =	vld [tilespmem:s1+$0xFFFFFDD0]  }
0x350: {  	v42 =	vbroadcast v4, $0x0;
	v4 =	vadd.s32 v28, v45;
	v48 =	vadd.f32 v60, v36;
	v60 =	vld [tilespmem:$0x1FF10]  }
0x351: {  	v43 =	vbroadcast v55, $0x0;
	v49 =	vld [tilespmem:s1+$0xFFFFFE50];
	v37 =	vadd.s32 v58, v41;
	v59 =	vmul.f32 $8.000000000e+00, v53  }
0x352: {  	v40 =	vbroadcast v56, $0x0;
	v63 =	vld [tilespmem:s1+$0xFFFFFED0];
	v62 =	vadd.s32 v61, v44;
	v38 =	vbroadcast v46, $0x0  }
0x353: {  	v46 =	vadd.s32 v57, v43;
	v47 =	vadd.f32 v59, v36;
	v58 =	vld [tilespmem:s1+$0xFFFFFF50];
	v3 =	vmul.f32 $8.000000000e+00, v3  }
0x354: {  	v0 =	vmul.f32 $8.000000000e+00, v0;
	v59 =	vadd.s32 v32, v42  }
0x355: {  	[tilespmem:v4+s22+$0x0] =	vst.idx.msk $0xffff, v47;
	v3 =	vadd.f32 v3, v36;
	v2 =	vmul.f32 $8.000000000e+00, v2;
	v54 =	vadd.s32 v60, v40  }
0x356: {  	v61 =	vadd.s32 v25, v39;
	v0 =	vadd.f32 v0, v36;
	v4 =	vmul.f32 $8.000000000e+00, v49;
	[tilespmem:v37+s22+$0x0] =	vst.idx.msk $0xffff, v48;
	v47 =	vld [tilespmem:s1+$0xFFFFFFE0]  }
0x357: {  	v49 =	vadd.s32 v16, v38;
	v48 =	vld [tilespmem:s1+$0xFFFFFC60];
	[tilespmem:v62+s22+$0x0] =	vst.idx.msk $0xffff, v3;
	v2 =	vadd.f32 v2, v36;
	v3 =	vmul.f32 $8.000000000e+00, v63  }
0x358: {  	s14 =	sadd.s32 $0x4, s10;
	[tilespmem:v46+s22+$0x0] =	vst.idx.msk $0xffff, v0;
	v0 =	vadd.f32 v4, v36;
	v4 =	vmul.f32 $8.000000000e+00, v58;
	v51 =	vld [tilespmem:s1+$0xFFFFFCE0]  }
0x359: {  	s31 =	sadd.s32 $0x2, s10;
	v56 =	vmov s14;
	v57 =	vadd.s32 v21, v42;
	v50 =	vld [tilespmem:s1+$0xFFFFFD60];
	[tilespmem:v59+s22+$0x0] =	vst.idx.msk $0xffff, v2;
	v2 =	vadd.f32 v3, v36  }
0x35a: {  	v53 =	vmov s31;
	v52 =	vld [tilespmem:s1+$0xFFFFFDE0];
	[tilespmem:v54+s22+$0x0] =	vst.idx.msk $0xffff, v0;
	v0 =	vadd.f32 v4, v36;
	v4 =	vadd.s32 v12, v45  }
0x35b: {  	v62 =	vmov s10;
	v54 =	vadd.s32 v5, v41;
	v63 =	vld [tilespmem:s1+$0xFFFFFE60];
	[tilespmem:v61+s22+$0x0] =	vst.idx.msk $0xffff, v2;
	v2 =	vmul.f32 $8.000000000e+00, v47  }
0x35c: {  	v46 =	vshrl.u32 v62, $0x3;
	v60 =	vmul.f32 $8.000000000e+00, v48;
	v61 =	vadd.s32 v6, v44;
	v62 =	vld [tilespmem:s1+$0xFFFFFEE0];
	[tilespmem:v49+s22+$0x0] =	vst.idx.msk $0xffff, v0  }
0x35d: {  	v49 =	vadd.s32 v17, v43;
	v0 =	vmul.f32 $8.000000000e+00, v51;
	v51 =	vld [tilespmem:s1+$0xFFFFFF60];
	v2 =	vadd.f32 v2, v35  }
0x35e: {  	s30 =	sadd.s32 $0x1, s10;
	v58 =	vadd.s32 v13, v40;
	v37 =	vadd.f32 v60, v35;
	v50 =	vmul.f32 $8.000000000e+00, v50  }
0x35f: {  	v3 =	vmov s30;
	v0 =	vadd.f32 v0, v35;
	v52 =	vmul.f32 $8.000000000e+00, v52;
	[tilespmem:v4+s22+$0x0] =	vst.idx.msk $0xffff, v2  }
0x360: {  	[tilespmem:v54+s22+$0x0] =	vst.idx.msk $0xffff, v37;
	v2 =	vadd.f32 v50, v35;
	v50 =	vadd.s32 v7, v39;
	v4 =	vmul.f32 $8.000000000e+00, v63;
	v63 =	vld [tilespmem:s1+$0xFFFFFFF0]  }
0x361: {  	v60 =	vld [tilespmem:s1+$0xFFFFFC70];
	[tilespmem:v61+s22+$0x0] =	vst.idx.msk $0xffff, v0;
	v0 =	vadd.f32 v52, v35;
	v61 =	vmul.f32 $8.000000000e+00, v62;
	v62 =	vadd.s32 v29, v38  }
0x362: {  	s13 =	sadd.s32 $0x3, s10;
	v3 =	vshrl.u32 v3, $0x3;
	[tilespmem:v49+s22+$0x0] =	vst.idx.msk $0xffff, v2;
	v59 =	vld [tilespmem:s1+$0xFFFFFCF0];
	v2 =	vadd.f32 v4, v35;
	v4 =	vmul.f32 $8.000000000e+00, v51  }
0x363: {  	s30 =	sadd.s32 $0x5, s10;
	v47 =	vmov s13;
	v37 =	vshll.u32 v46, v1;
	v49 =	vld [tilespmem:s1+$0xFFFFFD70];
	[tilespmem:v57+s22+$0x0] =	vst.idx.msk $0xffff, v0;
	v0 =	vadd.f32 v61, v35  }
0x364: {  	v46 =	vmov s30;
	v48 =	vld [tilespmem:s1+$0xFFFFFDF0];
	[tilespmem:v58+s22+$0x0] =	vst.idx.msk $0xffff, v2;
	v2 =	vadd.f32 v4, v35;
	v4 =	vadd.s32 v20, v45  }
0x365: {  	v54 =	vadd.s32 v11, v44;
	v57 =	vadd.s32 v9, v41;
	v58 =	vld [tilespmem:s1+$0xFFFFFE70];
	[tilespmem:v50+s22+$0x0] =	vst.idx.msk $0xffff, v0;
	v0 =	vmul.f32 $8.000000000e+00, v63  }
0x366: {  	v44 =	vadd.s32 v10, v44;
	v52 =	vadd.s32 v15, v43;
	v63 =	vmul.f32 $8.000000000e+00, v60;
	v55 =	vld [tilespmem:s1+$0xFFFFFEF0];
	[tilespmem:v62+s22+$0x0] =	vst.idx.msk $0xffff, v2  }
0x367: {  	v50 =	vshrl.u32 v53, $0x3;
	v2 =	vmul.f32 $8.000000000e+00, v59;
	v59 =	vld [tilespmem:s1+$0xFFFFFF70];
	v0 =	vadd.f32 v0, v34  }
0x368: {  	v60 =	vadd.s32 v19, v42;
	v53 =	vadd.f32 v63, v34;
	v49 =	vmul.f32 $8.000000000e+00, v49  }
0x369: {  	v61 =	vadd.s32 v23, v40;
	v2 =	vadd.f32 v2, v34;
	v48 =	vmul.f32 $8.000000000e+00, v48;
	[tilespmem:v4+s22+$0x0] =	vst.idx.msk $0xffff, v0  }
0x36a: {  	s31 =	sadd.s32 $0x6, s10;
	[tilespmem:v57+s22+$0x0] =	vst.idx.msk $0xffff, v53;
	v0 =	vadd.f32 v49, v34;
	v53 =	vadd.s32 v27, v39;
	v4 =	vmul.f32 $8.000000000e+00, v58;
	v57 =	vld [tilespmem:s1+$0x0]  }
0x36b: {  	v51 =	vmov s31;
	v58 =	vld [tilespmem:s1+$0xFFFFFC80];
	[tilespmem:v54+s22+$0x0] =	vst.idx.msk $0xffff, v2;
	v2 =	vadd.f32 v48, v34;
	v54 =	vmul.f32 $8.000000000e+00, v55  }
0x36c: {  	v62 =	vadd.s32 v31, v38;
	[tilespmem:v52+s22+$0x0] =	vst.idx.msk $0xffff, v0;
	v63 =	vld [tilespmem:s1+$0xFFFFFD00];
	v0 =	vadd.f32 v4, v34;
	v4 =	vmul.f32 $8.000000000e+00, v59  }
0x36d: {  	v38 =	vadd.s32 v30, v38;
	v49 =	vshrl.u32 v46, $0x3;
	v52 =	vld [tilespmem:s1+$0xFFFFFD80];
	[tilespmem:v60+s22+$0x0] =	vst.idx.msk $0xffff, v2;
	v2 =	vadd.f32 v54, v34  }
0x36e: {  	v46 =	vshrl.u32 v51, $0x3;
	v51 =	vld [tilespmem:s1+$0xFFFFFE00];
	[tilespmem:v61+s22+$0x0] =	vst.idx.msk $0xffff, v0;
	v0 =	vadd.f32 v4, v34;
	v4 =	vadd.s32 v24, v45  }
0x36f: {  	v54 =	vshll.u32 v3, v1;
	v3 =	vadd.s32 v8, v41;
	v45 =	vld [tilespmem:s1+$0xFFFFFE80];
	[tilespmem:v53+s22+$0x0] =	vst.idx.msk $0xffff, v2;
	v2 =	vmul.f32 $8.000000000e+00, v57  }
0x370: {  	p1 =	slt.u32 s10, $0x78;
	v39 =	vadd.s32 v26, v39;
	v48 =	vshrl.u32 v47, $0x3;
	v60 =	vmul.f32 $8.000000000e+00, v58;
	v61 =	vld [tilespmem:s1+$0xFFFFFF00]  }
.Ltmp8:
0x371: {  	v55 =	vshll.u32 v50, v1;
	[tilespmem:v62+s22+$0x0] =	vst.idx.msk $0xffff, v0;
	v0 =	vmul.f32 $8.000000000e+00, v63;
	v2 =	vadd.f32 v2, v33;
	(pc) =	sbr.rel @p1 .LBB2_15-.Ltmp8, $4  }
0x372: {  	v53 =	vadd.s32 v14, v43;
	v50 =	vadd.f32 v60, v33;
	v52 =	vmul.f32 $8.000000000e+00, v52  }
0x373: {  	v43 =	vadd.s32 v18, v42;
	v0 =	vadd.f32 v0, v33;
	v63 =	vmul.f32 $8.000000000e+00, v51;
	[tilespmem:v4+s22+$0x0] =	vst.idx.msk $0xffff, v2  }
0x374: {  	v47 =	vshrl.u32 v56, $0x3;
	v42 =	vadd.s32 v22, v40;
	[tilespmem:v3+s22+$0x0] =	vst.idx.msk $0xffff, v50;
	v56 =	vadd.f32 v52, v33  }
0x375: {  	s12 =	sadd.s32 $0x7, s10;
	s10 =	sadd.s32 $0x8, s10;
	v41 =	vld [tilespmem:s1+$0xFFFFFF80];
	v51 =	vmul.f32 $8.000000000e+00, v45;
	[tilespmem:v44+s22+$0x0] =	vst.idx.msk $0xffff, v0;
	v52 =	vadd.f32 v63, v33;
	v40 =	vmul.f32 $8.000000000e+00, v61  }
0x376: {  	v0 =	vmov s12  }
0x377: {  	v0 =	vshrl.u32 v0, $0x3  }
0x378: {  	v0 =	vshll.u32 v0, v1  }
0x379: {  	v50 =	vbroadcast v0, $0x0  }
0x37a: {  	v3 =	vshll.u32 v48, v1;
	v45 =	vshll.u32 v49, v1;
	v49 =	vbroadcast v54, $0x0  }
0x37b: {  	v54 =	vshll.u32 v46, v1;
	v46 =	vbroadcast v3, $0x0;
	v3 =	vadd.s32 v28, v50;
	v28 =	vld [tilespmem:$0x1FE10];
	_ =	sdelay $0x2  }
0x37c: {  	s1 =	sadd.s32 $0x400, s1;
	v48 =	vbroadcast v37, $0x0  }
0x37d: {  	v2 =	vld [tilespmem:s1+$0xFFFFFFD0]  }
0x37e: {  	v58 =	vadd.s32 v28, v48;
	v28 =	vld [tilespmem:$0x1FE50];
	_ =	sdelay $0x3  }
0x37f: {  	v57 =	vld [tilespmem:s1+$0xFFFFFCD0]  }
0x380: {  	v2 =	vmul.f32 $8.000000000e+00, v2;
	v60 =	vadd.s32 v28, v49;
	v28 =	vld [tilespmem:$0x1FE90];
	_ =	sdelay $0x1  }
0x381: {  	v4 =	vld [tilespmem:s1+$0xFFFFFC50];
	v2 =	vadd.f32 v2, v36  }
0x382: {  	v63 =	vshll.u32 v47, v1;
	v47 =	vbroadcast v55, $0x0;
	v55 =	vld [tilespmem:s1+$0xFFFFFDD0]  }
0x383: {  	v37 =	vbroadcast v45, $0x0;
	v0 =	vld [tilespmem:s1+$0xFFFFFD50];
	[tilespmem:v3+s22+$0x0] =	vst.idx.msk $0xffff, v2  }
0x384: {  	v45 =	vbroadcast v54, $0x0;
	v54 =	vmul.f32 $8.000000000e+00, v57;
	v57 =	vadd.s32 v28, v47;
	v28 =	vld [tilespmem:$0x1FF10]  }
0x385: {  	v59 =	vld [tilespmem:s1+$0xFFFFFE50]  }
0x386: {  	v61 =	vld [tilespmem:s1+$0xFFFFFED0];
	v4 =	vmul.f32 $8.000000000e+00, v4  }
0x387: {  	v44 =	vbroadcast v63, $0x0;
	v62 =	vld [tilespmem:s1+$0xFFFFFF50]  }
0x388: {  	v63 =	vadd.s32 v32, v46;
	v4 =	vadd.f32 v4, v36;
	v0 =	vmul.f32 $8.000000000e+00, v0  }
0x389: {  	v2 =	vadd.f32 v54, v36;
	v3 =	vmul.f32 $8.000000000e+00, v55;
	v54 =	vadd.s32 v28, v44  }
0x38a: {  	v0 =	vadd.f32 v0, v36;
	v55 =	vadd.s32 v25, v37;
	[tilespmem:v58+s22+$0x0] =	vst.idx.msk $0xffff, v4;
	v4 =	vmul.f32 $8.000000000e+00, v59;
	v58 =	vld [tilespmem:s1+$0xFFFFFFE0]  }
0x38b: {  	v3 =	vadd.f32 v3, v36;
	[tilespmem:v60+s22+$0x0] =	vst.idx.msk $0xffff, v2;
	v59 =	vmul.f32 $8.000000000e+00, v61;
	v60 =	vadd.s32 v16, v45;
	v2 =	vld [tilespmem:s1+$0xFFFFFC60]  }
0x38c: {  	v32 =	vmul.f32 $8.000000000e+00, v62;
	v4 =	vadd.f32 v4, v36;
	[tilespmem:v57+s22+$0x0] =	vst.idx.msk $0xffff, v0;
	v0 =	vld [tilespmem:s1+$0xFFFFFCE0]  }
0x38d: {  	[tilespmem:v63+s22+$0x0] =	vst.idx.msk $0xffff, v3;
	v59 =	vadd.f32 v59, v36;
	v3 =	vld [tilespmem:s1+$0xFFFFFD60]  }
0x38e: {  	v61 =	vld [tilespmem:s1+$0xFFFFFDE0];
	[tilespmem:v54+s22+$0x0] =	vst.idx.msk $0xffff, v4;
	v4 =	vadd.f32 v32, v36;
	v36 =	vadd.s32 v12, v50  }
0x38f: {  	[tilespmem:v55+s22+$0x0] =	vst.idx.msk $0xffff, v59;
	v55 =	vmul.f32 $8.000000000e+00, v58;
	v54 =	vadd.s32 v5, v48;
	v57 =	vld [tilespmem:s1+$0xFFFFFE60]  }
0x390: {  	v59 =	vld [tilespmem:s1+$0xFFFFFEE0];
	v2 =	vmul.f32 $8.000000000e+00, v2;
	v32 =	vadd.s32 v6, v49;
	[tilespmem:v60+s22+$0x0] =	vst.idx.msk $0xffff, v4  }
0x391: {  	v55 =	vadd.f32 v55, v35;
	v0 =	vmul.f32 $8.000000000e+00, v0;
	v4 =	vadd.s32 v17, v47;
	v60 =	vld [tilespmem:s1+$0xFFFFFF60]  }
0x392: {  	[tilespmem:v53+s22+$0x0] =	vst.idx.msk $0xffff, v56;
	v53 =	vadd.s32 v21, v46;
	v2 =	vadd.f32 v2, v35;
	v3 =	vmul.f32 $8.000000000e+00, v3  }
0x393: {  	v63 =	vadd.s32 v13, v44;
	v62 =	vmul.f32 $8.000000000e+00, v61;
	v0 =	vadd.f32 v0, v35;
	[tilespmem:v36+s22+$0x0] =	vst.idx.msk $0xffff, v55  }
0x394: {  	[tilespmem:v54+s22+$0x0] =	vst.idx.msk $0xffff, v2;
	v2 =	vadd.f32 v3, v35;
	v54 =	vadd.s32 v7, v37;
	v3 =	vmul.f32 $8.000000000e+00, v57;
	v56 =	vld [tilespmem:s1+$0xFFFFFFF0]  }
0x395: {  	v61 =	vadd.s32 v29, v45;
	[tilespmem:v32+s22+$0x0] =	vst.idx.msk $0xffff, v0;
	v36 =	vadd.f32 v62, v35;
	v32 =	vmul.f32 $8.000000000e+00, v59;
	v0 =	vld [tilespmem:s1+$0xFFFFFC70]  }
0x396: {  	[tilespmem:v4+s22+$0x0] =	vst.idx.msk $0xffff, v2;
	v2 =	vld [tilespmem:s1+$0xFFFFFCF0];
	v3 =	vadd.f32 v3, v35;
	v4 =	vmul.f32 $8.000000000e+00, v60  }
0x397: {  	[tilespmem:v53+s22+$0x0] =	vst.idx.msk $0xffff, v36;
	v62 =	vadd.f32 v32, v35;
	v36 =	vld [tilespmem:s1+$0xFFFFFD70]  }
0x398: {  	[tilespmem:v63+s22+$0x0] =	vst.idx.msk $0xffff, v3;
	v3 =	vld [tilespmem:s1+$0xFFFFFDF0];
	v4 =	vadd.f32 v4, v35;
	v63 =	vadd.s32 v20, v50  }
0x399: {  	v53 =	vadd.s32 v9, v48;
	[tilespmem:v54+s22+$0x0] =	vst.idx.msk $0xffff, v62;
	v54 =	vld [tilespmem:s1+$0xFFFFFE70];
	v32 =	vmul.f32 $8.000000000e+00, v56  }
0x39a: {  	v51 =	vadd.f32 v51, v33;
	v0 =	vmul.f32 $8.000000000e+00, v0;
	v56 =	vld [tilespmem:s1+$0xFFFFFEF0];
	[tilespmem:v61+s22+$0x0] =	vst.idx.msk $0xffff, v4;
	v4 =	vadd.s32 v11, v49  }
0x39b: {  	[tilespmem:v43+s22+$0x0] =	vst.idx.msk $0xffff, v52;
	v60 =	vadd.s32 v15, v47;
	v2 =	vmul.f32 $8.000000000e+00, v2;
	v61 =	vld [tilespmem:s1+$0xFFFFFF70];
	v55 =	vadd.f32 v32, v34  }
0x39c: {  	[tilespmem:v42+s22+$0x0] =	vst.idx.msk $0xffff, v51;
	v62 =	vadd.s32 v19, v46;
	v0 =	vadd.f32 v0, v34;
	v36 =	vmul.f32 $8.000000000e+00, v36  }
0x39d: {  	v2 =	vadd.f32 v2, v34;
	[tilespmem:v63+s22+$0x0] =	vst.idx.msk $0xffff, v55;
	v3 =	vmul.f32 $8.000000000e+00, v3;
	v63 =	vadd.s32 v23, v44  }
0x39e: {  	v51 =	vadd.s32 v27, v37;
	[tilespmem:v53+s22+$0x0] =	vst.idx.msk $0xffff, v0;
	v0 =	vadd.f32 v36, v34;
	v32 =	vmul.f32 $8.000000000e+00, v54;
	v53 =	vld [tilespmem:s1+$0x0]  }
0x39f: {  	v57 =	vadd.s32 v31, v45;
	[tilespmem:v4+s22+$0x0] =	vst.idx.msk $0xffff, v2;
	v2 =	vld [tilespmem:s1+$0xFFFFFC80];
	v3 =	vadd.f32 v3, v34;
	v4 =	vmul.f32 $8.000000000e+00, v56  }
0x3a0: {  	[tilespmem:v60+s22+$0x0] =	vst.idx.msk $0xffff, v0;
	v0 =	vld [tilespmem:s1+$0xFFFFFD00];
	v36 =	vadd.f32 v32, v34;
	v58 =	vmul.f32 $8.000000000e+00, v61  }
0x3a1: {  	v59 =	vld [tilespmem:s1+$0xFFFFFD80];
	[tilespmem:v62+s22+$0x0] =	vst.idx.msk $0xffff, v3;
	v3 =	vadd.f32 v4, v34  }
0x3a2: {  	v35 =	vadd.s32 v24, v50;
	v4 =	vmul.f32 $8.000000000e+00, v41;
	v41 =	vld [tilespmem:s1+$0xFFFFFE00];
	[tilespmem:v63+s22+$0x0] =	vst.idx.msk $0xffff, v36;
	v60 =	vadd.f32 v58, v34  }
0x3a3: {  	v61 =	vadd.f32 v40, v33;
	v62 =	vadd.s32 v8, v48;
	v63 =	vld [tilespmem:s1+$0xFFFFFE80];
	[tilespmem:v51+s22+$0x0] =	vst.idx.msk $0xffff, v3;
	v3 =	vmul.f32 $8.000000000e+00, v53  }
0x3a4: {  	v55 =	vadd.s32 v10, v49;
	v4 =	vadd.f32 v4, v33;
	v2 =	vmul.f32 $8.000000000e+00, v2;
	v56 =	vld [tilespmem:s1+$0xFFFFFF00];
	[tilespmem:v57+s22+$0x0] =	vst.idx.msk $0xffff, v60  }
0x3a5: {  	[tilespmem:v39+s22+$0x0] =	vst.idx.msk $0xffff, v61;
	v57 =	vadd.s32 v14, v47;
	v0 =	vmul.f32 $8.000000000e+00, v0;
	v58 =	vld [tilespmem:s1+$0xFFFFFF80];
	v3 =	vadd.f32 v3, v33  }
0x3a6: {  	[tilespmem:v38+s22+$0x0] =	vst.idx.msk $0xffff, v4;
	v4 =	vmul.f32 $8.000000000e+00, v59;
	v59 =	vadd.s32 v18, v46;
	v2 =	vadd.f32 v2, v33  }
0x3a7: {  	v61 =	vadd.s32 v22, v44;
	v0 =	vadd.f32 v0, v33;
	v60 =	vmul.f32 $8.000000000e+00, v41;
	[tilespmem:v35+s22+$0x0] =	vst.idx.msk $0xffff, v3  }
0x3a8: {  	[tilespmem:v62+s22+$0x0] =	vst.idx.msk $0xffff, v2;
	v2 =	vadd.f32 v4, v33;
	v3 =	vmul.f32 $8.000000000e+00, v63;
	v4 =	vadd.s32 v26, v37  }
0x3a9: {  	v63 =	vadd.s32 v30, v45;
	[tilespmem:v55+s22+$0x0] =	vst.idx.msk $0xffff, v0;
	v0 =	vadd.f32 v60, v33;
	v62 =	vmul.f32 $8.000000000e+00, v56  }
0x3aa: {  	[tilespmem:v57+s22+$0x0] =	vst.idx.msk $0xffff, v2;
	v2 =	vadd.f32 v3, v33;
	v3 =	vmul.f32 $8.000000000e+00, v58  }
0x3ab: {  	s0 =	sshll.u32 s0, $0x12;
	[tilespmem:v59+s22+$0x0] =	vst.idx.msk $0xffff, v0;
	v0 =	vadd.f32 v62, v33  }
0x3ac: {  	s0 =	sor.u32 s7, s0;
	[tilespmem:v61+s22+$0x0] =	vst.idx.msk $0xffff, v2;
	v2 =	vadd.f32 v3, v33  }
0x3ad: {  	s0 =	sshrl.u32 s0, $0x3;
	[tilespmem:v4+s22+$0x0] =	vst.idx.msk $0xffff, v0  }
0x3ae: {  	s10 =	simm.s32 $0x1B800;
	s1 =	sadd.s32 s2, s0;
	[tilespmem:v63+s22+$0x0] =	vst.idx.msk $0xffff, v2  }
0x3af: {  	[hbm4b:s1+s3] =	stream.linear.scatter [tilespmem:s10], [sflag:$0x6], $0x80, $0x38;
	[tilespmem:$0x1DA00] =	vst v63  }
0x3b0: {  	s12 =	simm.s32 $0x1B888;
	s10 =	sadd.s32 $0x10, s1  }
0x3b1: {  	[hbm4b:s10+s3] =	stream.linear.scatter [tilespmem:s12], [sflag:$0x6], $0x80, $0x38;
	[tilespmem:$0x1DA00] =	vst v63  }
0x3b2: {  	s13 =	simm.s32 $0x1B910;
	s30 =	simm.s32 $0x1B998;
	s14 =	sadd.s32 $0x20, s1  }
0x3b3: {  	[hbm4b:s14+s3] =	stream.linear.scatter [tilespmem:s13], [sflag:$0x6], $0x80, $0x38;
	[tilespmem:$0x1DA00] =	vst v63  }
0x3b4: {  	s0 =	simm.s32 $0x440;
	s31 =	sadd.s32 $0x30, s1;
	s10 =	simm.s32 $0x1BA20  }
0x3b5: {  	[hbm4b:s31+s3] =	stream.linear.scatter [tilespmem:s30], [sflag:$0x6], $0x80, $0x38;
	[tilespmem:$0x1DA00] =	vst v63  }
0x3b6: {  	s12 =	sadd.s32 $0x40, s1;
	s13 =	simm.s32 $0x1BAA8;
	s14 =	sadd.s32 $0x50, s1  }
0x3b7: {  	[hbm4b:s12+s3] =	stream.linear.scatter [tilespmem:s10], [sflag:$0x6], $0x80, $0x38;
	[tilespmem:$0x1DA00] =	vst v63  }
0x3b8: {  	s30 =	simm.s32 $0x1BB30;
	s31 =	sadd.s32 $0x60, s1;
	s10 =	simm.s32 $0x2200  }
0x3b9: {  	[hbm4b:s14+s3] =	stream.linear.scatter [tilespmem:s13], [sflag:$0x6], $0x80, $0x38;
	[tilespmem:$0x1DA00] =	vst v63  }
0x3ba: {  	s12 =	simm.s32 $0x1BBB8;
	s13 =	sadd.s32 $0x70, s1;
	s1 =	sadd.s32 $0x1000, s1  }
0x3bb: {  	v59 =	vmovc v5;
	v5 =	vmovc v6;
	v62 =	vmov v13;
	v4 =	vmov v20;
	v63 =	vmov v7;
	[hbm4b:s31+s3] =	stream.linear.scatter [tilespmem:s30], [sflag:$0x6], $0x80, $0x38;
	[tilespmem:$0x1DA00] =	vst v63  }
.LBB2_17:
0x3bc: {  	[hbm4b:s13+s3] =	stream.linear.scatter [tilespmem:s12], [sflag:$0x6], $0x80, $0x38;
	[tilespmem:$0x1DA00] =	vst v63  }
0x3bd: {  	s12 =	smov.u32 s0;
	s0 =	smov.u32 s10  }
0x3be: {  	s14 =	sadd.s32 $0x1100, s10;
	s0 =	sshra.s32 s0, $0x2;
	s13 =	sadd.s32 $0x1B800, s12  }
0x3bf: {  	[hbm4b:s1+s3] =	stream.linear.scatter [tilespmem:s13], [sflag:$0x6], $0x80, $0x38;
	[tilespmem:$0x1DA00] =	vst v63  }
0x3c0: {  	p1 =	sne.s32 s10, $0x7700;
	s10 =	sadd.s32 $0x1B888, s12;
	s13 =	sadd.s32 $0x10, s1  }
0x3c1: {  	[hbm4b:s13+s3] =	stream.linear.scatter [tilespmem:s10], [sflag:$0x6], $0x80, $0x38;
	[tilespmem:$0x1DA00] =	vst v63  }
0x3c2: {  	s10 =	sadd.s32 $0x1B910, s12;
	s13 =	sadd.s32 $0x20, s1  }
0x3c3: {  	[hbm4b:s13+s3] =	stream.linear.scatter [tilespmem:s10], [sflag:$0x6], $0x80, $0x38;
	[tilespmem:$0x1DA00] =	vst v63  }
0x3c4: {  	s10 =	sadd.s32 $0x1B998, s12;
	s13 =	sadd.s32 $0x30, s1  }
0x3c5: {  	[hbm4b:s13+s3] =	stream.linear.scatter [tilespmem:s10], [sflag:$0x6], $0x80, $0x38;
	[tilespmem:$0x1DA00] =	vst v63  }
0x3c6: {  	s10 =	sadd.s32 $0x1BA20, s12;
	s13 =	sadd.s32 $0x40, s1  }
0x3c7: {  	[hbm4b:s13+s3] =	stream.linear.scatter [tilespmem:s10], [sflag:$0x6], $0x80, $0x38;
	[tilespmem:$0x1DA00] =	vst v63  }
.Ltmp9:
0x3c8: {  	s10 =	sadd.s32 $0x1BAA8, s12;
	s13 =	sadd.s32 $0x50, s1;
	(pc) =	sbr.rel @p1 .LBB2_17-.Ltmp9, $4  }
0x3c9: {  	[hbm4b:s13+s3] =	stream.linear.scatter [tilespmem:s10], [sflag:$0x6], $0x80, $0x38;
	[tilespmem:$0x1DA00] =	vst v63  }
0x3ca: {  	s10 =	sadd.s32 $0x1BB30, s12;
	s13 =	sadd.s32 $0x60, s1;
	s12 =	sadd.s32 $0x1BBB8, s12  }
0x3cb: {  	[hbm4b:s13+s3] =	stream.linear.scatter [tilespmem:s10], [sflag:$0x6], $0x80, $0x38;
	[tilespmem:$0x1DA00] =	vst v63  }
0x3cc: {  	s13 =	sadd.s32 $0x70, s1;
	s1 =	sadd.s32 $0x1000, s1;
	s10 =	smov.u32 s14  }
0x3cd: {  	[hbm4b:s13+s3] =	stream.linear.scatter [tilespmem:s12], [sflag:$0x6], $0x80, $0x38;
	[tilespmem:$0x1DA00] =	vst v63  }
0x3ce: {  	s10 =	sadd.s32 $0x1B800, s0  }
0x3cf: {  	[hbm4b:s1+s3] =	stream.linear.scatter [tilespmem:s10], [sflag:$0x6], $0x80, $0x38;
	[tilespmem:$0x1DA00] =	vst v63  }
0x3d0: {  	s30 =	sadd.s32 $0x1B888, s0;
	s31 =	sadd.s32 $0x10, s1  }
0x3d1: {  	[hbm4b:s31+s3] =	stream.linear.scatter [tilespmem:s30], [sflag:$0x6], $0x80, $0x38;
	[tilespmem:$0x1DA00] =	vst v63  }
0x3d2: {  	s13 =	sadd.s32 $0x1B910, s0;
	s14 =	sadd.s32 $0x20, s1  }
0x3d3: {  	[hbm4b:s14+s3] =	stream.linear.scatter [tilespmem:s13], [sflag:$0x6], $0x80, $0x38;
	[tilespmem:$0x1DA00] =	vst v63  }
0x3d4: {  	s30 =	sadd.s32 $0x1B998, s0;
	s31 =	sadd.s32 $0x30, s1  }
0x3d5: {  	[hbm4b:s31+s3] =	stream.linear.scatter [tilespmem:s30], [sflag:$0x6], $0x80, $0x38;
	[tilespmem:$0x1DA00] =	vst v63  }
0x3d6: {  	s13 =	sadd.s32 $0x1BA20, s0;
	s14 =	sadd.s32 $0x40, s1  }
0x3d7: {  	[hbm4b:s14+s3] =	stream.linear.scatter [tilespmem:s13], [sflag:$0x6], $0x80, $0x38;
	[tilespmem:$0x1DA00] =	vst v63  }
0x3d8: {  	s30 =	sadd.s32 $0x1BAA8, s0;
	s31 =	sadd.s32 $0x50, s1  }
0x3d9: {  	[hbm4b:s31+s3] =	stream.linear.scatter [tilespmem:s30], [sflag:$0x6], $0x80, $0x38;
	[tilespmem:$0x1DA00] =	vst v63  }
.Ltmp10:
0x3da: {  	_ = 	snop;
	(pc) =	sbr.rel @p0 .LBB2_20-.Ltmp10, $4  }
0x3db: {  	s13 =	sadd.s32 $0x1BB30, s0;
	s14 =	sadd.s32 $0x60, s1  }
0x3dc: {  	[hbm4b:s14+s3] =	stream.linear.scatter [tilespmem:s13], [sflag:$0x6], $0x80, $0x38;
	[tilespmem:$0x1DA00] =	vst v63  }
0x3dd: {  	s30 =	sadd.s32 $0x1BBB8, s0;
	s31 =	sadd.s32 $0x70, s1  }
0x3de: {  	[hbm4b:s31+s3] =	stream.linear.scatter [tilespmem:s30], [sflag:$0x6], $0x80, $0x38;
	[tilespmem:$0x1DA00] =	vst v63  }
0x3df: {  	v7 =	vld [tilespmem:$0x1FE10]  }
0x3e0: {  	v8 =	vld [tilespmem:$0x1FE40]  }
0x3e1: {  	v11 =	vld [tilespmem:$0x1FE50]  }
0x3e2: {  	v20 =	vld [tilespmem:$0x1FE70]  }
0x3e3: {  	v15 =	vld [tilespmem:$0x1FE90]  }
0x3e4: {  	v24 =	vld [tilespmem:$0x1FEB0]  }
0x3e5: {  	v19 =	vld [tilespmem:$0x1FED0]  }
0x3e6: {  	v28 =	vld [tilespmem:$0x1FEF0]  }
0x3e7: {  	v23 =	vld [tilespmem:$0x1FF10]  }
.Ltmp11:
0x3e8: {  	v27 =	vld [tilespmem:$0x1FF50];
	(pc) =	sbr.rel .LBB2_2-.Ltmp11, $4  }
0x3e9: {  	s0 =	sshll.u32 s29, $0x9;
	v31 =	vld [tilespmem:$0x1FF90]  }
0x3ea: {  	v32 =	vld [tilespmem:$0x1FFB0];
	s0 =	sand.u32 $0x3FFFFE00, s0  }
0x3eb: {  	s29 =	sadd.s32 $0x1, s29;
	v3 =	vld [tilespmem:$0x1FFD0];
	s0 =	sadd.s32 $0x380, s0  }
0x3ec: {  	v13 =	vmov v9;
	v6 =	vld [tilespmem:$0x1FFE0];
	[tilespmem:s18], [sflag:$0x4] =	stream.indirect.gather [hbm4b:s5+s9], $0x80, s0, s9, $0xb8  }
.LBB2_21:
0x3ed: {  	_ =	sfence.sel $0x180000  }
0x3ee: {  	[bflag:$0x0] =	sbarrier.arrive $0xFFFF  }
0x3ef: {  	_ =	strace $0x90000047  }
0x3f0: {  	s0 =	stileid.u32;
	[bflag:$0x2] =	sbarrier.arrive $0xFFFF  }
0x3f1: {  	p0 =	sne.s32 s0, $0x0;
	s0 =	rddreg [dreg:$0x2]  }
0x3f2: {  	s0 =	sadd.s32 @!p0 $0x100000, s0  }
0x3f3: {  	[sflag:s0] =	ssyncadd.tile.s32 @!p0 $0x1;
	_ =	shalt  }
.Lfunc_end2:
_tile_overlayer_lowered:
.L_overlay_start_2:
0x3f4: {  	(tag) =	ssettag $0x2  }
0x3f5: {  	s0 =	rddreg [dreg:$0x0];
	s2 =	stileid.u32  }
0x3f6: {  	s1 =	rddreg [dreg:$0x1];
	p0 =	sne.s32 s2, $0x0  }
0x3f7: {  	s3 =	rddreg [dreg:$0x2];
	[bflag:$0x3] =	sbarrier.arrive $0xFFFF;
	s2 =	simm.s32 @!p0 $0x1C07  }
0x3f8: {  	[timem:s3], [sflag:s2] =	dma.local @!p0 [hbm:s0], s1  }
0x3f9: {  	s0 =	simm.s32 @!p0 $0x7  }
0x3fa: {  	_ =	swait.ge @!p0 [sflag:s0], s1  }
0x3fb: {  	s1 =	ssub.s32 @!p0 $0x0, s1;
	[sflag:s0] =	ssyncset.done @!p0 $0x0  }
0x3fc: {  	[sflag:s0] =	ssyncadd.s32 @!p0 s1  }
0x3fd: {  	[bflag:$0x3] =	sbarrier.arrive $0xFFFF  }
0x3fe: {  	_ =	shalt  }

</sc_bundles>
